<compile_context>
chip_gen: v7x
topology: tpu7x:2x2x1
jax: 0.10.2.dev20260603
libtpu: 0.0.44.dev20260713+nightly
codegen_flags: <defaults>
</compile_context>

<pallas_src>
import dataclasses
import functools

import jax
import jax.numpy as jnp
from jax import lax
from jax.experimental import pallas as pl
from jax.experimental.pallas import tpu as pltpu
from jax.experimental.pallas import tpu_sc as plsc

N = 100000
E = 1600000
B = 512
NPAD = 102400
EPT = E // 16
CHUNK = 2000
KB = 128
SEG = 544

_mesh = plsc.VectorSubcoreMesh(core_axis_name="c", subcore_axis_name="s")


def _sc_params():
    cp = pltpu.CompilerParams(use_tc_tiling_on_sc=False)
    if "needs_layout_passes" in pltpu.CompilerParams.__dataclass_fields__:
        cp = dataclasses.replace(cp, needs_layout_passes=False)
    return cp


def _make_agg(F, R, SWEEPS):
    RPT = R // 16
    ZR = 160
    NCH = EPT // CHUNK
    NIT = CHUNK // 16

    def body(feat, src, dst, zsrc, agg, schunk, dchunk, srcbuf, dstbuf,
             dstbatch, rows_v, zbuf, acc):
        cid = lax.axis_index("c")
        sid = lax.axis_index("s")
        e0 = sid * EPT
        pltpu.sync_copy(zsrc, zbuf)

        def drain(cnt):
            for k in range(KB // 16):
                dstbatch[pl.ds(k * 16, 16)] = dstbuf[pl.ds(k * 16, 16)]
            pltpu.sync_copy(feat.at[srcbuf.at[pl.ds(0, KB)]], rows_v)
            pltpu.sync_copy(rows_v, acc.at[dstbatch], add=True)
            srcbuf[pl.ds(0, 16)] = srcbuf[pl.ds(KB, 16)]
            dstbuf[pl.ds(0, 16)] = dstbuf[pl.ds(KB, 16)]
            return cnt - KB

        @pl.loop(0, SWEEPS)
        def sweep_body(sw):
            lo = (2 * sw + cid) * R
            hi = lo + R
            @pl.loop(0, RPT // ZR)
            def _(z):
                pltpu.sync_copy(zbuf, acc.at[pl.ds(sid * RPT + z * ZR, ZR)])
            plsc.subcore_barrier()

            def chunk_body(ch, cnt):
                pltpu.sync_copy(src.at[pl.ds(e0 + ch * CHUNK, CHUNK)], schunk)
                pltpu.sync_copy(dst.at[pl.ds(e0 + ch * CHUNK, CHUNK)], dchunk)

                def step(i, cnt):
                    dv = dchunk[pl.ds(i * 16, 16)]
                    sv = schunk[pl.ds(i * 16, 16)]
                    m = (dv >= lo) & (dv < hi)
                    plsc.store_compressed(srcbuf.at[pl.ds(cnt, 16)], sv, mask=m)
                    plsc.store_compressed(dstbuf.at[pl.ds(cnt, 16)], dv - lo, mask=m)
                    cnt = cnt + jnp.max(plsc.all_reduce_population_count(m))
                    return lax.cond(cnt >= KB, drain, lambda c: c, cnt)

                return lax.fori_loop(0, NIT, step, cnt)

            cnt = lax.fori_loop(0, NCH, chunk_body, jnp.int32(0))
            zi = jnp.zeros((16,), jnp.int32)
            ri = jnp.full((16,), R, jnp.int32)
            for k in range(9):
                srcbuf[pl.ds(cnt + k * 16, 16)] = zi
                dstbuf[pl.ds(cnt + k * 16, 16)] = ri
            drain(cnt)
            plsc.subcore_barrier()
            pltpu.sync_copy(acc.at[pl.ds(sid * RPT, RPT)],
                            agg.at[pl.ds(lo + sid * RPT, RPT)])

    return pl.kernel(
        body,
        out_type=jax.ShapeDtypeStruct((NPAD, F), jnp.float32),
        mesh=_mesh,
        compiler_params=_sc_params(),
        scratch_types=[
            pltpu.VMEM((CHUNK,), jnp.int32),
            pltpu.VMEM((CHUNK,), jnp.int32),
            pltpu.VMEM((304,), jnp.int32),
            pltpu.VMEM((304,), jnp.int32),
            pltpu.VMEM((KB,), jnp.int32),
            pltpu.VMEM((KB, F), jnp.float32),
            pltpu.VMEM((ZR, F), jnp.float32),
            pltpu.VMEM_SHARED((R + 8, F), jnp.float32),
        ],
    )


def _make_pool(F):
    RPC = NPAD // 2
    RPT = RPC // 16
    NCH = RPT // KB

    def body(feat, batchp, zsrc, out, fchunk, bbatch, zbuf, acc):
        cid = lax.axis_index("c")
        sid = lax.axis_index("s")
        pltpu.sync_copy(zsrc, zbuf)
        pltpu.sync_copy(zbuf, acc.at[pl.ds(sid * (SEG // 16), SEG // 16)])
        plsc.subcore_barrier()
        row0 = cid * RPC + sid * RPT

        @pl.loop(0, NCH)
        def _(ch):
            pltpu.sync_copy(feat.at[pl.ds(row0 + ch * KB, KB)], fchunk)
            pltpu.sync_copy(batchp.at[pl.ds(row0 + ch * KB, KB)], bbatch)
            pltpu.sync_copy(fchunk, acc.at[bbatch], add=True)

        plsc.subcore_barrier()
        pltpu.sync_copy(acc.at[pl.ds(sid * 32, 32)],
                        out.at[pl.ds(cid * 512 + sid * 32, 32)])

    return pl.kernel(
        body,
        out_type=jax.ShapeDtypeStruct((1024, F), jnp.float32),
        mesh=_mesh,
        compiler_params=_sc_params(),
        scratch_types=[
            pltpu.VMEM((KB, F), jnp.float32),
            pltpu.VMEM((KB,), jnp.int32),
            pltpu.VMEM((SEG // 16, F), jnp.float32),
            pltpu.VMEM_SHARED((SEG, F), jnp.float32),
        ],
    )


def _mlp_body(e_ref, h_ref, a_ref, wa_ref, ba_ref, wb_ref, bb_ref, o_ref):
    t = (1.0 + e_ref[0, 0]) * h_ref[...] + a_ref[...]
    u = jnp.maximum(
        jnp.dot(t, wa_ref[...], preferred_element_type=jnp.float32)
        + ba_ref[...], 0.0)
    o_ref[...] = (jnp.dot(u, wb_ref[...], preferred_element_type=jnp.float32)
                  + bb_ref[...])


def _mlp(eps, h, agg, Wa, ba, Wb, bb):
    F = h.shape[1]
    TR = 512
    grid = (NPAD // TR,)
    return pl.pallas_call(
        _mlp_body,
        grid=grid,
        in_specs=[
            pl.BlockSpec(memory_space=pltpu.SMEM),
            pl.BlockSpec((TR, F), lambda i: (i, 0)),
            pl.BlockSpec((TR, F), lambda i: (i, 0)),
            pl.BlockSpec((F, 128), lambda i: (0, 0)),
            pl.BlockSpec((1, 128), lambda i: (0, 0)),
            pl.BlockSpec((128, 128), lambda i: (0, 0)),
            pl.BlockSpec((1, 128), lambda i: (0, 0)),
        ],
        out_specs=pl.BlockSpec((TR, 128), lambda i: (i, 0)),
        out_shape=jax.ShapeDtypeStruct((NPAD, 128), jnp.float32),
    )(eps, h, agg, Wa, ba, Wb, bb)


def _head_body(p48_ref, pa_ref, pb_ref, w1_ref, b1_ref, g_ref, be_ref,
               w2_ref, b2_ref, o_ref):
    pool = jnp.concatenate(
        [p48_ref[:512] + p48_ref[512:],
         pa_ref[:512] + pa_ref[512:],
         pb_ref[:512] + pb_ref[512:]], axis=1)
    h = jnp.dot(pool, w1_ref[...], preferred_element_type=jnp.float32) + b1_ref[...]
    mu = jnp.mean(h, axis=-1, keepdims=True)
    var = jnp.mean((h - mu) ** 2, axis=-1, keepdims=True)
    h = (h - mu) * jax.lax.rsqrt(var + 1e-5) * g_ref[...] + be_ref[...]
    h = jnp.where(h >= 0, h, 0.01 * h)
    o_ref[...] = (jnp.dot(h, w2_ref[...], preferred_element_type=jnp.float32)
                  + b2_ref[...])


def _head(p48, pa, pb, Wc1p, bc1, g, beta, Wc2, bc2):
    return pl.pallas_call(
        _head_body,
        out_shape=jax.ShapeDtypeStruct((B, Wc2.shape[1]), jnp.float32),
    )(p48, pa, pb, Wc1p, bc1, g, beta, Wc2, bc2)


_agg48 = _make_agg(48, 25600, 2)
_agg128 = _make_agg(128, 10240, 5)
_pool48 = _make_pool(48)
_pool128 = _make_pool(128)


def kernel(x, edge_index, batch, W1a, b1a, W1b, b1b, W2a, b2a, W2b, b2b,
           eps1, eps2, Wc1, bc1, g, beta, Wc2, bc2):
    f32 = jnp.float32
    x48 = jnp.pad(x, ((0, NPAD - N), (0, 2)))
    src = edge_index[0]
    dst = edge_index[1]
    batchp = jnp.concatenate(
        [batch, jnp.full((NPAD - N,), B, jnp.int32)])
    z48 = jnp.zeros((160, 48), f32)
    z128 = jnp.zeros((160, 128), f32)
    zp48 = jnp.zeros((SEG // 16, 48), f32)
    zp128 = jnp.zeros((SEG // 16, 128), f32)

    W1ap = jnp.pad(W1a, ((0, 2), (0, 0)))
    Wc1p = jnp.concatenate([Wc1[:46], jnp.zeros((2, 64), f32), Wc1[46:]])

    e1 = eps1.reshape(1, 1)
    e2 = eps2.reshape(1, 1)

    agg1 = _agg48(x48, src, dst, z48)
    h1 = _mlp(e1, x48, agg1, W1ap, b1a.reshape(1, -1), W1b, b1b.reshape(1, -1))
    agg2 = _agg128(h1, src, dst, z128)
    h2 = _mlp(e2, h1, agg2, W2a, b2a.reshape(1, -1), W2b, b2b.reshape(1, -1))

    p48 = _pool48(x48, batchp, zp48)
    pa = _pool128(h1, batchp, zp128)
    pb = _pool128(h2, batchp, zp128)

    return _head(p48, pa, pb, Wc1p, bc1.reshape(1, -1), g.reshape(1, -1),
                 beta.reshape(1, -1), Wc2, bc2.reshape(1, -1))

# --- scband reference (transcript-rebuilt; emitter-appended) ---
"""Pipeline reference for scband-prediction-gin-59433757442363 (READ-ONLY COPY).

The authoritative reference and input builder live on the scoring server;
editing this copy changes nothing except your own understanding.
"""

import jax, jax.numpy as jnp
import numpy as np

N = 100000
E = 1600000
B = 512
IN = 46
H = 128
NT = 12


def setup_inputs(seed: int = 0) -> dict:
    key = jax.random.key(seed)
    ks = jax.random.split(key, 16)
    x = jax.random.normal(ks[0], (N, IN), dtype=jnp.float32)
    edge_index = jax.random.randint(ks[1], (2, E), 0, N, dtype=jnp.int32)
    batch = jnp.sort(jax.random.randint(ks[2], (N,), 0, B, dtype=jnp.int32))
    s = lambda i, shp: (jax.random.normal(ks[i], shp, dtype=jnp.float32) * 0.05)
    return {
        "x": x, "edge_index": edge_index, "batch": batch,
        "W1a": s(3, (IN, H)), "b1a": jnp.zeros((H,), jnp.float32),
        "W1b": s(4, (H, H)), "b1b": jnp.zeros((H,), jnp.float32),
        "W2a": s(5, (H, H)), "b2a": jnp.zeros((H,), jnp.float32),
        "W2b": s(6, (H, H)), "b2b": jnp.zeros((H,), jnp.float32),
        "eps1": jnp.zeros((), jnp.float32), "eps2": jnp.zeros((), jnp.float32),
        "Wc1": s(7, (IN + 2 * H, 64)), "bc1": jnp.zeros((64,), jnp.float32),
        "g": jnp.ones((64,), jnp.float32), "beta": jnp.zeros((64,), jnp.float32),
        "Wc2": s(8, (64, 2 * NT)), "bc2": jnp.zeros((2 * NT,), jnp.float32),
    }


def _gin_conv(h, src, dst, eps, Wa, ba, Wb, bb):
    # GINConv: MLP((1+eps)*h + sum_{j in N(i)} h_j)
    agg = jnp.zeros_like(h).at[dst].add(h[src])
    out = (1.0 + eps) * h + agg
    out = jax.nn.relu(out @ Wa + ba)
    return out @ Wb + bb


def reference(x, edge_index, batch, W1a, b1a, W1b, b1b, W2a, b2a, W2b, b2b,
              eps1, eps2, Wc1, bc1, g, beta, Wc2, bc2):
    src, dst = edge_index[0], edge_index[1]
    # Encoder(46, 128, 2): two GIN layers with jumping-knowledge concat -> 46+128+128=302
    h1 = _gin_conv(x, src, dst, eps1, W1a, b1a, W1b, b1b)
    h2 = _gin_conv(h1, src, dst, eps2, W2a, b2a, W2b, b2b)
    z = jnp.concatenate([x, h1, h2], axis=-1)
    # global_add_pool over graphs
    pool = jax.ops.segment_sum(z, batch, num_segments=B)
    # classifier: Linear(302,64) -> LayerNorm(64) -> LeakyReLU -> Dropout(eval=identity) -> Linear(64, 2*n_tasks)
    h = pool @ Wc1 + bc1
    mu = jnp.mean(h, axis=-1, keepdims=True)
    var = jnp.var(h, axis=-1, keepdims=True)
    h = (h - mu) / jnp.sqrt(var + 1e-5) * g + beta
    h = jnp.where(h >= 0, h, 0.01 * h)
    return h @ Wc2 + bc2

if __name__ == "__main__":
    import jax
    _d = setup_inputs()
    print(jax.jit(kernel)(*tuple(_d.values())))

</pallas_src>

<mosaic_0001>
#map = affine_map<(d0, d1) -> (0, 0)>
#map1 = affine_map<(d0, d1) -> (0)>
module attributes {stable_mosaic.version = 14 : i64} {
  func.func @body(%arg0: i32, %arg1: i32, %arg2: memref<102400x48xf32, #tpu.memory_space<hbm>>, %arg3: memref<1600000xi32, #tpu.memory_space<hbm>>, %arg4: memref<1600000xi32, #tpu.memory_space<hbm>>, %arg5: memref<160x48xf32, #tpu.memory_space<hbm>>, %arg6: memref<102400x48xf32, #tpu.memory_space<hbm>>, %arg7: memref<2000xi32, #tpu.memory_space<vmem>>, %arg8: memref<2000xi32, #tpu.memory_space<vmem>>, %arg9: memref<304xi32, #tpu.memory_space<vmem>>, %arg10: memref<304xi32, #tpu.memory_space<vmem>>, %arg11: memref<128xi32, #tpu.memory_space<vmem>>, %arg12: memref<128x48xf32, #tpu.memory_space<vmem>>, %arg13: memref<160x48xf32, #tpu.memory_space<vmem>>, %arg14: memref<25608x48xf32, #tpu.memory_space<vmem_shared>>) attributes {dimension_semantics = [#tpu.dimension_semantics<core_parallel>, #tpu.dimension_semantics<subcore_parallel>], iteration_bounds = array<i64: 2, 16>, scalar_prefetch = 0 : i64, scratch_operands = 8 : i64, tpu.core_type = #tpu.core_type<sc_vector_subcore>, window_params = [{transform_indices = #map}, {transform_indices = #map1}, {transform_indices = #map1}, {transform_indices = #map}, {transform_indices = #map}]} {
    %mul3A = arith.constant 100000 : i32
    %mul3A_0 = arith.muli %arg1, %mul3A : i32
    "tpu.region"() ({
      %run_scoped3A = tpu.sem_alloc : memref<!tpu.dma_semaphore, #tpu.memory_space<semaphore_mem>>
      tpu.enqueue_dma source(%arg5 : memref<160x48xf32, #tpu.memory_space<hbm>>) target(%arg13 : memref<160x48xf32, #tpu.memory_space<vmem>>) target_semaphore(%run_scoped3A : memref<!tpu.dma_semaphore, #tpu.memory_space<semaphore_mem>>)
      tpu.wait_dma2 semaphore(%run_scoped3A : memref<!tpu.dma_semaphore, #tpu.memory_space<semaphore_mem>>) src(%arg5 : memref<160x48xf32, #tpu.memory_space<hbm>>) dst(%arg13 : memref<160x48xf32, #tpu.memory_space<vmem>>)
      tpu.yield
    }) : () -> ()
    %scan3A = arith.constant 0 : i32
    %scan3A_1 = arith.constant 2 : i32
    %scan3A_2 = arith.addi %scan3A, %scan3A_1 : i32
    %scan3A_3 = arith.constant 1 : i32
    scf.for %scan3A_5 = %scan3A to %scan3A_2 step %scan3A_3  : i32 {
      %mul3A_6 = arith.constant 1 : i32
      %mul3A_7 = arith.muli %scan3A_5, %mul3A_6 : i32
      %add3A = arith.constant 0 : i32
      %add3A_8 = arith.addi %add3A, %mul3A_7 : i32
      %mul3A_9 = arith.constant 2 : i32
      %mul3A_10 = arith.muli %mul3A_9, %add3A_8 : i32
      %add3A_11 = arith.addi %mul3A_10, %arg0 : i32
      %mul3A_12 = arith.constant 25600 : i32
      %mul3A_13 = arith.muli %add3A_11, %mul3A_12 : i32
      %add3A_14 = arith.constant 25600 : i32
      %add3A_15 = arith.addi %mul3A_13, %add3A_14 : i32
      %scan3A_16 = arith.constant 0 : i32
      %scan3A_17 = arith.constant 10 : i32
      %scan3A_18 = arith.addi %scan3A_16, %scan3A_17 : i32
      %scan3A_19 = arith.constant 1 : i32
      scf.for %scan3A_148 = %scan3A_16 to %scan3A_18 step %scan3A_19  : i32 {
        %mul3A_149 = arith.constant 1 : i32
        %mul3A_150 = arith.muli %scan3A_148, %mul3A_149 : i32
        %add3A_151 = arith.constant 0 : i32
        %add3A_152 = arith.addi %add3A_151, %mul3A_150 : i32
        %mul3A_153 = arith.constant 1600 : i32
        %mul3A_154 = arith.muli %arg1, %mul3A_153 : i32
        %mul3A_155 = arith.constant 160 : i32
        %mul3A_156 = arith.muli %add3A_152, %mul3A_155 : i32
        %add3A_157 = arith.addi %mul3A_154, %mul3A_156 : i32
        "tpu.region"() ({
          %run_scoped3A = tpu.sem_alloc : memref<!tpu.dma_semaphore, #tpu.memory_space<semaphore_mem>>
          %dma_start3A = arith.constant 0 : i32
          %dma_start3A_158 = tpu.memref_slice %arg14[%add3A_157, %dma_start3A] : memref<25608x48xf32, #tpu.memory_space<vmem_shared>> -> memref<160x48xf32, #tpu.memory_space<vmem_shared>>
          %dma_start3A_159 = arith.constant 0 : i32
          %dma_start3A_160 = tpu.memref_slice %arg14[%add3A_157, %dma_start3A_159] : memref<25608x48xf32, #tpu.memory_space<vmem_shared>> -> memref<160x48xf32, #tpu.memory_space<vmem_shared>>
          tpu.enqueue_dma source(%arg13 : memref<160x48xf32, #tpu.memory_space<vmem>>) target(%dma_start3A_160 : memref<160x48xf32, #tpu.memory_space<vmem_shared>>) target_semaphore(%run_scoped3A : memref<!tpu.dma_semaphore, #tpu.memory_space<semaphore_mem>>)
          %dma_wait3A = arith.constant 0 : i32
          %dma_wait3A_161 = tpu.memref_slice %arg14[%add3A_157, %dma_wait3A] : memref<25608x48xf32, #tpu.memory_space<vmem_shared>> -> memref<160x48xf32, #tpu.memory_space<vmem_shared>>
          %dma_wait3A_162 = arith.constant 0 : i32
          %dma_wait3A_163 = tpu.memref_slice %arg14[%add3A_157, %dma_wait3A_162] : memref<25608x48xf32, #tpu.memory_space<vmem_shared>> -> memref<160x48xf32, #tpu.memory_space<vmem_shared>>
          tpu.wait_dma2 semaphore(%run_scoped3A : memref<!tpu.dma_semaphore, #tpu.memory_space<semaphore_mem>>) src(%arg13 : memref<160x48xf32, #tpu.memory_space<vmem>>) dst(%dma_wait3A_163 : memref<160x48xf32, #tpu.memory_space<vmem_shared>>)
          tpu.yield
        }) : () -> ()
      }
      %scan3A_20 = arith.constant 10 : i32
      %barrier3A = arith.constant 0 : index
      tpu.barrier barrier_id(%barrier3A)
      %scan3A_21 = arith.constant 0 : i32
      %scan3A_22 = arith.constant 0 : i32
      %scan3A_23 = arith.constant 50 : i32
      %scan3A_24 = arith.addi %scan3A_22, %scan3A_23 : i32
      %scan3A_25 = arith.constant 1 : i32
      %scan3A_26 = scf.for %scan3A_148 = %scan3A_22 to %scan3A_24 step %scan3A_25 iter_args(%scan3A_149 = %scan3A_21) -> (i32)  : i32 {
        %mul3A_150 = arith.constant 2000 : i32
        %mul3A_151 = arith.muli %scan3A_148, %mul3A_150 : i32
        %add3A_152 = arith.addi %mul3A_0, %mul3A_151 : i32
        "tpu.region"() ({
          %run_scoped3A = tpu.sem_alloc : memref<!tpu.dma_semaphore, #tpu.memory_space<semaphore_mem>>
          %dma_start3A = tpu.memref_slice %arg3[%add3A_152] : memref<1600000xi32, #tpu.memory_space<hbm>> -> memref<2000xi32, #tpu.memory_space<hbm>>
          %dma_start3A_162 = tpu.memref_slice %arg3[%add3A_152] : memref<1600000xi32, #tpu.memory_space<hbm>> -> memref<2000xi32, #tpu.memory_space<hbm>>
          tpu.enqueue_dma source(%dma_start3A_162 : memref<2000xi32, #tpu.memory_space<hbm>>) target(%arg7 : memref<2000xi32, #tpu.memory_space<vmem>>) target_semaphore(%run_scoped3A : memref<!tpu.dma_semaphore, #tpu.memory_space<semaphore_mem>>)
          %dma_wait3A = tpu.memref_slice %arg3[%add3A_152] : memref<1600000xi32, #tpu.memory_space<hbm>> -> memref<2000xi32, #tpu.memory_space<hbm>>
          %dma_wait3A_163 = tpu.memref_slice %arg3[%add3A_152] : memref<1600000xi32, #tpu.memory_space<hbm>> -> memref<2000xi32, #tpu.memory_space<hbm>>
          tpu.wait_dma2 semaphore(%run_scoped3A : memref<!tpu.dma_semaphore, #tpu.memory_space<semaphore_mem>>) src(%dma_wait3A_163 : memref<2000xi32, #tpu.memory_space<hbm>>) dst(%arg7 : memref<2000xi32, #tpu.memory_space<vmem>>)
          tpu.yield
        }) : () -> ()
        %mul3A_153 = arith.constant 2000 : i32
        %mul3A_154 = arith.muli %scan3A_148, %mul3A_153 : i32
        %add3A_155 = arith.addi %mul3A_0, %mul3A_154 : i32
        "tpu.region"() ({
          %run_scoped3A = tpu.sem_alloc : memref<!tpu.dma_semaphore, #tpu.memory_space<semaphore_mem>>
          %dma_start3A = tpu.memref_slice %arg4[%add3A_155] : memref<1600000xi32, #tpu.memory_space<hbm>> -> memref<2000xi32, #tpu.memory_space<hbm>>
          %dma_start3A_162 = tpu.memref_slice %arg4[%add3A_155] : memref<1600000xi32, #tpu.memory_space<hbm>> -> memref<2000xi32, #tpu.memory_space<hbm>>
          tpu.enqueue_dma source(%dma_start3A_162 : memref<2000xi32, #tpu.memory_space<hbm>>) target(%arg8 : memref<2000xi32, #tpu.memory_space<vmem>>) target_semaphore(%run_scoped3A : memref<!tpu.dma_semaphore, #tpu.memory_space<semaphore_mem>>)
          %dma_wait3A = tpu.memref_slice %arg4[%add3A_155] : memref<1600000xi32, #tpu.memory_space<hbm>> -> memref<2000xi32, #tpu.memory_space<hbm>>
          %dma_wait3A_163 = tpu.memref_slice %arg4[%add3A_155] : memref<1600000xi32, #tpu.memory_space<hbm>> -> memref<2000xi32, #tpu.memory_space<hbm>>
          tpu.wait_dma2 semaphore(%run_scoped3A : memref<!tpu.dma_semaphore, #tpu.memory_space<semaphore_mem>>) src(%dma_wait3A_163 : memref<2000xi32, #tpu.memory_space<hbm>>) dst(%arg8 : memref<2000xi32, #tpu.memory_space<vmem>>)
          tpu.yield
        }) : () -> ()
        %scan3A_156 = arith.constant 0 : i32
        %scan3A_157 = arith.constant 125 : i32
        %scan3A_158 = arith.addi %scan3A_156, %scan3A_157 : i32
        %scan3A_159 = arith.constant 1 : i32
        %scan3A_160 = scf.for %scan3A_162 = %scan3A_156 to %scan3A_158 step %scan3A_159 iter_args(%scan3A_163 = %scan3A_149) -> (i32)  : i32 {
          %mul3A_164 = arith.constant 16 : i32
          %mul3A_165 = arith.muli %scan3A_162, %mul3A_164 : i32
          %get3A_166 = arith.index_cast %mul3A_165 : i32 to index
          %get3A_167 = tpu.vector_load %arg8[%get3A_166] {strides = array<i32>} : memref<2000xi32, #tpu.memory_space<vmem>>, vector<16xi32>,
          %mul3A_168 = arith.constant 16 : i32
          %mul3A_169 = arith.muli %scan3A_162, %mul3A_168 : i32
          %get3A_170 = arith.index_cast %mul3A_169 : i32 to index
          %get3A_171 = tpu.vector_load %arg7[%get3A_170] {strides = array<i32>} : memref<2000xi32, #tpu.memory_space<vmem>>, vector<16xi32>,
          %ge3A = vector.broadcast %mul3A_13 : i32 to vector<16xi32>
          %ge3A_172 = arith.cmpi sge, %get3A_167, %ge3A : vector<16xi32>
          %lt3A = vector.broadcast %add3A_15 : i32 to vector<16xi32>
          %lt3A_173 = arith.cmpi slt, %get3A_167, %lt3A : vector<16xi32>
          %and3A = arith.andi %ge3A_172, %lt3A_173 : vector<16xi1>
          %swap3A_174 = arith.index_cast %scan3A_163 : i32 to index
          %swap3A_175 = tpu.vector_load %arg9[%swap3A_174] masked %and3A {strides = array<i32>} : memref<304xi32, #tpu.memory_space<vmem>>, vector<16xi32>, vector<16xi1>
          tpu.vector_store %arg9[%swap3A_174], %get3A_171 masked %and3A {strides = array<i32>} : memref<304xi32, #tpu.memory_space<vmem>>, vector<16xi32>, vector<16xi1>
          %sub3A_176 = vector.broadcast %mul3A_13 : i32 to vector<16xi32>
          %sub3A_177 = arith.subi %get3A_167, %sub3A_176 : vector<16xi32>
          %swap3A_178 = arith.index_cast %scan3A_163 : i32 to index
          %swap3A_179 = tpu.vector_load %arg10[%swap3A_178] masked %and3A {strides = array<i32>} : memref<304xi32, #tpu.memory_space<vmem>>, vector<16xi32>, vector<16xi1>
          tpu.vector_store %arg10[%swap3A_178], %sub3A_177 masked %and3A {strides = array<i32>} : memref<304xi32, #tpu.memory_space<vmem>>, vector<16xi32>, vector<16xi1>
          %all_reduce_population_count3A = tpu.all_reduce %and3A {dim = 0 : i64, kind = #tpu.reduction_kind<sum>} : vector<16xi1> -> vector<16xi32>
          %reduce_max3A = arith.constant true
          %reduce_max3A_180 = vector.broadcast %reduce_max3A : i1 to vector<16xi1>
          %reduce_max3A_181 = arith.constant -2147483648 : i32
          %reduce_max3A_182 = vector.broadcast %reduce_max3A_181 : i32 to vector<16xi32>
          %reduce_max3A_183 = arith.xori %all_reduce_population_count3A, %reduce_max3A_182 : vector<16xi32>
          %reduce_max3A_184 = tpu.scan <max>, %reduce_max3A_183 masked %reduce_max3A_180 : vector<16xi32>, vector<16xi1> -> vector<16xi32>
          %reduce_max3A_185 = arith.xori %reduce_max3A_184, %reduce_max3A_182 : vector<16xi32>
          %reduce_max3A_186 = vector.extract %reduce_max3A_185[15] : i32 from vector<16xi32>
          %add3A_187 = arith.addi %scan3A_163, %reduce_max3A_186 : i32
          %ge3A_188 = arith.constant 128 : i32
          %ge3A_189 = arith.cmpi sge, %add3A_187, %ge3A_188 : i32
          %convert_element_type3A = arith.extui %ge3A_189 : i1 to i32
          %cond3A = arith.constant 0 : i32
          %cond3A_190 = arith.cmpi ne, %convert_element_type3A, %cond3A : i32
          %cond3A_191 = scf.if %cond3A_190 -> (i32) {
            %get3A_192 = arith.constant 0 : index
            %get3A_193 = tpu.vector_load %arg10[%get3A_192] {strides = array<i32>} : memref<304xi32, #tpu.memory_space<vmem>>, vector<16xi32>,
            %swap3A_194 = arith.constant 0 : index
            %swap3A_195 = tpu.vector_load %arg11[%swap3A_194] {strides = array<i32>} : memref<128xi32, #tpu.memory_space<vmem>>, vector<16xi32>,
            tpu.vector_store %arg11[%swap3A_194], %get3A_193 {strides = array<i32>} : memref<128xi32, #tpu.memory_space<vmem>>, vector<16xi32>,
            %get3A_196 = arith.constant 16 : index
            %get3A_197 = tpu.vector_load %arg10[%get3A_196] {strides = array<i32>} : memref<304xi32, #tpu.memory_space<vmem>>, vector<16xi32>,
            %swap3A_198 = arith.constant 16 : index
            %swap3A_199 = tpu.vector_load %arg11[%swap3A_198] {strides = array<i32>} : memref<128xi32, #tpu.memory_space<vmem>>, vector<16xi32>,
            tpu.vector_store %arg11[%swap3A_198], %get3A_197 {strides = array<i32>} : memref<128xi32, #tpu.memory_space<vmem>>, vector<16xi32>,
            %get3A_200 = arith.constant 32 : index
            %get3A_201 = tpu.vector_load %arg10[%get3A_200] {strides = array<i32>} : memref<304xi32, #tpu.memory_space<vmem>>, vector<16xi32>,
            %swap3A_202 = arith.constant 32 : index
            %swap3A_203 = tpu.vector_load %arg11[%swap3A_202] {strides = array<i32>} : memref<128xi32, #tpu.memory_space<vmem>>, vector<16xi32>,
            tpu.vector_store %arg11[%swap3A_202], %get3A_201 {strides = array<i32>} : memref<128xi32, #tpu.memory_space<vmem>>, vector<16xi32>,
            %get3A_204 = arith.constant 48 : index
            %get3A_205 = tpu.vector_load %arg10[%get3A_204] {strides = array<i32>} : memref<304xi32, #tpu.memory_space<vmem>>, vector<16xi32>,
            %swap3A_206 = arith.constant 48 : index
            %swap3A_207 = tpu.vector_load %arg11[%swap3A_206] {strides = array<i32>} : memref<128xi32, #tpu.memory_space<vmem>>, vector<16xi32>,
            tpu.vector_store %arg11[%swap3A_206], %get3A_205 {strides = array<i32>} : memref<128xi32, #tpu.memory_space<vmem>>, vector<16xi32>,
            %get3A_208 = arith.constant 64 : index
            %get3A_209 = tpu.vector_load %arg10[%get3A_208] {strides = array<i32>} : memref<304xi32, #tpu.memory_space<vmem>>, vector<16xi32>,
            %swap3A_210 = arith.constant 64 : index
            %swap3A_211 = tpu.vector_load %arg11[%swap3A_210] {strides = array<i32>} : memref<128xi32, #tpu.memory_space<vmem>>, vector<16xi32>,
            tpu.vector_store %arg11[%swap3A_210], %get3A_209 {strides = array<i32>} : memref<128xi32, #tpu.memory_space<vmem>>, vector<16xi32>,
            %get3A_212 = arith.constant 80 : index
            %get3A_213 = tpu.vector_load %arg10[%get3A_212] {strides = array<i32>} : memref<304xi32, #tpu.memory_space<vmem>>, vector<16xi32>,
            %swap3A_214 = arith.constant 80 : index
            %swap3A_215 = tpu.vector_load %arg11[%swap3A_214] {strides = array<i32>} : memref<128xi32, #tpu.memory_space<vmem>>, vector<16xi32>,
            tpu.vector_store %arg11[%swap3A_214], %get3A_213 {strides = array<i32>} : memref<128xi32, #tpu.memory_space<vmem>>, vector<16xi32>,
            %get3A_216 = arith.constant 96 : index
            %get3A_217 = tpu.vector_load %arg10[%get3A_216] {strides = array<i32>} : memref<304xi32, #tpu.memory_space<vmem>>, vector<16xi32>,
            %swap3A_218 = arith.constant 96 : index
            %swap3A_219 = tpu.vector_load %arg11[%swap3A_218] {strides = array<i32>} : memref<128xi32, #tpu.memory_space<vmem>>, vector<16xi32>,
            tpu.vector_store %arg11[%swap3A_218], %get3A_217 {strides = array<i32>} : memref<128xi32, #tpu.memory_space<vmem>>, vector<16xi32>,
            %get3A_220 = arith.constant 112 : index
            %get3A_221 = tpu.vector_load %arg10[%get3A_220] {strides = array<i32>} : memref<304xi32, #tpu.memory_space<vmem>>, vector<16xi32>,
            %swap3A_222 = arith.constant 112 : index
            %swap3A_223 = tpu.vector_load %arg11[%swap3A_222] {strides = array<i32>} : memref<128xi32, #tpu.memory_space<vmem>>, vector<16xi32>,
            tpu.vector_store %arg11[%swap3A_222], %get3A_221 {strides = array<i32>} : memref<128xi32, #tpu.memory_space<vmem>>, vector<16xi32>,
            "tpu.region"() ({
              %run_scoped3A = tpu.sem_alloc : memref<!tpu.dma_semaphore, #tpu.memory_space<semaphore_mem>>
              %dma_start3A = arith.constant 0 : i32
              %dma_start3A_234 = tpu.memref_slice %arg9[%dma_start3A] : memref<304xi32, #tpu.memory_space<vmem>> -> memref<128xi32, #tpu.memory_space<vmem>>
              %dma_start3A_235 = arith.constant 0 : i32
              %dma_start3A_236 = arith.constant 0 : i32
              %dma_start3A_237 = tpu.memref_slice %arg2[%dma_start3A_235, %dma_start3A_236] : memref<102400x48xf32, #tpu.memory_space<hbm>> -> memref<102400x48xf32, #tpu.memory_space<hbm>>
              tpu.enqueue_indirect_dma source(%dma_start3A_237 : memref<102400x48xf32, #tpu.memory_space<hbm>>) target(%arg12 : memref<128x48xf32, #tpu.memory_space<vmem>>) offsets(%dma_start3A_234 : memref<128xi32, #tpu.memory_space<vmem>>) semaphore(%run_scoped3A : memref<!tpu.dma_semaphore, #tpu.memory_space<semaphore_mem>>)
              %dma_wait3A = arith.constant 0 : i32
              %dma_wait3A_238 = tpu.memref_slice %arg9[%dma_wait3A] : memref<304xi32, #tpu.memory_space<vmem>> -> memref<128xi32, #tpu.memory_space<vmem>>
              %dma_wait3A_239 = arith.constant 0 : i32
              %dma_wait3A_240 = arith.constant 0 : i32
              %dma_wait3A_241 = tpu.memref_slice %arg2[%dma_wait3A_239, %dma_wait3A_240] : memref<102400x48xf32, #tpu.memory_space<hbm>> -> memref<102400x48xf32, #tpu.memory_space<hbm>>
              tpu.wait_indirect_dma semaphore(%run_scoped3A : memref<!tpu.dma_semaphore, #tpu.memory_space<semaphore_mem>>) src(%dma_wait3A_241 : memref<102400x48xf32, #tpu.memory_space<hbm>>) dst(%arg12 : memref<128x48xf32, #tpu.memory_space<vmem>>)
              tpu.yield
            }) : () -> ()
            "tpu.region"() ({
              %run_scoped3A = tpu.sem_alloc : memref<!tpu.dma_semaphore, #tpu.memory_space<semaphore_mem>>
              %dma_start3A = arith.constant 0 : i32
              %dma_start3A_234 = arith.constant 0 : i32
              %dma_start3A_235 = tpu.memref_slice %arg14[%dma_start3A, %dma_start3A_234] : memref<25608x48xf32, #tpu.memory_space<vmem_shared>> -> memref<25608x48xf32, #tpu.memory_space<vmem_shared>>
              tpu.enqueue_indirect_dma source(%arg12 : memref<128x48xf32, #tpu.memory_space<vmem>>) target(%dma_start3A_235 : memref<25608x48xf32, #tpu.memory_space<vmem_shared>>) offsets(%arg11 : memref<128xi32, #tpu.memory_space<vmem>>) semaphore(%run_scoped3A : memref<!tpu.dma_semaphore, #tpu.memory_space<semaphore_mem>>) {add = true}
              %dma_wait3A = arith.constant 0 : i32
              %dma_wait3A_236 = arith.constant 0 : i32
              %dma_wait3A_237 = tpu.memref_slice %arg14[%dma_wait3A, %dma_wait3A_236] : memref<25608x48xf32, #tpu.memory_space<vmem_shared>> -> memref<25608x48xf32, #tpu.memory_space<vmem_shared>>
              tpu.wait_indirect_dma semaphore(%run_scoped3A : memref<!tpu.dma_semaphore, #tpu.memory_space<semaphore_mem>>) src(%arg12 : memref<128x48xf32, #tpu.memory_space<vmem>>) dst(%dma_wait3A_237 : memref<25608x48xf32, #tpu.memory_space<vmem_shared>>)
              tpu.yield
            }) : () -> ()
            %get3A_224 = arith.constant 128 : index
            %get3A_225 = tpu.vector_load %arg9[%get3A_224] {strides = array<i32>} : memref<304xi32, #tpu.memory_space<vmem>>, vector<16xi32>,
            %swap3A_226 = arith.constant 0 : index
            %swap3A_227 = tpu.vector_load %arg9[%swap3A_226] {strides = array<i32>} : memref<304xi32, #tpu.memory_space<vmem>>, vector<16xi32>,
            tpu.vector_store %arg9[%swap3A_226], %get3A_225 {strides = array<i32>} : memref<304xi32, #tpu.memory_space<vmem>>, vector<16xi32>,
            %get3A_228 = arith.constant 128 : index
            %get3A_229 = tpu.vector_load %arg10[%get3A_228] {strides = array<i32>} : memref<304xi32, #tpu.memory_space<vmem>>, vector<16xi32>,
            %swap3A_230 = arith.constant 0 : index
            %swap3A_231 = tpu.vector_load %arg10[%swap3A_230] {strides = array<i32>} : memref<304xi32, #tpu.memory_space<vmem>>, vector<16xi32>,
            tpu.vector_store %arg10[%swap3A_230], %get3A_229 {strides = array<i32>} : memref<304xi32, #tpu.memory_space<vmem>>, vector<16xi32>,
            %sub3A_232 = arith.constant 128 : i32
            %sub3A_233 = arith.subi %add3A_187, %sub3A_232 : i32
            scf.yield %sub3A_233 : i32
          } else {
            scf.yield %add3A_187 : i32
          }
          scf.yield %cond3A_191 : i32
        }
        %scan3A_161 = arith.constant 125 : i32
        scf.yield %scan3A_160 : i32
      }
      %scan3A_27 = arith.constant 50 : i32
      %broadcast_in_dim3A = arith.constant 0 : i32
      %broadcast_in_dim3A_28 = vector.broadcast %broadcast_in_dim3A : i32 to vector<16xi32>
      %broadcast_in_dim3A_29 = arith.constant 25600 : i32
      %broadcast_in_dim3A_30 = vector.broadcast %broadcast_in_dim3A_29 : i32 to vector<16xi32>
      %add3A_31 = arith.constant 0 : i32
      %add3A_32 = arith.addi %scan3A_26, %add3A_31 : i32
      %swap3A = arith.index_cast %add3A_32 : i32 to index
      %swap3A_33 = tpu.vector_load %arg9[%swap3A] {strides = array<i32>} : memref<304xi32, #tpu.memory_space<vmem>>, vector<16xi32>,
      tpu.vector_store %arg9[%swap3A], %broadcast_in_dim3A_28 {strides = array<i32>} : memref<304xi32, #tpu.memory_space<vmem>>, vector<16xi32>,
      %add3A_34 = arith.constant 0 : i32
      %add3A_35 = arith.addi %scan3A_26, %add3A_34 : i32
      %swap3A_36 = arith.index_cast %add3A_35 : i32 to index
      %swap3A_37 = tpu.vector_load %arg10[%swap3A_36] {strides = array<i32>} : memref<304xi32, #tpu.memory_space<vmem>>, vector<16xi32>,
      tpu.vector_store %arg10[%swap3A_36], %broadcast_in_dim3A_30 {strides = array<i32>} : memref<304xi32, #tpu.memory_space<vmem>>, vector<16xi32>,
      %add3A_38 = arith.constant 16 : i32
      %add3A_39 = arith.addi %scan3A_26, %add3A_38 : i32
      %swap3A_40 = arith.index_cast %add3A_39 : i32 to index
      %swap3A_41 = tpu.vector_load %arg9[%swap3A_40] {strides = array<i32>} : memref<304xi32, #tpu.memory_space<vmem>>, vector<16xi32>,
      tpu.vector_store %arg9[%swap3A_40], %broadcast_in_dim3A_28 {strides = array<i32>} : memref<304xi32, #tpu.memory_space<vmem>>, vector<16xi32>,
      %add3A_42 = arith.constant 16 : i32
      %add3A_43 = arith.addi %scan3A_26, %add3A_42 : i32
      %swap3A_44 = arith.index_cast %add3A_43 : i32 to index
      %swap3A_45 = tpu.vector_load %arg10[%swap3A_44] {strides = array<i32>} : memref<304xi32, #tpu.memory_space<vmem>>, vector<16xi32>,
      tpu.vector_store %arg10[%swap3A_44], %broadcast_in_dim3A_30 {strides = array<i32>} : memref<304xi32, #tpu.memory_space<vmem>>, vector<16xi32>,
      %add3A_46 = arith.constant 32 : i32
      %add3A_47 = arith.addi %scan3A_26, %add3A_46 : i32
      %swap3A_48 = arith.index_cast %add3A_47 : i32 to index
      %swap3A_49 = tpu.vector_load %arg9[%swap3A_48] {strides = array<i32>} : memref<304xi32, #tpu.memory_space<vmem>>, vector<16xi32>,
      tpu.vector_store %arg9[%swap3A_48], %broadcast_in_dim3A_28 {strides = array<i32>} : memref<304xi32, #tpu.memory_space<vmem>>, vector<16xi32>,
      %add3A_50 = arith.constant 32 : i32
      %add3A_51 = arith.addi %scan3A_26, %add3A_50 : i32
      %swap3A_52 = arith.index_cast %add3A_51 : i32 to index
      %swap3A_53 = tpu.vector_load %arg10[%swap3A_52] {strides = array<i32>} : memref<304xi32, #tpu.memory_space<vmem>>, vector<16xi32>,
      tpu.vector_store %arg10[%swap3A_52], %broadcast_in_dim3A_30 {strides = array<i32>} : memref<304xi32, #tpu.memory_space<vmem>>, vector<16xi32>,
      %add3A_54 = arith.constant 48 : i32
      %add3A_55 = arith.addi %scan3A_26, %add3A_54 : i32
      %swap3A_56 = arith.index_cast %add3A_55 : i32 to index
      %swap3A_57 = tpu.vector_load %arg9[%swap3A_56] {strides = array<i32>} : memref<304xi32, #tpu.memory_space<vmem>>, vector<16xi32>,
      tpu.vector_store %arg9[%swap3A_56], %broadcast_in_dim3A_28 {strides = array<i32>} : memref<304xi32, #tpu.memory_space<vmem>>, vector<16xi32>,
      %add3A_58 = arith.constant 48 : i32
      %add3A_59 = arith.addi %scan3A_26, %add3A_58 : i32
      %swap3A_60 = arith.index_cast %add3A_59 : i32 to index
      %swap3A_61 = tpu.vector_load %arg10[%swap3A_60] {strides = array<i32>} : memref<304xi32, #tpu.memory_space<vmem>>, vector<16xi32>,
      tpu.vector_store %arg10[%swap3A_60], %broadcast_in_dim3A_30 {strides = array<i32>} : memref<304xi32, #tpu.memory_space<vmem>>, vector<16xi32>,
      %add3A_62 = arith.constant 64 : i32
      %add3A_63 = arith.addi %scan3A_26, %add3A_62 : i32
      %swap3A_64 = arith.index_cast %add3A_63 : i32 to index
      %swap3A_65 = tpu.vector_load %arg9[%swap3A_64] {strides = array<i32>} : memref<304xi32, #tpu.memory_space<vmem>>, vector<16xi32>,
      tpu.vector_store %arg9[%swap3A_64], %broadcast_in_dim3A_28 {strides = array<i32>} : memref<304xi32, #tpu.memory_space<vmem>>, vector<16xi32>,
      %add3A_66 = arith.constant 64 : i32
      %add3A_67 = arith.addi %scan3A_26, %add3A_66 : i32
      %swap3A_68 = arith.index_cast %add3A_67 : i32 to index
      %swap3A_69 = tpu.vector_load %arg10[%swap3A_68] {strides = array<i32>} : memref<304xi32, #tpu.memory_space<vmem>>, vector<16xi32>,
      tpu.vector_store %arg10[%swap3A_68], %broadcast_in_dim3A_30 {strides = array<i32>} : memref<304xi32, #tpu.memory_space<vmem>>, vector<16xi32>,
      %add3A_70 = arith.constant 80 : i32
      %add3A_71 = arith.addi %scan3A_26, %add3A_70 : i32
      %swap3A_72 = arith.index_cast %add3A_71 : i32 to index
      %swap3A_73 = tpu.vector_load %arg9[%swap3A_72] {strides = array<i32>} : memref<304xi32, #tpu.memory_space<vmem>>, vector<16xi32>,
      tpu.vector_store %arg9[%swap3A_72], %broadcast_in_dim3A_28 {strides = array<i32>} : memref<304xi32, #tpu.memory_space<vmem>>, vector<16xi32>,
      %add3A_74 = arith.constant 80 : i32
      %add3A_75 = arith.addi %scan3A_26, %add3A_74 : i32
      %swap3A_76 = arith.index_cast %add3A_75 : i32 to index
      %swap3A_77 = tpu.vector_load %arg10[%swap3A_76] {strides = array<i32>} : memref<304xi32, #tpu.memory_space<vmem>>, vector<16xi32>,
      tpu.vector_store %arg10[%swap3A_76], %broadcast_in_dim3A_30 {strides = array<i32>} : memref<304xi32, #tpu.memory_space<vmem>>, vector<16xi32>,
      %add3A_78 = arith.constant 96 : i32
      %add3A_79 = arith.addi %scan3A_26, %add3A_78 : i32
      %swap3A_80 = arith.index_cast %add3A_79 : i32 to index
      %swap3A_81 = tpu.vector_load %arg9[%swap3A_80] {strides = array<i32>} : memref<304xi32, #tpu.memory_space<vmem>>, vector<16xi32>,
      tpu.vector_store %arg9[%swap3A_80], %broadcast_in_dim3A_28 {strides = array<i32>} : memref<304xi32, #tpu.memory_space<vmem>>, vector<16xi32>,
      %add3A_82 = arith.constant 96 : i32
      %add3A_83 = arith.addi %scan3A_26, %add3A_82 : i32
      %swap3A_84 = arith.index_cast %add3A_83 : i32 to index
      %swap3A_85 = tpu.vector_load %arg10[%swap3A_84] {strides = array<i32>} : memref<304xi32, #tpu.memory_space<vmem>>, vector<16xi32>,
      tpu.vector_store %arg10[%swap3A_84], %broadcast_in_dim3A_30 {strides = array<i32>} : memref<304xi32, #tpu.memory_space<vmem>>, vector<16xi32>,
      %add3A_86 = arith.constant 112 : i32
      %add3A_87 = arith.addi %scan3A_26, %add3A_86 : i32
      %swap3A_88 = arith.index_cast %add3A_87 : i32 to index
      %swap3A_89 = tpu.vector_load %arg9[%swap3A_88] {strides = array<i32>} : memref<304xi32, #tpu.memory_space<vmem>>, vector<16xi32>,
      tpu.vector_store %arg9[%swap3A_88], %broadcast_in_dim3A_28 {strides = array<i32>} : memref<304xi32, #tpu.memory_space<vmem>>, vector<16xi32>,
      %add3A_90 = arith.constant 112 : i32
      %add3A_91 = arith.addi %scan3A_26, %add3A_90 : i32
      %swap3A_92 = arith.index_cast %add3A_91 : i32 to index
      %swap3A_93 = tpu.vector_load %arg10[%swap3A_92] {strides = array<i32>} : memref<304xi32, #tpu.memory_space<vmem>>, vector<16xi32>,
      tpu.vector_store %arg10[%swap3A_92], %broadcast_in_dim3A_30 {strides = array<i32>} : memref<304xi32, #tpu.memory_space<vmem>>, vector<16xi32>,
      %add3A_94 = arith.constant 128 : i32
      %add3A_95 = arith.addi %scan3A_26, %add3A_94 : i32
      %swap3A_96 = arith.index_cast %add3A_95 : i32 to index
      %swap3A_97 = tpu.vector_load %arg9[%swap3A_96] {strides = array<i32>} : memref<304xi32, #tpu.memory_space<vmem>>, vector<16xi32>,
      tpu.vector_store %arg9[%swap3A_96], %broadcast_in_dim3A_28 {strides = array<i32>} : memref<304xi32, #tpu.memory_space<vmem>>, vector<16xi32>,
      %add3A_98 = arith.constant 128 : i32
      %add3A_99 = arith.addi %scan3A_26, %add3A_98 : i32
      %swap3A_100 = arith.index_cast %add3A_99 : i32 to index
      %swap3A_101 = tpu.vector_load %arg10[%swap3A_100] {strides = array<i32>} : memref<304xi32, #tpu.memory_space<vmem>>, vector<16xi32>,
      tpu.vector_store %arg10[%swap3A_100], %broadcast_in_dim3A_30 {strides = array<i32>} : memref<304xi32, #tpu.memory_space<vmem>>, vector<16xi32>,
      %get3A = arith.constant 0 : index
      %get3A_102 = tpu.vector_load %arg10[%get3A] {strides = array<i32>} : memref<304xi32, #tpu.memory_space<vmem>>, vector<16xi32>,
      %swap3A_103 = arith.constant 0 : index
      %swap3A_104 = tpu.vector_load %arg11[%swap3A_103] {strides = array<i32>} : memref<128xi32, #tpu.memory_space<vmem>>, vector<16xi32>,
      tpu.vector_store %arg11[%swap3A_103], %get3A_102 {strides = array<i32>} : memref<128xi32, #tpu.memory_space<vmem>>, vector<16xi32>,
      %get3A_105 = arith.constant 16 : index
      %get3A_106 = tpu.vector_load %arg10[%get3A_105] {strides = array<i32>} : memref<304xi32, #tpu.memory_space<vmem>>, vector<16xi32>,
      %swap3A_107 = arith.constant 16 : index
      %swap3A_108 = tpu.vector_load %arg11[%swap3A_107] {strides = array<i32>} : memref<128xi32, #tpu.memory_space<vmem>>, vector<16xi32>,
      tpu.vector_store %arg11[%swap3A_107], %get3A_106 {strides = array<i32>} : memref<128xi32, #tpu.memory_space<vmem>>, vector<16xi32>,
      %get3A_109 = arith.constant 32 : index
      %get3A_110 = tpu.vector_load %arg10[%get3A_109] {strides = array<i32>} : memref<304xi32, #tpu.memory_space<vmem>>, vector<16xi32>,
      %swap3A_111 = arith.constant 32 : index
      %swap3A_112 = tpu.vector_load %arg11[%swap3A_111] {strides = array<i32>} : memref<128xi32, #tpu.memory_space<vmem>>, vector<16xi32>,
      tpu.vector_store %arg11[%swap3A_111], %get3A_110 {strides = array<i32>} : memref<128xi32, #tpu.memory_space<vmem>>, vector<16xi32>,
      %get3A_113 = arith.constant 48 : index
      %get3A_114 = tpu.vector_load %arg10[%get3A_113] {strides = array<i32>} : memref<304xi32, #tpu.memory_space<vmem>>, vector<16xi32>,
      %swap3A_115 = arith.constant 48 : index
      %swap3A_116 = tpu.vector_load %arg11[%swap3A_115] {strides = array<i32>} : memref<128xi32, #tpu.memory_space<vmem>>, vector<16xi32>,
      tpu.vector_store %arg11[%swap3A_115], %get3A_114 {strides = array<i32>} : memref<128xi32, #tpu.memory_space<vmem>>, vector<16xi32>,
      %get3A_117 = arith.constant 64 : index
      %get3A_118 = tpu.vector_load %arg10[%get3A_117] {strides = array<i32>} : memref<304xi32, #tpu.memory_space<vmem>>, vector<16xi32>,
      %swap3A_119 = arith.constant 64 : index
      %swap3A_120 = tpu.vector_load %arg11[%swap3A_119] {strides = array<i32>} : memref<128xi32, #tpu.memory_space<vmem>>, vector<16xi32>,
      tpu.vector_store %arg11[%swap3A_119], %get3A_118 {strides = array<i32>} : memref<128xi32, #tpu.memory_space<vmem>>, vector<16xi32>,
      %get3A_121 = arith.constant 80 : index
      %get3A_122 = tpu.vector_load %arg10[%get3A_121] {strides = array<i32>} : memref<304xi32, #tpu.memory_space<vmem>>, vector<16xi32>,
      %swap3A_123 = arith.constant 80 : index
      %swap3A_124 = tpu.vector_load %arg11[%swap3A_123] {strides = array<i32>} : memref<128xi32, #tpu.memory_space<vmem>>, vector<16xi32>,
      tpu.vector_store %arg11[%swap3A_123], %get3A_122 {strides = array<i32>} : memref<128xi32, #tpu.memory_space<vmem>>, vector<16xi32>,
      %get3A_125 = arith.constant 96 : index
      %get3A_126 = tpu.vector_load %arg10[%get3A_125] {strides = array<i32>} : memref<304xi32, #tpu.memory_space<vmem>>, vector<16xi32>,
      %swap3A_127 = arith.constant 96 : index
      %swap3A_128 = tpu.vector_load %arg11[%swap3A_127] {strides = array<i32>} : memref<128xi32, #tpu.memory_space<vmem>>, vector<16xi32>,
      tpu.vector_store %arg11[%swap3A_127], %get3A_126 {strides = array<i32>} : memref<128xi32, #tpu.memory_space<vmem>>, vector<16xi32>,
      %get3A_129 = arith.constant 112 : index
      %get3A_130 = tpu.vector_load %arg10[%get3A_129] {strides = array<i32>} : memref<304xi32, #tpu.memory_space<vmem>>, vector<16xi32>,
      %swap3A_131 = arith.constant 112 : index
      %swap3A_132 = tpu.vector_load %arg11[%swap3A_131] {strides = array<i32>} : memref<128xi32, #tpu.memory_space<vmem>>, vector<16xi32>,
      tpu.vector_store %arg11[%swap3A_131], %get3A_130 {strides = array<i32>} : memref<128xi32, #tpu.memory_space<vmem>>, vector<16xi32>,
      "tpu.region"() ({
        %run_scoped3A = tpu.sem_alloc : memref<!tpu.dma_semaphore, #tpu.memory_space<semaphore_mem>>
        %dma_start3A = arith.constant 0 : i32
        %dma_start3A_148 = tpu.memref_slice %arg9[%dma_start3A] : memref<304xi32, #tpu.memory_space<vmem>> -> memref<128xi32, #tpu.memory_space<vmem>>
        %dma_start3A_149 = arith.constant 0 : i32
        %dma_start3A_150 = arith.constant 0 : i32
        %dma_start3A_151 = tpu.memref_slice %arg2[%dma_start3A_149, %dma_start3A_150] : memref<102400x48xf32, #tpu.memory_space<hbm>> -> memref<102400x48xf32, #tpu.memory_space<hbm>>
        tpu.enqueue_indirect_dma source(%dma_start3A_151 : memref<102400x48xf32, #tpu.memory_space<hbm>>) target(%arg12 : memref<128x48xf32, #tpu.memory_space<vmem>>) offsets(%dma_start3A_148 : memref<128xi32, #tpu.memory_space<vmem>>) semaphore(%run_scoped3A : memref<!tpu.dma_semaphore, #tpu.memory_space<semaphore_mem>>)
        %dma_wait3A = arith.constant 0 : i32
        %dma_wait3A_152 = tpu.memref_slice %arg9[%dma_wait3A] : memref<304xi32, #tpu.memory_space<vmem>> -> memref<128xi32, #tpu.memory_space<vmem>>
        %dma_wait3A_153 = arith.constant 0 : i32
        %dma_wait3A_154 = arith.constant 0 : i32
        %dma_wait3A_155 = tpu.memref_slice %arg2[%dma_wait3A_153, %dma_wait3A_154] : memref<102400x48xf32, #tpu.memory_space<hbm>> -> memref<102400x48xf32, #tpu.memory_space<hbm>>
        tpu.wait_indirect_dma semaphore(%run_scoped3A : memref<!tpu.dma_semaphore, #tpu.memory_space<semaphore_mem>>) src(%dma_wait3A_155 : memref<102400x48xf32, #tpu.memory_space<hbm>>) dst(%arg12 : memref<128x48xf32, #tpu.memory_space<vmem>>)
        tpu.yield
      }) : () -> ()
      "tpu.region"() ({
        %run_scoped3A = tpu.sem_alloc : memref<!tpu.dma_semaphore, #tpu.memory_space<semaphore_mem>>
        %dma_start3A = arith.constant 0 : i32
        %dma_start3A_148 = arith.constant 0 : i32
        %dma_start3A_149 = tpu.memref_slice %arg14[%dma_start3A, %dma_start3A_148] : memref<25608x48xf32, #tpu.memory_space<vmem_shared>> -> memref<25608x48xf32, #tpu.memory_space<vmem_shared>>
        tpu.enqueue_indirect_dma source(%arg12 : memref<128x48xf32, #tpu.memory_space<vmem>>) target(%dma_start3A_149 : memref<25608x48xf32, #tpu.memory_space<vmem_shared>>) offsets(%arg11 : memref<128xi32, #tpu.memory_space<vmem>>) semaphore(%run_scoped3A : memref<!tpu.dma_semaphore, #tpu.memory_space<semaphore_mem>>) {add = true}
        %dma_wait3A = arith.constant 0 : i32
        %dma_wait3A_150 = arith.constant 0 : i32
        %dma_wait3A_151 = tpu.memref_slice %arg14[%dma_wait3A, %dma_wait3A_150] : memref<25608x48xf32, #tpu.memory_space<vmem_shared>> -> memref<25608x48xf32, #tpu.memory_space<vmem_shared>>
        tpu.wait_indirect_dma semaphore(%run_scoped3A : memref<!tpu.dma_semaphore, #tpu.memory_space<semaphore_mem>>) src(%arg12 : memref<128x48xf32, #tpu.memory_space<vmem>>) dst(%dma_wait3A_151 : memref<25608x48xf32, #tpu.memory_space<vmem_shared>>)
        tpu.yield
      }) : () -> ()
      %get3A_133 = arith.constant 128 : index
      %get3A_134 = tpu.vector_load %arg9[%get3A_133] {strides = array<i32>} : memref<304xi32, #tpu.memory_space<vmem>>, vector<16xi32>,
      %swap3A_135 = arith.constant 0 : index
      %swap3A_136 = tpu.vector_load %arg9[%swap3A_135] {strides = array<i32>} : memref<304xi32, #tpu.memory_space<vmem>>, vector<16xi32>,
      tpu.vector_store %arg9[%swap3A_135], %get3A_134 {strides = array<i32>} : memref<304xi32, #tpu.memory_space<vmem>>, vector<16xi32>,
      %get3A_137 = arith.constant 128 : index
      %get3A_138 = tpu.vector_load %arg10[%get3A_137] {strides = array<i32>} : memref<304xi32, #tpu.memory_space<vmem>>, vector<16xi32>,
      %swap3A_139 = arith.constant 0 : index
      %swap3A_140 = tpu.vector_load %arg10[%swap3A_139] {strides = array<i32>} : memref<304xi32, #tpu.memory_space<vmem>>, vector<16xi32>,
      tpu.vector_store %arg10[%swap3A_139], %get3A_138 {strides = array<i32>} : memref<304xi32, #tpu.memory_space<vmem>>, vector<16xi32>,
      %sub3A = arith.constant 128 : i32
      %sub3A_141 = arith.subi %scan3A_26, %sub3A : i32
      %barrier3A_142 = arith.constant 0 : index
      tpu.barrier barrier_id(%barrier3A_142)
      %mul3A_143 = arith.constant 1600 : i32
      %mul3A_144 = arith.muli %arg1, %mul3A_143 : i32
      %mul3A_145 = arith.constant 1600 : i32
      %mul3A_146 = arith.muli %arg1, %mul3A_145 : i32
      %add3A_147 = arith.addi %mul3A_13, %mul3A_146 : i32
      "tpu.region"() ({
        %run_scoped3A = tpu.sem_alloc : memref<!tpu.dma_semaphore, #tpu.memory_space<semaphore_mem>>
        %dma_start3A = arith.constant 0 : i32
        %dma_start3A_148 = tpu.memref_slice %arg6[%add3A_147, %dma_start3A] : memref<102400x48xf32, #tpu.memory_space<hbm>> -> memref<1600x48xf32, #tpu.memory_space<hbm>>
        %dma_start3A_149 = arith.constant 0 : i32
        %dma_start3A_150 = tpu.memref_slice %arg14[%mul3A_144, %dma_start3A_149] : memref<25608x48xf32, #tpu.memory_space<vmem_shared>> -> memref<1600x48xf32, #tpu.memory_space<vmem_shared>>
        tpu.enqueue_dma source(%dma_start3A_150 : memref<1600x48xf32, #tpu.memory_space<vmem_shared>>) target(%dma_start3A_148 : memref<1600x48xf32, #tpu.memory_space<hbm>>) target_semaphore(%run_scoped3A : memref<!tpu.dma_semaphore, #tpu.memory_space<semaphore_mem>>)
        %dma_wait3A = arith.constant 0 : i32
        %dma_wait3A_151 = tpu.memref_slice %arg6[%add3A_147, %dma_wait3A] : memref<102400x48xf32, #tpu.memory_space<hbm>> -> memref<1600x48xf32, #tpu.memory_space<hbm>>
        %dma_wait3A_152 = arith.constant 0 : i32
        %dma_wait3A_153 = tpu.memref_slice %arg14[%mul3A_144, %dma_wait3A_152] : memref<25608x48xf32, #tpu.memory_space<vmem_shared>> -> memref<1600x48xf32, #tpu.memory_space<vmem_shared>>
        tpu.wait_dma2 semaphore(%run_scoped3A : memref<!tpu.dma_semaphore, #tpu.memory_space<semaphore_mem>>) src(%dma_wait3A_153 : memref<1600x48xf32, #tpu.memory_space<vmem_shared>>) dst(%dma_wait3A_151 : memref<1600x48xf32, #tpu.memory_space<hbm>>)
        tpu.yield
      }) : () -> ()
    }
    %scan3A_4 = arith.constant 2 : i32
    return
  }
}

#map = affine_map<(d0, d1) -> (0, 0)>
#map1 = affine_map<(d0, d1) -> (0)>
module attributes {stable_mosaic.version = 14 : i64} {
  func.func @body(%arg0: i32, %arg1: i32, %arg2: memref<102400x128xf32, #tpu.memory_space<hbm>>, %arg3: memref<1600000xi32, #tpu.memory_space<hbm>>, %arg4: memref<1600000xi32, #tpu.memory_space<hbm>>, %arg5: memref<160x128xf32, #tpu.memory_space<hbm>>, %arg6: memref<102400x128xf32, #tpu.memory_space<hbm>>, %arg7: memref<2000xi32, #tpu.memory_space<vmem>>, %arg8: memref<2000xi32, #tpu.memory_space<vmem>>, %arg9: memref<304xi32, #tpu.memory_space<vmem>>, %arg10: memref<304xi32, #tpu.memory_space<vmem>>, %arg11: memref<128xi32, #tpu.memory_space<vmem>>, %arg12: memref<128x128xf32, #tpu.memory_space<vmem>>, %arg13: memref<160x128xf32, #tpu.memory_space<vmem>>, %arg14: memref<10248x128xf32, #tpu.memory_space<vmem_shared>>) attributes {dimension_semantics = [#tpu.dimension_semantics<core_parallel>, #tpu.dimension_semantics<subcore_parallel>], iteration_bounds = array<i64: 2, 16>, scalar_prefetch = 0 : i64, scratch_operands = 8 : i64, tpu.core_type = #tpu.core_type<sc_vector_subcore>, window_params = [{transform_indices = #map}, {transform_indices = #map1}, {transform_indices = #map1}, {transform_indices = #map}, {transform_indices = #map}]} {
    %mul3A = arith.constant 100000 : i32
    %mul3A_0 = arith.muli %arg1, %mul3A : i32
    "tpu.region"() ({
      %run_scoped3A = tpu.sem_alloc : memref<!tpu.dma_semaphore, #tpu.memory_space<semaphore_mem>>
      tpu.enqueue_dma source(%arg5 : memref<160x128xf32, #tpu.memory_space<hbm>>) target(%arg13 : memref<160x128xf32, #tpu.memory_space<vmem>>) target_semaphore(%run_scoped3A : memref<!tpu.dma_semaphore, #tpu.memory_space<semaphore_mem>>)
      tpu.wait_dma2 semaphore(%run_scoped3A : memref<!tpu.dma_semaphore, #tpu.memory_space<semaphore_mem>>) src(%arg5 : memref<160x128xf32, #tpu.memory_space<hbm>>) dst(%arg13 : memref<160x128xf32, #tpu.memory_space<vmem>>)
      tpu.yield
    }) : () -> ()
    %scan3A = arith.constant 0 : i32
    %scan3A_1 = arith.constant 5 : i32
    %scan3A_2 = arith.addi %scan3A, %scan3A_1 : i32
    %scan3A_3 = arith.constant 1 : i32
    scf.for %scan3A_5 = %scan3A to %scan3A_2 step %scan3A_3  : i32 {
      %mul3A_6 = arith.constant 1 : i32
      %mul3A_7 = arith.muli %scan3A_5, %mul3A_6 : i32
      %add3A = arith.constant 0 : i32
      %add3A_8 = arith.addi %add3A, %mul3A_7 : i32
      %mul3A_9 = arith.constant 2 : i32
      %mul3A_10 = arith.muli %mul3A_9, %add3A_8 : i32
      %add3A_11 = arith.addi %mul3A_10, %arg0 : i32
      %mul3A_12 = arith.constant 10240 : i32
      %mul3A_13 = arith.muli %add3A_11, %mul3A_12 : i32
      %add3A_14 = arith.constant 10240 : i32
      %add3A_15 = arith.addi %mul3A_13, %add3A_14 : i32
      %scan3A_16 = arith.constant 0 : i32
      %scan3A_17 = arith.constant 4 : i32
      %scan3A_18 = arith.addi %scan3A_16, %scan3A_17 : i32
      %scan3A_19 = arith.constant 1 : i32
      scf.for %scan3A_148 = %scan3A_16 to %scan3A_18 step %scan3A_19  : i32 {
        %mul3A_149 = arith.constant 1 : i32
        %mul3A_150 = arith.muli %scan3A_148, %mul3A_149 : i32
        %add3A_151 = arith.constant 0 : i32
        %add3A_152 = arith.addi %add3A_151, %mul3A_150 : i32
        %mul3A_153 = arith.constant 640 : i32
        %mul3A_154 = arith.muli %arg1, %mul3A_153 : i32
        %mul3A_155 = arith.constant 160 : i32
        %mul3A_156 = arith.muli %add3A_152, %mul3A_155 : i32
        %add3A_157 = arith.addi %mul3A_154, %mul3A_156 : i32
        "tpu.region"() ({
          %run_scoped3A = tpu.sem_alloc : memref<!tpu.dma_semaphore, #tpu.memory_space<semaphore_mem>>
          %dma_start3A = arith.constant 0 : i32
          %dma_start3A_158 = tpu.memref_slice %arg14[%add3A_157, %dma_start3A] : memref<10248x128xf32, #tpu.memory_space<vmem_shared>> -> memref<160x128xf32, #tpu.memory_space<vmem_shared>>
          %dma_start3A_159 = arith.constant 0 : i32
          %dma_start3A_160 = tpu.memref_slice %arg14[%add3A_157, %dma_start3A_159] : memref<10248x128xf32, #tpu.memory_space<vmem_shared>> -> memref<160x128xf32, #tpu.memory_space<vmem_shared>>
          tpu.enqueue_dma source(%arg13 : memref<160x128xf32, #tpu.memory_space<vmem>>) target(%dma_start3A_160 : memref<160x128xf32, #tpu.memory_space<vmem_shared>>) target_semaphore(%run_scoped3A : memref<!tpu.dma_semaphore, #tpu.memory_space<semaphore_mem>>)
          %dma_wait3A = arith.constant 0 : i32
          %dma_wait3A_161 = tpu.memref_slice %arg14[%add3A_157, %dma_wait3A] : memref<10248x128xf32, #tpu.memory_space<vmem_shared>> -> memref<160x128xf32, #tpu.memory_space<vmem_shared>>
          %dma_wait3A_162 = arith.constant 0 : i32
          %dma_wait3A_163 = tpu.memref_slice %arg14[%add3A_157, %dma_wait3A_162] : memref<10248x128xf32, #tpu.memory_space<vmem_shared>> -> memref<160x128xf32, #tpu.memory_space<vmem_shared>>
          tpu.wait_dma2 semaphore(%run_scoped3A : memref<!tpu.dma_semaphore, #tpu.memory_space<semaphore_mem>>) src(%arg13 : memref<160x128xf32, #tpu.memory_space<vmem>>) dst(%dma_wait3A_163 : memref<160x128xf32, #tpu.memory_space<vmem_shared>>)
          tpu.yield
        }) : () -> ()
      }
      %scan3A_20 = arith.constant 4 : i32
      %barrier3A = arith.constant 0 : index
      tpu.barrier barrier_id(%barrier3A)
      %scan3A_21 = arith.constant 0 : i32
      %scan3A_22 = arith.constant 0 : i32
      %scan3A_23 = arith.constant 50 : i32
      %scan3A_24 = arith.addi %scan3A_22, %scan3A_23 : i32
      %scan3A_25 = arith.constant 1 : i32
      %scan3A_26 = scf.for %scan3A_148 = %scan3A_22 to %scan3A_24 step %scan3A_25 iter_args(%scan3A_149 = %scan3A_21) -> (i32)  : i32 {
        %mul3A_150 = arith.constant 2000 : i32
        %mul3A_151 = arith.muli %scan3A_148, %mul3A_150 : i32
        %add3A_152 = arith.addi %mul3A_0, %mul3A_151 : i32
        "tpu.region"() ({
          %run_scoped3A = tpu.sem_alloc : memref<!tpu.dma_semaphore, #tpu.memory_space<semaphore_mem>>
          %dma_start3A = tpu.memref_slice %arg3[%add3A_152] : memref<1600000xi32, #tpu.memory_space<hbm>> -> memref<2000xi32, #tpu.memory_space<hbm>>
          %dma_start3A_162 = tpu.memref_slice %arg3[%add3A_152] : memref<1600000xi32, #tpu.memory_space<hbm>> -> memref<2000xi32, #tpu.memory_space<hbm>>
          tpu.enqueue_dma source(%dma_start3A_162 : memref<2000xi32, #tpu.memory_space<hbm>>) target(%arg7 : memref<2000xi32, #tpu.memory_space<vmem>>) target_semaphore(%run_scoped3A : memref<!tpu.dma_semaphore, #tpu.memory_space<semaphore_mem>>)
          %dma_wait3A = tpu.memref_slice %arg3[%add3A_152] : memref<1600000xi32, #tpu.memory_space<hbm>> -> memref<2000xi32, #tpu.memory_space<hbm>>
          %dma_wait3A_163 = tpu.memref_slice %arg3[%add3A_152] : memref<1600000xi32, #tpu.memory_space<hbm>> -> memref<2000xi32, #tpu.memory_space<hbm>>
          tpu.wait_dma2 semaphore(%run_scoped3A : memref<!tpu.dma_semaphore, #tpu.memory_space<semaphore_mem>>) src(%dma_wait3A_163 : memref<2000xi32, #tpu.memory_space<hbm>>) dst(%arg7 : memref<2000xi32, #tpu.memory_space<vmem>>)
          tpu.yield
        }) : () -> ()
        %mul3A_153 = arith.constant 2000 : i32
        %mul3A_154 = arith.muli %scan3A_148, %mul3A_153 : i32
        %add3A_155 = arith.addi %mul3A_0, %mul3A_154 : i32
        "tpu.region"() ({
          %run_scoped3A = tpu.sem_alloc : memref<!tpu.dma_semaphore, #tpu.memory_space<semaphore_mem>>
          %dma_start3A = tpu.memref_slice %arg4[%add3A_155] : memref<1600000xi32, #tpu.memory_space<hbm>> -> memref<2000xi32, #tpu.memory_space<hbm>>
          %dma_start3A_162 = tpu.memref_slice %arg4[%add3A_155] : memref<1600000xi32, #tpu.memory_space<hbm>> -> memref<2000xi32, #tpu.memory_space<hbm>>
          tpu.enqueue_dma source(%dma_start3A_162 : memref<2000xi32, #tpu.memory_space<hbm>>) target(%arg8 : memref<2000xi32, #tpu.memory_space<vmem>>) target_semaphore(%run_scoped3A : memref<!tpu.dma_semaphore, #tpu.memory_space<semaphore_mem>>)
          %dma_wait3A = tpu.memref_slice %arg4[%add3A_155] : memref<1600000xi32, #tpu.memory_space<hbm>> -> memref<2000xi32, #tpu.memory_space<hbm>>
          %dma_wait3A_163 = tpu.memref_slice %arg4[%add3A_155] : memref<1600000xi32, #tpu.memory_space<hbm>> -> memref<2000xi32, #tpu.memory_space<hbm>>
          tpu.wait_dma2 semaphore(%run_scoped3A : memref<!tpu.dma_semaphore, #tpu.memory_space<semaphore_mem>>) src(%dma_wait3A_163 : memref<2000xi32, #tpu.memory_space<hbm>>) dst(%arg8 : memref<2000xi32, #tpu.memory_space<vmem>>)
          tpu.yield
        }) : () -> ()
        %scan3A_156 = arith.constant 0 : i32
        %scan3A_157 = arith.constant 125 : i32
        %scan3A_158 = arith.addi %scan3A_156, %scan3A_157 : i32
        %scan3A_159 = arith.constant 1 : i32
        %scan3A_160 = scf.for %scan3A_162 = %scan3A_156 to %scan3A_158 step %scan3A_159 iter_args(%scan3A_163 = %scan3A_149) -> (i32)  : i32 {
          %mul3A_164 = arith.constant 16 : i32
          %mul3A_165 = arith.muli %scan3A_162, %mul3A_164 : i32
          %get3A_166 = arith.index_cast %mul3A_165 : i32 to index
          %get3A_167 = tpu.vector_load %arg8[%get3A_166] {strides = array<i32>} : memref<2000xi32, #tpu.memory_space<vmem>>, vector<16xi32>,
          %mul3A_168 = arith.constant 16 : i32
          %mul3A_169 = arith.muli %scan3A_162, %mul3A_168 : i32
          %get3A_170 = arith.index_cast %mul3A_169 : i32 to index
          %get3A_171 = tpu.vector_load %arg7[%get3A_170] {strides = array<i32>} : memref<2000xi32, #tpu.memory_space<vmem>>, vector<16xi32>,
          %ge3A = vector.broadcast %mul3A_13 : i32 to vector<16xi32>
          %ge3A_172 = arith.cmpi sge, %get3A_167, %ge3A : vector<16xi32>
          %lt3A = vector.broadcast %add3A_15 : i32 to vector<16xi32>
          %lt3A_173 = arith.cmpi slt, %get3A_167, %lt3A : vector<16xi32>
          %and3A = arith.andi %ge3A_172, %lt3A_173 : vector<16xi1>
          %swap3A_174 = arith.index_cast %scan3A_163 : i32 to index
          %swap3A_175 = tpu.vector_load %arg9[%swap3A_174] masked %and3A {strides = array<i32>} : memref<304xi32, #tpu.memory_space<vmem>>, vector<16xi32>, vector<16xi1>
          tpu.vector_store %arg9[%swap3A_174], %get3A_171 masked %and3A {strides = array<i32>} : memref<304xi32, #tpu.memory_space<vmem>>, vector<16xi32>, vector<16xi1>
          %sub3A_176 = vector.broadcast %mul3A_13 : i32 to vector<16xi32>
          %sub3A_177 = arith.subi %get3A_167, %sub3A_176 : vector<16xi32>
          %swap3A_178 = arith.index_cast %scan3A_163 : i32 to index
          %swap3A_179 = tpu.vector_load %arg10[%swap3A_178] masked %and3A {strides = array<i32>} : memref<304xi32, #tpu.memory_space<vmem>>, vector<16xi32>, vector<16xi1>
          tpu.vector_store %arg10[%swap3A_178], %sub3A_177 masked %and3A {strides = array<i32>} : memref<304xi32, #tpu.memory_space<vmem>>, vector<16xi32>, vector<16xi1>
          %all_reduce_population_count3A = tpu.all_reduce %and3A {dim = 0 : i64, kind = #tpu.reduction_kind<sum>} : vector<16xi1> -> vector<16xi32>
          %reduce_max3A = arith.constant true
          %reduce_max3A_180 = vector.broadcast %reduce_max3A : i1 to vector<16xi1>
          %reduce_max3A_181 = arith.constant -2147483648 : i32
          %reduce_max3A_182 = vector.broadcast %reduce_max3A_181 : i32 to vector<16xi32>
          %reduce_max3A_183 = arith.xori %all_reduce_population_count3A, %reduce_max3A_182 : vector<16xi32>
          %reduce_max3A_184 = tpu.scan <max>, %reduce_max3A_183 masked %reduce_max3A_180 : vector<16xi32>, vector<16xi1> -> vector<16xi32>
          %reduce_max3A_185 = arith.xori %reduce_max3A_184, %reduce_max3A_182 : vector<16xi32>
          %reduce_max3A_186 = vector.extract %reduce_max3A_185[15] : i32 from vector<16xi32>
          %add3A_187 = arith.addi %scan3A_163, %reduce_max3A_186 : i32
          %ge3A_188 = arith.constant 128 : i32
          %ge3A_189 = arith.cmpi sge, %add3A_187, %ge3A_188 : i32
          %convert_element_type3A = arith.extui %ge3A_189 : i1 to i32
          %cond3A = arith.constant 0 : i32
          %cond3A_190 = arith.cmpi ne, %convert_element_type3A, %cond3A : i32
          %cond3A_191 = scf.if %cond3A_190 -> (i32) {
            %get3A_192 = arith.constant 0 : index
            %get3A_193 = tpu.vector_load %arg10[%get3A_192] {strides = array<i32>} : memref<304xi32, #tpu.memory_space<vmem>>, vector<16xi32>,
            %swap3A_194 = arith.constant 0 : index
            %swap3A_195 = tpu.vector_load %arg11[%swap3A_194] {strides = array<i32>} : memref<128xi32, #tpu.memory_space<vmem>>, vector<16xi32>,
            tpu.vector_store %arg11[%swap3A_194], %get3A_193 {strides = array<i32>} : memref<128xi32, #tpu.memory_space<vmem>>, vector<16xi32>,
            %get3A_196 = arith.constant 16 : index
            %get3A_197 = tpu.vector_load %arg10[%get3A_196] {strides = array<i32>} : memref<304xi32, #tpu.memory_space<vmem>>, vector<16xi32>,
            %swap3A_198 = arith.constant 16 : index
            %swap3A_199 = tpu.vector_load %arg11[%swap3A_198] {strides = array<i32>} : memref<128xi32, #tpu.memory_space<vmem>>, vector<16xi32>,
            tpu.vector_store %arg11[%swap3A_198], %get3A_197 {strides = array<i32>} : memref<128xi32, #tpu.memory_space<vmem>>, vector<16xi32>,
            %get3A_200 = arith.constant 32 : index
            %get3A_201 = tpu.vector_load %arg10[%get3A_200] {strides = array<i32>} : memref<304xi32, #tpu.memory_space<vmem>>, vector<16xi32>,
            %swap3A_202 = arith.constant 32 : index
            %swap3A_203 = tpu.vector_load %arg11[%swap3A_202] {strides = array<i32>} : memref<128xi32, #tpu.memory_space<vmem>>, vector<16xi32>,
            tpu.vector_store %arg11[%swap3A_202], %get3A_201 {strides = array<i32>} : memref<128xi32, #tpu.memory_space<vmem>>, vector<16xi32>,
            %get3A_204 = arith.constant 48 : index
            %get3A_205 = tpu.vector_load %arg10[%get3A_204] {strides = array<i32>} : memref<304xi32, #tpu.memory_space<vmem>>, vector<16xi32>,
            %swap3A_206 = arith.constant 48 : index
            %swap3A_207 = tpu.vector_load %arg11[%swap3A_206] {strides = array<i32>} : memref<128xi32, #tpu.memory_space<vmem>>, vector<16xi32>,
            tpu.vector_store %arg11[%swap3A_206], %get3A_205 {strides = array<i32>} : memref<128xi32, #tpu.memory_space<vmem>>, vector<16xi32>,
            %get3A_208 = arith.constant 64 : index
            %get3A_209 = tpu.vector_load %arg10[%get3A_208] {strides = array<i32>} : memref<304xi32, #tpu.memory_space<vmem>>, vector<16xi32>,
            %swap3A_210 = arith.constant 64 : index
            %swap3A_211 = tpu.vector_load %arg11[%swap3A_210] {strides = array<i32>} : memref<128xi32, #tpu.memory_space<vmem>>, vector<16xi32>,
            tpu.vector_store %arg11[%swap3A_210], %get3A_209 {strides = array<i32>} : memref<128xi32, #tpu.memory_space<vmem>>, vector<16xi32>,
            %get3A_212 = arith.constant 80 : index
            %get3A_213 = tpu.vector_load %arg10[%get3A_212] {strides = array<i32>} : memref<304xi32, #tpu.memory_space<vmem>>, vector<16xi32>,
            %swap3A_214 = arith.constant 80 : index
            %swap3A_215 = tpu.vector_load %arg11[%swap3A_214] {strides = array<i32>} : memref<128xi32, #tpu.memory_space<vmem>>, vector<16xi32>,
            tpu.vector_store %arg11[%swap3A_214], %get3A_213 {strides = array<i32>} : memref<128xi32, #tpu.memory_space<vmem>>, vector<16xi32>,
            %get3A_216 = arith.constant 96 : index
            %get3A_217 = tpu.vector_load %arg10[%get3A_216] {strides = array<i32>} : memref<304xi32, #tpu.memory_space<vmem>>, vector<16xi32>,
            %swap3A_218 = arith.constant 96 : index
            %swap3A_219 = tpu.vector_load %arg11[%swap3A_218] {strides = array<i32>} : memref<128xi32, #tpu.memory_space<vmem>>, vector<16xi32>,
            tpu.vector_store %arg11[%swap3A_218], %get3A_217 {strides = array<i32>} : memref<128xi32, #tpu.memory_space<vmem>>, vector<16xi32>,
            %get3A_220 = arith.constant 112 : index
            %get3A_221 = tpu.vector_load %arg10[%get3A_220] {strides = array<i32>} : memref<304xi32, #tpu.memory_space<vmem>>, vector<16xi32>,
            %swap3A_222 = arith.constant 112 : index
            %swap3A_223 = tpu.vector_load %arg11[%swap3A_222] {strides = array<i32>} : memref<128xi32, #tpu.memory_space<vmem>>, vector<16xi32>,
            tpu.vector_store %arg11[%swap3A_222], %get3A_221 {strides = array<i32>} : memref<128xi32, #tpu.memory_space<vmem>>, vector<16xi32>,
            "tpu.region"() ({
              %run_scoped3A = tpu.sem_alloc : memref<!tpu.dma_semaphore, #tpu.memory_space<semaphore_mem>>
              %dma_start3A = arith.constant 0 : i32
              %dma_start3A_234 = tpu.memref_slice %arg9[%dma_start3A] : memref<304xi32, #tpu.memory_space<vmem>> -> memref<128xi32, #tpu.memory_space<vmem>>
              %dma_start3A_235 = arith.constant 0 : i32
              %dma_start3A_236 = arith.constant 0 : i32
              %dma_start3A_237 = tpu.memref_slice %arg2[%dma_start3A_235, %dma_start3A_236] : memref<102400x128xf32, #tpu.memory_space<hbm>> -> memref<102400x128xf32, #tpu.memory_space<hbm>>
              tpu.enqueue_indirect_dma source(%dma_start3A_237 : memref<102400x128xf32, #tpu.memory_space<hbm>>) target(%arg12 : memref<128x128xf32, #tpu.memory_space<vmem>>) offsets(%dma_start3A_234 : memref<128xi32, #tpu.memory_space<vmem>>) semaphore(%run_scoped3A : memref<!tpu.dma_semaphore, #tpu.memory_space<semaphore_mem>>)
              %dma_wait3A = arith.constant 0 : i32
              %dma_wait3A_238 = tpu.memref_slice %arg9[%dma_wait3A] : memref<304xi32, #tpu.memory_space<vmem>> -> memref<128xi32, #tpu.memory_space<vmem>>
              %dma_wait3A_239 = arith.constant 0 : i32
              %dma_wait3A_240 = arith.constant 0 : i32
              %dma_wait3A_241 = tpu.memref_slice %arg2[%dma_wait3A_239, %dma_wait3A_240] : memref<102400x128xf32, #tpu.memory_space<hbm>> -> memref<102400x128xf32, #tpu.memory_space<hbm>>
              tpu.wait_indirect_dma semaphore(%run_scoped3A : memref<!tpu.dma_semaphore, #tpu.memory_space<semaphore_mem>>) src(%dma_wait3A_241 : memref<102400x128xf32, #tpu.memory_space<hbm>>) dst(%arg12 : memref<128x128xf32, #tpu.memory_space<vmem>>)
              tpu.yield
            }) : () -> ()
            "tpu.region"() ({
              %run_scoped3A = tpu.sem_alloc : memref<!tpu.dma_semaphore, #tpu.memory_space<semaphore_mem>>
              %dma_start3A = arith.constant 0 : i32
              %dma_start3A_234 = arith.constant 0 : i32
              %dma_start3A_235 = tpu.memref_slice %arg14[%dma_start3A, %dma_start3A_234] : memref<10248x128xf32, #tpu.memory_space<vmem_shared>> -> memref<10248x128xf32, #tpu.memory_space<vmem_shared>>
              tpu.enqueue_indirect_dma source(%arg12 : memref<128x128xf32, #tpu.memory_space<vmem>>) target(%dma_start3A_235 : memref<10248x128xf32, #tpu.memory_space<vmem_shared>>) offsets(%arg11 : memref<128xi32, #tpu.memory_space<vmem>>) semaphore(%run_scoped3A : memref<!tpu.dma_semaphore, #tpu.memory_space<semaphore_mem>>) {add = true}
              %dma_wait3A = arith.constant 0 : i32
              %dma_wait3A_236 = arith.constant 0 : i32
              %dma_wait3A_237 = tpu.memref_slice %arg14[%dma_wait3A, %dma_wait3A_236] : memref<10248x128xf32, #tpu.memory_space<vmem_shared>> -> memref<10248x128xf32, #tpu.memory_space<vmem_shared>>
              tpu.wait_indirect_dma semaphore(%run_scoped3A : memref<!tpu.dma_semaphore, #tpu.memory_space<semaphore_mem>>) src(%arg12 : memref<128x128xf32, #tpu.memory_space<vmem>>) dst(%dma_wait3A_237 : memref<10248x128xf32, #tpu.memory_space<vmem_shared>>)
              tpu.yield
            }) : () -> ()
            %get3A_224 = arith.constant 128 : index
            %get3A_225 = tpu.vector_load %arg9[%get3A_224] {strides = array<i32>} : memref<304xi32, #tpu.memory_space<vmem>>, vector<16xi32>,
            %swap3A_226 = arith.constant 0 : index
            %swap3A_227 = tpu.vector_load %arg9[%swap3A_226] {strides = array<i32>} : memref<304xi32, #tpu.memory_space<vmem>>, vector<16xi32>,
            tpu.vector_store %arg9[%swap3A_226], %get3A_225 {strides = array<i32>} : memref<304xi32, #tpu.memory_space<vmem>>, vector<16xi32>,
            %get3A_228 = arith.constant 128 : index
            %get3A_229 = tpu.vector_load %arg10[%get3A_228] {strides = array<i32>} : memref<304xi32, #tpu.memory_space<vmem>>, vector<16xi32>,
            %swap3A_230 = arith.constant 0 : index
            %swap3A_231 = tpu.vector_load %arg10[%swap3A_230] {strides = array<i32>} : memref<304xi32, #tpu.memory_space<vmem>>, vector<16xi32>,
            tpu.vector_store %arg10[%swap3A_230], %get3A_229 {strides = array<i32>} : memref<304xi32, #tpu.memory_space<vmem>>, vector<16xi32>,
            %sub3A_232 = arith.constant 128 : i32
            %sub3A_233 = arith.subi %add3A_187, %sub3A_232 : i32
            scf.yield %sub3A_233 : i32
          } else {
            scf.yield %add3A_187 : i32
          }
          scf.yield %cond3A_191 : i32
        }
        %scan3A_161 = arith.constant 125 : i32
        scf.yield %scan3A_160 : i32
      }
      %scan3A_27 = arith.constant 50 : i32
      %broadcast_in_dim3A = arith.constant 0 : i32
      %broadcast_in_dim3A_28 = vector.broadcast %broadcast_in_dim3A : i32 to vector<16xi32>
      %broadcast_in_dim3A_29 = arith.constant 10240 : i32
      %broadcast_in_dim3A_30 = vector.broadcast %broadcast_in_dim3A_29 : i32 to vector<16xi32>
      %add3A_31 = arith.constant 0 : i32
      %add3A_32 = arith.addi %scan3A_26, %add3A_31 : i32
      %swap3A = arith.index_cast %add3A_32 : i32 to index
      %swap3A_33 = tpu.vector_load %arg9[%swap3A] {strides = array<i32>} : memref<304xi32, #tpu.memory_space<vmem>>, vector<16xi32>,
      tpu.vector_store %arg9[%swap3A], %broadcast_in_dim3A_28 {strides = array<i32>} : memref<304xi32, #tpu.memory_space<vmem>>, vector<16xi32>,
      %add3A_34 = arith.constant 0 : i32
      %add3A_35 = arith.addi %scan3A_26, %add3A_34 : i32
      %swap3A_36 = arith.index_cast %add3A_35 : i32 to index
      %swap3A_37 = tpu.vector_load %arg10[%swap3A_36] {strides = array<i32>} : memref<304xi32, #tpu.memory_space<vmem>>, vector<16xi32>,
      tpu.vector_store %arg10[%swap3A_36], %broadcast_in_dim3A_30 {strides = array<i32>} : memref<304xi32, #tpu.memory_space<vmem>>, vector<16xi32>,
      %add3A_38 = arith.constant 16 : i32
      %add3A_39 = arith.addi %scan3A_26, %add3A_38 : i32
      %swap3A_40 = arith.index_cast %add3A_39 : i32 to index
      %swap3A_41 = tpu.vector_load %arg9[%swap3A_40] {strides = array<i32>} : memref<304xi32, #tpu.memory_space<vmem>>, vector<16xi32>,
      tpu.vector_store %arg9[%swap3A_40], %broadcast_in_dim3A_28 {strides = array<i32>} : memref<304xi32, #tpu.memory_space<vmem>>, vector<16xi32>,
      %add3A_42 = arith.constant 16 : i32
      %add3A_43 = arith.addi %scan3A_26, %add3A_42 : i32
      %swap3A_44 = arith.index_cast %add3A_43 : i32 to index
      %swap3A_45 = tpu.vector_load %arg10[%swap3A_44] {strides = array<i32>} : memref<304xi32, #tpu.memory_space<vmem>>, vector<16xi32>,
      tpu.vector_store %arg10[%swap3A_44], %broadcast_in_dim3A_30 {strides = array<i32>} : memref<304xi32, #tpu.memory_space<vmem>>, vector<16xi32>,
      %add3A_46 = arith.constant 32 : i32
      %add3A_47 = arith.addi %scan3A_26, %add3A_46 : i32
      %swap3A_48 = arith.index_cast %add3A_47 : i32 to index
      %swap3A_49 = tpu.vector_load %arg9[%swap3A_48] {strides = array<i32>} : memref<304xi32, #tpu.memory_space<vmem>>, vector<16xi32>,
      tpu.vector_store %arg9[%swap3A_48], %broadcast_in_dim3A_28 {strides = array<i32>} : memref<304xi32, #tpu.memory_space<vmem>>, vector<16xi32>,
      %add3A_50 = arith.constant 32 : i32
      %add3A_51 = arith.addi %scan3A_26, %add3A_50 : i32
      %swap3A_52 = arith.index_cast %add3A_51 : i32 to index
      %swap3A_53 = tpu.vector_load %arg10[%swap3A_52] {strides = array<i32>} : memref<304xi32, #tpu.memory_space<vmem>>, vector<16xi32>,
      tpu.vector_store %arg10[%swap3A_52], %broadcast_in_dim3A_30 {strides = array<i32>} : memref<304xi32, #tpu.memory_space<vmem>>, vector<16xi32>,
      %add3A_54 = arith.constant 48 : i32
      %add3A_55 = arith.addi %scan3A_26, %add3A_54 : i32
      %swap3A_56 = arith.index_cast %add3A_55 : i32 to index
      %swap3A_57 = tpu.vector_load %arg9[%swap3A_56] {strides = array<i32>} : memref<304xi32, #tpu.memory_space<vmem>>, vector<16xi32>,
      tpu.vector_store %arg9[%swap3A_56], %broadcast_in_dim3A_28 {strides = array<i32>} : memref<304xi32, #tpu.memory_space<vmem>>, vector<16xi32>,
      %add3A_58 = arith.constant 48 : i32
      %add3A_59 = arith.addi %scan3A_26, %add3A_58 : i32
      %swap3A_60 = arith.index_cast %add3A_59 : i32 to index
      %swap3A_61 = tpu.vector_load %arg10[%swap3A_60] {strides = array<i32>} : memref<304xi32, #tpu.memory_space<vmem>>, vector<16xi32>,
      tpu.vector_store %arg10[%swap3A_60], %broadcast_in_dim3A_30 {strides = array<i32>} : memref<304xi32, #tpu.memory_space<vmem>>, vector<16xi32>,
      %add3A_62 = arith.constant 64 : i32
      %add3A_63 = arith.addi %scan3A_26, %add3A_62 : i32
      %swap3A_64 = arith.index_cast %add3A_63 : i32 to index
      %swap3A_65 = tpu.vector_load %arg9[%swap3A_64] {strides = array<i32>} : memref<304xi32, #tpu.memory_space<vmem>>, vector<16xi32>,
      tpu.vector_store %arg9[%swap3A_64], %broadcast_in_dim3A_28 {strides = array<i32>} : memref<304xi32, #tpu.memory_space<vmem>>, vector<16xi32>,
      %add3A_66 = arith.constant 64 : i32
      %add3A_67 = arith.addi %scan3A_26, %add3A_66 : i32
      %swap3A_68 = arith.index_cast %add3A_67 : i32 to index
      %swap3A_69 = tpu.vector_load %arg10[%swap3A_68] {strides = array<i32>} : memref<304xi32, #tpu.memory_space<vmem>>, vector<16xi32>,
      tpu.vector_store %arg10[%swap3A_68], %broadcast_in_dim3A_30 {strides = array<i32>} : memref<304xi32, #tpu.memory_space<vmem>>, vector<16xi32>,
      %add3A_70 = arith.constant 80 : i32
      %add3A_71 = arith.addi %scan3A_26, %add3A_70 : i32
      %swap3A_72 = arith.index_cast %add3A_71 : i32 to index
      %swap3A_73 = tpu.vector_load %arg9[%swap3A_72] {strides = array<i32>} : memref<304xi32, #tpu.memory_space<vmem>>, vector<16xi32>,
      tpu.vector_store %arg9[%swap3A_72], %broadcast_in_dim3A_28 {strides = array<i32>} : memref<304xi32, #tpu.memory_space<vmem>>, vector<16xi32>,
      %add3A_74 = arith.constant 80 : i32
      %add3A_75 = arith.addi %scan3A_26, %add3A_74 : i32
      %swap3A_76 = arith.index_cast %add3A_75 : i32 to index
      %swap3A_77 = tpu.vector_load %arg10[%swap3A_76] {strides = array<i32>} : memref<304xi32, #tpu.memory_space<vmem>>, vector<16xi32>,
      tpu.vector_store %arg10[%swap3A_76], %broadcast_in_dim3A_30 {strides = array<i32>} : memref<304xi32, #tpu.memory_space<vmem>>, vector<16xi32>,
      %add3A_78 = arith.constant 96 : i32
      %add3A_79 = arith.addi %scan3A_26, %add3A_78 : i32
      %swap3A_80 = arith.index_cast %add3A_79 : i32 to index
      %swap3A_81 = tpu.vector_load %arg9[%swap3A_80] {strides = array<i32>} : memref<304xi32, #tpu.memory_space<vmem>>, vector<16xi32>,
      tpu.vector_store %arg9[%swap3A_80], %broadcast_in_dim3A_28 {strides = array<i32>} : memref<304xi32, #tpu.memory_space<vmem>>, vector<16xi32>,
      %add3A_82 = arith.constant 96 : i32
      %add3A_83 = arith.addi %scan3A_26, %add3A_82 : i32
      %swap3A_84 = arith.index_cast %add3A_83 : i32 to index
      %swap3A_85 = tpu.vector_load %arg10[%swap3A_84] {strides = array<i32>} : memref<304xi32, #tpu.memory_space<vmem>>, vector<16xi32>,
      tpu.vector_store %arg10[%swap3A_84], %broadcast_in_dim3A_30 {strides = array<i32>} : memref<304xi32, #tpu.memory_space<vmem>>, vector<16xi32>,
      %add3A_86 = arith.constant 112 : i32
      %add3A_87 = arith.addi %scan3A_26, %add3A_86 : i32
      %swap3A_88 = arith.index_cast %add3A_87 : i32 to index
      %swap3A_89 = tpu.vector_load %arg9[%swap3A_88] {strides = array<i32>} : memref<304xi32, #tpu.memory_space<vmem>>, vector<16xi32>,
      tpu.vector_store %arg9[%swap3A_88], %broadcast_in_dim3A_28 {strides = array<i32>} : memref<304xi32, #tpu.memory_space<vmem>>, vector<16xi32>,
      %add3A_90 = arith.constant 112 : i32
      %add3A_91 = arith.addi %scan3A_26, %add3A_90 : i32
      %swap3A_92 = arith.index_cast %add3A_91 : i32 to index
      %swap3A_93 = tpu.vector_load %arg10[%swap3A_92] {strides = array<i32>} : memref<304xi32, #tpu.memory_space<vmem>>, vector<16xi32>,
      tpu.vector_store %arg10[%swap3A_92], %broadcast_in_dim3A_30 {strides = array<i32>} : memref<304xi32, #tpu.memory_space<vmem>>, vector<16xi32>,
      %add3A_94 = arith.constant 128 : i32
      %add3A_95 = arith.addi %scan3A_26, %add3A_94 : i32
      %swap3A_96 = arith.index_cast %add3A_95 : i32 to index
      %swap3A_97 = tpu.vector_load %arg9[%swap3A_96] {strides = array<i32>} : memref<304xi32, #tpu.memory_space<vmem>>, vector<16xi32>,
      tpu.vector_store %arg9[%swap3A_96], %broadcast_in_dim3A_28 {strides = array<i32>} : memref<304xi32, #tpu.memory_space<vmem>>, vector<16xi32>,
      %add3A_98 = arith.constant 128 : i32
      %add3A_99 = arith.addi %scan3A_26, %add3A_98 : i32
      %swap3A_100 = arith.index_cast %add3A_99 : i32 to index
      %swap3A_101 = tpu.vector_load %arg10[%swap3A_100] {strides = array<i32>} : memref<304xi32, #tpu.memory_space<vmem>>, vector<16xi32>,
      tpu.vector_store %arg10[%swap3A_100], %broadcast_in_dim3A_30 {strides = array<i32>} : memref<304xi32, #tpu.memory_space<vmem>>, vector<16xi32>,
      %get3A = arith.constant 0 : index
      %get3A_102 = tpu.vector_load %arg10[%get3A] {strides = array<i32>} : memref<304xi32, #tpu.memory_space<vmem>>, vector<16xi32>,
      %swap3A_103 = arith.constant 0 : index
      %swap3A_104 = tpu.vector_load %arg11[%swap3A_103] {strides = array<i32>} : memref<128xi32, #tpu.memory_space<vmem>>, vector<16xi32>,
      tpu.vector_store %arg11[%swap3A_103], %get3A_102 {strides = array<i32>} : memref<128xi32, #tpu.memory_space<vmem>>, vector<16xi32>,
      %get3A_105 = arith.constant 16 : index
      %get3A_106 = tpu.vector_load %arg10[%get3A_105] {strides = array<i32>} : memref<304xi32, #tpu.memory_space<vmem>>, vector<16xi32>,
      %swap3A_107 = arith.constant 16 : index
      %swap3A_108 = tpu.vector_load %arg11[%swap3A_107] {strides = array<i32>} : memref<128xi32, #tpu.memory_space<vmem>>, vector<16xi32>,
      tpu.vector_store %arg11[%swap3A_107], %get3A_106 {strides = array<i32>} : memref<128xi32, #tpu.memory_space<vmem>>, vector<16xi32>,
      %get3A_109 = arith.constant 32 : index
      %get3A_110 = tpu.vector_load %arg10[%get3A_109] {strides = array<i32>} : memref<304xi32, #tpu.memory_space<vmem>>, vector<16xi32>,
      %swap3A_111 = arith.constant 32 : index
      %swap3A_112 = tpu.vector_load %arg11[%swap3A_111] {strides = array<i32>} : memref<128xi32, #tpu.memory_space<vmem>>, vector<16xi32>,
      tpu.vector_store %arg11[%swap3A_111], %get3A_110 {strides = array<i32>} : memref<128xi32, #tpu.memory_space<vmem>>, vector<16xi32>,
      %get3A_113 = arith.constant 48 : index
      %get3A_114 = tpu.vector_load %arg10[%get3A_113] {strides = array<i32>} : memref<304xi32, #tpu.memory_space<vmem>>, vector<16xi32>,
      %swap3A_115 = arith.constant 48 : index
      %swap3A_116 = tpu.vector_load %arg11[%swap3A_115] {strides = array<i32>} : memref<128xi32, #tpu.memory_space<vmem>>, vector<16xi32>,
      tpu.vector_store %arg11[%swap3A_115], %get3A_114 {strides = array<i32>} : memref<128xi32, #tpu.memory_space<vmem>>, vector<16xi32>,
      %get3A_117 = arith.constant 64 : index
      %get3A_118 = tpu.vector_load %arg10[%get3A_117] {strides = array<i32>} : memref<304xi32, #tpu.memory_space<vmem>>, vector<16xi32>,
      %swap3A_119 = arith.constant 64 : index
      %swap3A_120 = tpu.vector_load %arg11[%swap3A_119] {strides = array<i32>} : memref<128xi32, #tpu.memory_space<vmem>>, vector<16xi32>,
      tpu.vector_store %arg11[%swap3A_119], %get3A_118 {strides = array<i32>} : memref<128xi32, #tpu.memory_space<vmem>>, vector<16xi32>,
      %get3A_121 = arith.constant 80 : index
      %get3A_122 = tpu.vector_load %arg10[%get3A_121] {strides = array<i32>} : memref<304xi32, #tpu.memory_space<vmem>>, vector<16xi32>,
      %swap3A_123 = arith.constant 80 : index
      %swap3A_124 = tpu.vector_load %arg11[%swap3A_123] {strides = array<i32>} : memref<128xi32, #tpu.memory_space<vmem>>, vector<16xi32>,
      tpu.vector_store %arg11[%swap3A_123], %get3A_122 {strides = array<i32>} : memref<128xi32, #tpu.memory_space<vmem>>, vector<16xi32>,
      %get3A_125 = arith.constant 96 : index
      %get3A_126 = tpu.vector_load %arg10[%get3A_125] {strides = array<i32>} : memref<304xi32, #tpu.memory_space<vmem>>, vector<16xi32>,
      %swap3A_127 = arith.constant 96 : index
      %swap3A_128 = tpu.vector_load %arg11[%swap3A_127] {strides = array<i32>} : memref<128xi32, #tpu.memory_space<vmem>>, vector<16xi32>,
      tpu.vector_store %arg11[%swap3A_127], %get3A_126 {strides = array<i32>} : memref<128xi32, #tpu.memory_space<vmem>>, vector<16xi32>,
      %get3A_129 = arith.constant 112 : index
      %get3A_130 = tpu.vector_load %arg10[%get3A_129] {strides = array<i32>} : memref<304xi32, #tpu.memory_space<vmem>>, vector<16xi32>,
      %swap3A_131 = arith.constant 112 : index
      %swap3A_132 = tpu.vector_load %arg11[%swap3A_131] {strides = array<i32>} : memref<128xi32, #tpu.memory_space<vmem>>, vector<16xi32>,
      tpu.vector_store %arg11[%swap3A_131], %get3A_130 {strides = array<i32>} : memref<128xi32, #tpu.memory_space<vmem>>, vector<16xi32>,
      "tpu.region"() ({
        %run_scoped3A = tpu.sem_alloc : memref<!tpu.dma_semaphore, #tpu.memory_space<semaphore_mem>>
        %dma_start3A = arith.constant 0 : i32
        %dma_start3A_148 = tpu.memref_slice %arg9[%dma_start3A] : memref<304xi32, #tpu.memory_space<vmem>> -> memref<128xi32, #tpu.memory_space<vmem>>
        %dma_start3A_149 = arith.constant 0 : i32
        %dma_start3A_150 = arith.constant 0 : i32
        %dma_start3A_151 = tpu.memref_slice %arg2[%dma_start3A_149, %dma_start3A_150] : memref<102400x128xf32, #tpu.memory_space<hbm>> -> memref<102400x128xf32, #tpu.memory_space<hbm>>
        tpu.enqueue_indirect_dma source(%dma_start3A_151 : memref<102400x128xf32, #tpu.memory_space<hbm>>) target(%arg12 : memref<128x128xf32, #tpu.memory_space<vmem>>) offsets(%dma_start3A_148 : memref<128xi32, #tpu.memory_space<vmem>>) semaphore(%run_scoped3A : memref<!tpu.dma_semaphore, #tpu.memory_space<semaphore_mem>>)
        %dma_wait3A = arith.constant 0 : i32
        %dma_wait3A_152 = tpu.memref_slice %arg9[%dma_wait3A] : memref<304xi32, #tpu.memory_space<vmem>> -> memref<128xi32, #tpu.memory_space<vmem>>
        %dma_wait3A_153 = arith.constant 0 : i32
        %dma_wait3A_154 = arith.constant 0 : i32
        %dma_wait3A_155 = tpu.memref_slice %arg2[%dma_wait3A_153, %dma_wait3A_154] : memref<102400x128xf32, #tpu.memory_space<hbm>> -> memref<102400x128xf32, #tpu.memory_space<hbm>>
        tpu.wait_indirect_dma semaphore(%run_scoped3A : memref<!tpu.dma_semaphore, #tpu.memory_space<semaphore_mem>>) src(%dma_wait3A_155 : memref<102400x128xf32, #tpu.memory_space<hbm>>) dst(%arg12 : memref<128x128xf32, #tpu.memory_space<vmem>>)
        tpu.yield
      }) : () -> ()
      "tpu.region"() ({
        %run_scoped3A = tpu.sem_alloc : memref<!tpu.dma_semaphore, #tpu.memory_space<semaphore_mem>>
        %dma_start3A = arith.constant 0 : i32
        %dma_start3A_148 = arith.constant 0 : i32
        %dma_start3A_149 = tpu.memref_slice %arg14[%dma_start3A, %dma_start3A_148] : memref<10248x128xf32, #tpu.memory_space<vmem_shared>> -> memref<10248x128xf32, #tpu.memory_space<vmem_shared>>
        tpu.enqueue_indirect_dma source(%arg12 : memref<128x128xf32, #tpu.memory_space<vmem>>) target(%dma_start3A_149 : memref<10248x128xf32, #tpu.memory_space<vmem_shared>>) offsets(%arg11 : memref<128xi32, #tpu.memory_space<vmem>>) semaphore(%run_scoped3A : memref<!tpu.dma_semaphore, #tpu.memory_space<semaphore_mem>>) {add = true}
        %dma_wait3A = arith.constant 0 : i32
        %dma_wait3A_150 = arith.constant 0 : i32
        %dma_wait3A_151 = tpu.memref_slice %arg14[%dma_wait3A, %dma_wait3A_150] : memref<10248x128xf32, #tpu.memory_space<vmem_shared>> -> memref<10248x128xf32, #tpu.memory_space<vmem_shared>>
        tpu.wait_indirect_dma semaphore(%run_scoped3A : memref<!tpu.dma_semaphore, #tpu.memory_space<semaphore_mem>>) src(%arg12 : memref<128x128xf32, #tpu.memory_space<vmem>>) dst(%dma_wait3A_151 : memref<10248x128xf32, #tpu.memory_space<vmem_shared>>)
        tpu.yield
      }) : () -> ()
      %get3A_133 = arith.constant 128 : index
      %get3A_134 = tpu.vector_load %arg9[%get3A_133] {strides = array<i32>} : memref<304xi32, #tpu.memory_space<vmem>>, vector<16xi32>,
      %swap3A_135 = arith.constant 0 : index
      %swap3A_136 = tpu.vector_load %arg9[%swap3A_135] {strides = array<i32>} : memref<304xi32, #tpu.memory_space<vmem>>, vector<16xi32>,
      tpu.vector_store %arg9[%swap3A_135], %get3A_134 {strides = array<i32>} : memref<304xi32, #tpu.memory_space<vmem>>, vector<16xi32>,
      %get3A_137 = arith.constant 128 : index
      %get3A_138 = tpu.vector_load %arg10[%get3A_137] {strides = array<i32>} : memref<304xi32, #tpu.memory_space<vmem>>, vector<16xi32>,
      %swap3A_139 = arith.constant 0 : index
      %swap3A_140 = tpu.vector_load %arg10[%swap3A_139] {strides = array<i32>} : memref<304xi32, #tpu.memory_space<vmem>>, vector<16xi32>,
      tpu.vector_store %arg10[%swap3A_139], %get3A_138 {strides = array<i32>} : memref<304xi32, #tpu.memory_space<vmem>>, vector<16xi32>,
      %sub3A = arith.constant 128 : i32
      %sub3A_141 = arith.subi %scan3A_26, %sub3A : i32
      %barrier3A_142 = arith.constant 0 : index
      tpu.barrier barrier_id(%barrier3A_142)
      %mul3A_143 = arith.constant 640 : i32
      %mul3A_144 = arith.muli %arg1, %mul3A_143 : i32
      %mul3A_145 = arith.constant 640 : i32
      %mul3A_146 = arith.muli %arg1, %mul3A_145 : i32
      %add3A_147 = arith.addi %mul3A_13, %mul3A_146 : i32
      "tpu.region"() ({
        %run_scoped3A = tpu.sem_alloc : memref<!tpu.dma_semaphore, #tpu.memory_space<semaphore_mem>>
        %dma_start3A = arith.constant 0 : i32
        %dma_start3A_148 = tpu.memref_slice %arg6[%add3A_147, %dma_start3A] : memref<102400x128xf32, #tpu.memory_space<hbm>> -> memref<640x128xf32, #tpu.memory_space<hbm>>
        %dma_start3A_149 = arith.constant 0 : i32
        %dma_start3A_150 = tpu.memref_slice %arg14[%mul3A_144, %dma_start3A_149] : memref<10248x128xf32, #tpu.memory_space<vmem_shared>> -> memref<640x128xf32, #tpu.memory_space<vmem_shared>>
        tpu.enqueue_dma source(%dma_start3A_150 : memref<640x128xf32, #tpu.memory_space<vmem_shared>>) target(%dma_start3A_148 : memref<640x128xf32, #tpu.memory_space<hbm>>) target_semaphore(%run_scoped3A : memref<!tpu.dma_semaphore, #tpu.memory_space<semaphore_mem>>)
        %dma_wait3A = arith.constant 0 : i32
        %dma_wait3A_151 = tpu.memref_slice %arg6[%add3A_147, %dma_wait3A] : memref<102400x128xf32, #tpu.memory_space<hbm>> -> memref<640x128xf32, #tpu.memory_space<hbm>>
        %dma_wait3A_152 = arith.constant 0 : i32
        %dma_wait3A_153 = tpu.memref_slice %arg14[%mul3A_144, %dma_wait3A_152] : memref<10248x128xf32, #tpu.memory_space<vmem_shared>> -> memref<640x128xf32, #tpu.memory_space<vmem_shared>>
        tpu.wait_dma2 semaphore(%run_scoped3A : memref<!tpu.dma_semaphore, #tpu.memory_space<semaphore_mem>>) src(%dma_wait3A_153 : memref<640x128xf32, #tpu.memory_space<vmem_shared>>) dst(%dma_wait3A_151 : memref<640x128xf32, #tpu.memory_space<hbm>>)
        tpu.yield
      }) : () -> ()
    }
    %scan3A_4 = arith.constant 5 : i32
    return
  }
}

#map = affine_map<(d0, d1) -> (0, 0)>
#map1 = affine_map<(d0, d1) -> (0)>
module attributes {stable_mosaic.version = 14 : i64} {
  func.func @body(%arg0: i32, %arg1: i32, %arg2: memref<102400x128xf32, #tpu.memory_space<hbm>>, %arg3: memref<102400xi32, #tpu.memory_space<hbm>>, %arg4: memref<34x128xf32, #tpu.memory_space<hbm>>, %arg5: memref<1024x128xf32, #tpu.memory_space<hbm>>, %arg6: memref<128x128xf32, #tpu.memory_space<vmem>>, %arg7: memref<128xi32, #tpu.memory_space<vmem>>, %arg8: memref<34x128xf32, #tpu.memory_space<vmem>>, %arg9: memref<544x128xf32, #tpu.memory_space<vmem_shared>>) attributes {dimension_semantics = [#tpu.dimension_semantics<core_parallel>, #tpu.dimension_semantics<subcore_parallel>], iteration_bounds = array<i64: 2, 16>, scalar_prefetch = 0 : i64, scratch_operands = 4 : i64, tpu.core_type = #tpu.core_type<sc_vector_subcore>, window_params = [{transform_indices = #map}, {transform_indices = #map1}, {transform_indices = #map}, {transform_indices = #map}]} {
    "tpu.region"() ({
      %run_scoped3A = tpu.sem_alloc : memref<!tpu.dma_semaphore, #tpu.memory_space<semaphore_mem>>
      tpu.enqueue_dma source(%arg4 : memref<34x128xf32, #tpu.memory_space<hbm>>) target(%arg8 : memref<34x128xf32, #tpu.memory_space<vmem>>) target_semaphore(%run_scoped3A : memref<!tpu.dma_semaphore, #tpu.memory_space<semaphore_mem>>)
      tpu.wait_dma2 semaphore(%run_scoped3A : memref<!tpu.dma_semaphore, #tpu.memory_space<semaphore_mem>>) src(%arg4 : memref<34x128xf32, #tpu.memory_space<hbm>>) dst(%arg8 : memref<34x128xf32, #tpu.memory_space<vmem>>)
      tpu.yield
    }) : () -> ()
    %mul3A = arith.constant 34 : i32
    %mul3A_0 = arith.muli %arg1, %mul3A : i32
    "tpu.region"() ({
      %run_scoped3A = tpu.sem_alloc : memref<!tpu.dma_semaphore, #tpu.memory_space<semaphore_mem>>
      %dma_start3A = arith.constant 0 : i32
      %dma_start3A_17 = tpu.memref_slice %arg9[%mul3A_0, %dma_start3A] : memref<544x128xf32, #tpu.memory_space<vmem_shared>> -> memref<34x128xf32, #tpu.memory_space<vmem_shared>>
      %dma_start3A_18 = arith.constant 0 : i32
      %dma_start3A_19 = tpu.memref_slice %arg9[%mul3A_0, %dma_start3A_18] : memref<544x128xf32, #tpu.memory_space<vmem_shared>> -> memref<34x128xf32, #tpu.memory_space<vmem_shared>>
      tpu.enqueue_dma source(%arg8 : memref<34x128xf32, #tpu.memory_space<vmem>>) target(%dma_start3A_19 : memref<34x128xf32, #tpu.memory_space<vmem_shared>>) target_semaphore(%run_scoped3A : memref<!tpu.dma_semaphore, #tpu.memory_space<semaphore_mem>>)
      %dma_wait3A = arith.constant 0 : i32
      %dma_wait3A_20 = tpu.memref_slice %arg9[%mul3A_0, %dma_wait3A] : memref<544x128xf32, #tpu.memory_space<vmem_shared>> -> memref<34x128xf32, #tpu.memory_space<vmem_shared>>
      %dma_wait3A_21 = arith.constant 0 : i32
      %dma_wait3A_22 = tpu.memref_slice %arg9[%mul3A_0, %dma_wait3A_21] : memref<544x128xf32, #tpu.memory_space<vmem_shared>> -> memref<34x128xf32, #tpu.memory_space<vmem_shared>>
      tpu.wait_dma2 semaphore(%run_scoped3A : memref<!tpu.dma_semaphore, #tpu.memory_space<semaphore_mem>>) src(%arg8 : memref<34x128xf32, #tpu.memory_space<vmem>>) dst(%dma_wait3A_22 : memref<34x128xf32, #tpu.memory_space<vmem_shared>>)
      tpu.yield
    }) : () -> ()
    %barrier3A = arith.constant 0 : index
    tpu.barrier barrier_id(%barrier3A)
    %mul3A_1 = arith.constant 51200 : i32
    %mul3A_2 = arith.muli %arg0, %mul3A_1 : i32
    %mul3A_3 = arith.constant 3200 : i32
    %mul3A_4 = arith.muli %arg1, %mul3A_3 : i32
    %add3A = arith.addi %mul3A_2, %mul3A_4 : i32
    %scan3A = arith.constant 0 : i32
    %scan3A_5 = arith.constant 25 : i32
    %scan3A_6 = arith.addi %scan3A, %scan3A_5 : i32
    %scan3A_7 = arith.constant 1 : i32
    scf.for %scan3A_17 = %scan3A to %scan3A_6 step %scan3A_7  : i32 {
      %mul3A_18 = arith.constant 1 : i32
      %mul3A_19 = arith.muli %scan3A_17, %mul3A_18 : i32
      %add3A_20 = arith.constant 0 : i32
      %add3A_21 = arith.addi %add3A_20, %mul3A_19 : i32
      %mul3A_22 = arith.constant 128 : i32
      %mul3A_23 = arith.muli %add3A_21, %mul3A_22 : i32
      %add3A_24 = arith.addi %add3A, %mul3A_23 : i32
      "tpu.region"() ({
        %run_scoped3A = tpu.sem_alloc : memref<!tpu.dma_semaphore, #tpu.memory_space<semaphore_mem>>
        %dma_start3A = arith.constant 0 : i32
        %dma_start3A_28 = tpu.memref_slice %arg2[%add3A_24, %dma_start3A] : memref<102400x128xf32, #tpu.memory_space<hbm>> -> memref<128x128xf32, #tpu.memory_space<hbm>>
        %dma_start3A_29 = arith.constant 0 : i32
        %dma_start3A_30 = tpu.memref_slice %arg2[%add3A_24, %dma_start3A_29] : memref<102400x128xf32, #tpu.memory_space<hbm>> -> memref<128x128xf32, #tpu.memory_space<hbm>>
        tpu.enqueue_dma source(%dma_start3A_30 : memref<128x128xf32, #tpu.memory_space<hbm>>) target(%arg6 : memref<128x128xf32, #tpu.memory_space<vmem>>) target_semaphore(%run_scoped3A : memref<!tpu.dma_semaphore, #tpu.memory_space<semaphore_mem>>)
        %dma_wait3A = arith.constant 0 : i32
        %dma_wait3A_31 = tpu.memref_slice %arg2[%add3A_24, %dma_wait3A] : memref<102400x128xf32, #tpu.memory_space<hbm>> -> memref<128x128xf32, #tpu.memory_space<hbm>>
        %dma_wait3A_32 = arith.constant 0 : i32
        %dma_wait3A_33 = tpu.memref_slice %arg2[%add3A_24, %dma_wait3A_32] : memref<102400x128xf32, #tpu.memory_space<hbm>> -> memref<128x128xf32, #tpu.memory_space<hbm>>
        tpu.wait_dma2 semaphore(%run_scoped3A : memref<!tpu.dma_semaphore, #tpu.memory_space<semaphore_mem>>) src(%dma_wait3A_33 : memref<128x128xf32, #tpu.memory_space<hbm>>) dst(%arg6 : memref<128x128xf32, #tpu.memory_space<vmem>>)
        tpu.yield
      }) : () -> ()
      %mul3A_25 = arith.constant 128 : i32
      %mul3A_26 = arith.muli %add3A_21, %mul3A_25 : i32
      %add3A_27 = arith.addi %add3A, %mul3A_26 : i32
      "tpu.region"() ({
        %run_scoped3A = tpu.sem_alloc : memref<!tpu.dma_semaphore, #tpu.memory_space<semaphore_mem>>
        %dma_start3A = tpu.memref_slice %arg3[%add3A_27] : memref<102400xi32, #tpu.memory_space<hbm>> -> memref<128xi32, #tpu.memory_space<hbm>>
        %dma_start3A_28 = tpu.memref_slice %arg3[%add3A_27] : memref<102400xi32, #tpu.memory_space<hbm>> -> memref<128xi32, #tpu.memory_space<hbm>>
        tpu.enqueue_dma source(%dma_start3A_28 : memref<128xi32, #tpu.memory_space<hbm>>) target(%arg7 : memref<128xi32, #tpu.memory_space<vmem>>) target_semaphore(%run_scoped3A : memref<!tpu.dma_semaphore, #tpu.memory_space<semaphore_mem>>)
        %dma_wait3A = tpu.memref_slice %arg3[%add3A_27] : memref<102400xi32, #tpu.memory_space<hbm>> -> memref<128xi32, #tpu.memory_space<hbm>>
        %dma_wait3A_29 = tpu.memref_slice %arg3[%add3A_27] : memref<102400xi32, #tpu.memory_space<hbm>> -> memref<128xi32, #tpu.memory_space<hbm>>
        tpu.wait_dma2 semaphore(%run_scoped3A : memref<!tpu.dma_semaphore, #tpu.memory_space<semaphore_mem>>) src(%dma_wait3A_29 : memref<128xi32, #tpu.memory_space<hbm>>) dst(%arg7 : memref<128xi32, #tpu.memory_space<vmem>>)
        tpu.yield
      }) : () -> ()
      "tpu.region"() ({
        %run_scoped3A = tpu.sem_alloc : memref<!tpu.dma_semaphore, #tpu.memory_space<semaphore_mem>>
        %dma_start3A = arith.constant 0 : i32
        %dma_start3A_28 = arith.constant 0 : i32
        %dma_start3A_29 = tpu.memref_slice %arg9[%dma_start3A, %dma_start3A_28] : memref<544x128xf32, #tpu.memory_space<vmem_shared>> -> memref<544x128xf32, #tpu.memory_space<vmem_shared>>
        tpu.enqueue_indirect_dma source(%arg6 : memref<128x128xf32, #tpu.memory_space<vmem>>) target(%dma_start3A_29 : memref<544x128xf32, #tpu.memory_space<vmem_shared>>) offsets(%arg7 : memref<128xi32, #tpu.memory_space<vmem>>) semaphore(%run_scoped3A : memref<!tpu.dma_semaphore, #tpu.memory_space<semaphore_mem>>) {add = true}
        %dma_wait3A = arith.constant 0 : i32
        %dma_wait3A_30 = arith.constant 0 : i32
        %dma_wait3A_31 = tpu.memref_slice %arg9[%dma_wait3A, %dma_wait3A_30] : memref<544x128xf32, #tpu.memory_space<vmem_shared>> -> memref<544x128xf32, #tpu.memory_space<vmem_shared>>
        tpu.wait_indirect_dma semaphore(%run_scoped3A : memref<!tpu.dma_semaphore, #tpu.memory_space<semaphore_mem>>) src(%arg6 : memref<128x128xf32, #tpu.memory_space<vmem>>) dst(%dma_wait3A_31 : memref<544x128xf32, #tpu.memory_space<vmem_shared>>)
        tpu.yield
      }) : () -> ()
    }
    %scan3A_8 = arith.constant 25 : i32
    %barrier3A_9 = arith.constant 0 : index
    tpu.barrier barrier_id(%barrier3A_9)
    %mul3A_10 = arith.constant 32 : i32
    %mul3A_11 = arith.muli %arg1, %mul3A_10 : i32
    %mul3A_12 = arith.constant 512 : i32
    %mul3A_13 = arith.muli %arg0, %mul3A_12 : i32
    %mul3A_14 = arith.constant 32 : i32
    %mul3A_15 = arith.muli %arg1, %mul3A_14 : i32
    %add3A_16 = arith.addi %mul3A_13, %mul3A_15 : i32
    "tpu.region"() ({
      %run_scoped3A = tpu.sem_alloc : memref<!tpu.dma_semaphore, #tpu.memory_space<semaphore_mem>>
      %dma_start3A = arith.constant 0 : i32
      %dma_start3A_17 = tpu.memref_slice %arg5[%add3A_16, %dma_start3A] : memref<1024x128xf32, #tpu.memory_space<hbm>> -> memref<32x128xf32, #tpu.memory_space<hbm>>
      %dma_start3A_18 = arith.constant 0 : i32
      %dma_start3A_19 = tpu.memref_slice %arg9[%mul3A_11, %dma_start3A_18] : memref<544x128xf32, #tpu.memory_space<vmem_shared>> -> memref<32x128xf32, #tpu.memory_space<vmem_shared>>
      tpu.enqueue_dma source(%dma_start3A_19 : memref<32x128xf32, #tpu.memory_space<vmem_shared>>) target(%dma_start3A_17 : memref<32x128xf32, #tpu.memory_space<hbm>>) target_semaphore(%run_scoped3A : memref<!tpu.dma_semaphore, #tpu.memory_space<semaphore_mem>>)
      %dma_wait3A = arith.constant 0 : i32
      %dma_wait3A_20 = tpu.memref_slice %arg5[%add3A_16, %dma_wait3A] : memref<1024x128xf32, #tpu.memory_space<hbm>> -> memref<32x128xf32, #tpu.memory_space<hbm>>
      %dma_wait3A_21 = arith.constant 0 : i32
      %dma_wait3A_22 = tpu.memref_slice %arg9[%mul3A_11, %dma_wait3A_21] : memref<544x128xf32, #tpu.memory_space<vmem_shared>> -> memref<32x128xf32, #tpu.memory_space<vmem_shared>>
      tpu.wait_dma2 semaphore(%run_scoped3A : memref<!tpu.dma_semaphore, #tpu.memory_space<semaphore_mem>>) src(%dma_wait3A_22 : memref<32x128xf32, #tpu.memory_space<vmem_shared>>) dst(%dma_wait3A_20 : memref<32x128xf32, #tpu.memory_space<hbm>>)
      tpu.yield
    }) : () -> ()
    return
  }
}

#map = affine_map<(d0, d1) -> (0, 0)>
#map1 = affine_map<(d0, d1) -> (0)>
module attributes {stable_mosaic.version = 14 : i64} {
  func.func @body(%arg0: i32, %arg1: i32, %arg2: memref<102400x48xf32, #tpu.memory_space<hbm>>, %arg3: memref<102400xi32, #tpu.memory_space<hbm>>, %arg4: memref<34x48xf32, #tpu.memory_space<hbm>>, %arg5: memref<1024x48xf32, #tpu.memory_space<hbm>>, %arg6: memref<128x48xf32, #tpu.memory_space<vmem>>, %arg7: memref<128xi32, #tpu.memory_space<vmem>>, %arg8: memref<34x48xf32, #tpu.memory_space<vmem>>, %arg9: memref<544x48xf32, #tpu.memory_space<vmem_shared>>) attributes {dimension_semantics = [#tpu.dimension_semantics<core_parallel>, #tpu.dimension_semantics<subcore_parallel>], iteration_bounds = array<i64: 2, 16>, scalar_prefetch = 0 : i64, scratch_operands = 4 : i64, tpu.core_type = #tpu.core_type<sc_vector_subcore>, window_params = [{transform_indices = #map}, {transform_indices = #map1}, {transform_indices = #map}, {transform_indices = #map}]} {
    "tpu.region"() ({
      %run_scoped3A = tpu.sem_alloc : memref<!tpu.dma_semaphore, #tpu.memory_space<semaphore_mem>>
      tpu.enqueue_dma source(%arg4 : memref<34x48xf32, #tpu.memory_space<hbm>>) target(%arg8 : memref<34x48xf32, #tpu.memory_space<vmem>>) target_semaphore(%run_scoped3A : memref<!tpu.dma_semaphore, #tpu.memory_space<semaphore_mem>>)
      tpu.wait_dma2 semaphore(%run_scoped3A : memref<!tpu.dma_semaphore, #tpu.memory_space<semaphore_mem>>) src(%arg4 : memref<34x48xf32, #tpu.memory_space<hbm>>) dst(%arg8 : memref<34x48xf32, #tpu.memory_space<vmem>>)
      tpu.yield
    }) : () -> ()
    %mul3A = arith.constant 34 : i32
    %mul3A_0 = arith.muli %arg1, %mul3A : i32
    "tpu.region"() ({
      %run_scoped3A = tpu.sem_alloc : memref<!tpu.dma_semaphore, #tpu.memory_space<semaphore_mem>>
      %dma_start3A = arith.constant 0 : i32
      %dma_start3A_17 = tpu.memref_slice %arg9[%mul3A_0, %dma_start3A] : memref<544x48xf32, #tpu.memory_space<vmem_shared>> -> memref<34x48xf32, #tpu.memory_space<vmem_shared>>
      %dma_start3A_18 = arith.constant 0 : i32
      %dma_start3A_19 = tpu.memref_slice %arg9[%mul3A_0, %dma_start3A_18] : memref<544x48xf32, #tpu.memory_space<vmem_shared>> -> memref<34x48xf32, #tpu.memory_space<vmem_shared>>
      tpu.enqueue_dma source(%arg8 : memref<34x48xf32, #tpu.memory_space<vmem>>) target(%dma_start3A_19 : memref<34x48xf32, #tpu.memory_space<vmem_shared>>) target_semaphore(%run_scoped3A : memref<!tpu.dma_semaphore, #tpu.memory_space<semaphore_mem>>)
      %dma_wait3A = arith.constant 0 : i32
      %dma_wait3A_20 = tpu.memref_slice %arg9[%mul3A_0, %dma_wait3A] : memref<544x48xf32, #tpu.memory_space<vmem_shared>> -> memref<34x48xf32, #tpu.memory_space<vmem_shared>>
      %dma_wait3A_21 = arith.constant 0 : i32
      %dma_wait3A_22 = tpu.memref_slice %arg9[%mul3A_0, %dma_wait3A_21] : memref<544x48xf32, #tpu.memory_space<vmem_shared>> -> memref<34x48xf32, #tpu.memory_space<vmem_shared>>
      tpu.wait_dma2 semaphore(%run_scoped3A : memref<!tpu.dma_semaphore, #tpu.memory_space<semaphore_mem>>) src(%arg8 : memref<34x48xf32, #tpu.memory_space<vmem>>) dst(%dma_wait3A_22 : memref<34x48xf32, #tpu.memory_space<vmem_shared>>)
      tpu.yield
    }) : () -> ()
    %barrier3A = arith.constant 0 : index
    tpu.barrier barrier_id(%barrier3A)
    %mul3A_1 = arith.constant 51200 : i32
    %mul3A_2 = arith.muli %arg0, %mul3A_1 : i32
    %mul3A_3 = arith.constant 3200 : i32
    %mul3A_4 = arith.muli %arg1, %mul3A_3 : i32
    %add3A = arith.addi %mul3A_2, %mul3A_4 : i32
    %scan3A = arith.constant 0 : i32
    %scan3A_5 = arith.constant 25 : i32
    %scan3A_6 = arith.addi %scan3A, %scan3A_5 : i32
    %scan3A_7 = arith.constant 1 : i32
    scf.for %scan3A_17 = %scan3A to %scan3A_6 step %scan3A_7  : i32 {
      %mul3A_18 = arith.constant 1 : i32
      %mul3A_19 = arith.muli %scan3A_17, %mul3A_18 : i32
      %add3A_20 = arith.constant 0 : i32
      %add3A_21 = arith.addi %add3A_20, %mul3A_19 : i32
      %mul3A_22 = arith.constant 128 : i32
      %mul3A_23 = arith.muli %add3A_21, %mul3A_22 : i32
      %add3A_24 = arith.addi %add3A, %mul3A_23 : i32
      "tpu.region"() ({
        %run_scoped3A = tpu.sem_alloc : memref<!tpu.dma_semaphore, #tpu.memory_space<semaphore_mem>>
        %dma_start3A = arith.constant 0 : i32
        %dma_start3A_28 = tpu.memref_slice %arg2[%add3A_24, %dma_start3A] : memref<102400x48xf32, #tpu.memory_space<hbm>> -> memref<128x48xf32, #tpu.memory_space<hbm>>
        %dma_start3A_29 = arith.constant 0 : i32
        %dma_start3A_30 = tpu.memref_slice %arg2[%add3A_24, %dma_start3A_29] : memref<102400x48xf32, #tpu.memory_space<hbm>> -> memref<128x48xf32, #tpu.memory_space<hbm>>
        tpu.enqueue_dma source(%dma_start3A_30 : memref<128x48xf32, #tpu.memory_space<hbm>>) target(%arg6 : memref<128x48xf32, #tpu.memory_space<vmem>>) target_semaphore(%run_scoped3A : memref<!tpu.dma_semaphore, #tpu.memory_space<semaphore_mem>>)
        %dma_wait3A = arith.constant 0 : i32
        %dma_wait3A_31 = tpu.memref_slice %arg2[%add3A_24, %dma_wait3A] : memref<102400x48xf32, #tpu.memory_space<hbm>> -> memref<128x48xf32, #tpu.memory_space<hbm>>
        %dma_wait3A_32 = arith.constant 0 : i32
        %dma_wait3A_33 = tpu.memref_slice %arg2[%add3A_24, %dma_wait3A_32] : memref<102400x48xf32, #tpu.memory_space<hbm>> -> memref<128x48xf32, #tpu.memory_space<hbm>>
        tpu.wait_dma2 semaphore(%run_scoped3A : memref<!tpu.dma_semaphore, #tpu.memory_space<semaphore_mem>>) src(%dma_wait3A_33 : memref<128x48xf32, #tpu.memory_space<hbm>>) dst(%arg6 : memref<128x48xf32, #tpu.memory_space<vmem>>)
        tpu.yield
      }) : () -> ()
      %mul3A_25 = arith.constant 128 : i32
      %mul3A_26 = arith.muli %add3A_21, %mul3A_25 : i32
      %add3A_27 = arith.addi %add3A, %mul3A_26 : i32
      "tpu.region"() ({
        %run_scoped3A = tpu.sem_alloc : memref<!tpu.dma_semaphore, #tpu.memory_space<semaphore_mem>>
        %dma_start3A = tpu.memref_slice %arg3[%add3A_27] : memref<102400xi32, #tpu.memory_space<hbm>> -> memref<128xi32, #tpu.memory_space<hbm>>
        %dma_start3A_28 = tpu.memref_slice %arg3[%add3A_27] : memref<102400xi32, #tpu.memory_space<hbm>> -> memref<128xi32, #tpu.memory_space<hbm>>
        tpu.enqueue_dma source(%dma_start3A_28 : memref<128xi32, #tpu.memory_space<hbm>>) target(%arg7 : memref<128xi32, #tpu.memory_space<vmem>>) target_semaphore(%run_scoped3A : memref<!tpu.dma_semaphore, #tpu.memory_space<semaphore_mem>>)
        %dma_wait3A = tpu.memref_slice %arg3[%add3A_27] : memref<102400xi32, #tpu.memory_space<hbm>> -> memref<128xi32, #tpu.memory_space<hbm>>
        %dma_wait3A_29 = tpu.memref_slice %arg3[%add3A_27] : memref<102400xi32, #tpu.memory_space<hbm>> -> memref<128xi32, #tpu.memory_space<hbm>>
        tpu.wait_dma2 semaphore(%run_scoped3A : memref<!tpu.dma_semaphore, #tpu.memory_space<semaphore_mem>>) src(%dma_wait3A_29 : memref<128xi32, #tpu.memory_space<hbm>>) dst(%arg7 : memref<128xi32, #tpu.memory_space<vmem>>)
        tpu.yield
      }) : () -> ()
      "tpu.region"() ({
        %run_scoped3A = tpu.sem_alloc : memref<!tpu.dma_semaphore, #tpu.memory_space<semaphore_mem>>
        %dma_start3A = arith.constant 0 : i32
        %dma_start3A_28 = arith.constant 0 : i32
        %dma_start3A_29 = tpu.memref_slice %arg9[%dma_start3A, %dma_start3A_28] : memref<544x48xf32, #tpu.memory_space<vmem_shared>> -> memref<544x48xf32, #tpu.memory_space<vmem_shared>>
        tpu.enqueue_indirect_dma source(%arg6 : memref<128x48xf32, #tpu.memory_space<vmem>>) target(%dma_start3A_29 : memref<544x48xf32, #tpu.memory_space<vmem_shared>>) offsets(%arg7 : memref<128xi32, #tpu.memory_space<vmem>>) semaphore(%run_scoped3A : memref<!tpu.dma_semaphore, #tpu.memory_space<semaphore_mem>>) {add = true}
        %dma_wait3A = arith.constant 0 : i32
        %dma_wait3A_30 = arith.constant 0 : i32
        %dma_wait3A_31 = tpu.memref_slice %arg9[%dma_wait3A, %dma_wait3A_30] : memref<544x48xf32, #tpu.memory_space<vmem_shared>> -> memref<544x48xf32, #tpu.memory_space<vmem_shared>>
        tpu.wait_indirect_dma semaphore(%run_scoped3A : memref<!tpu.dma_semaphore, #tpu.memory_space<semaphore_mem>>) src(%arg6 : memref<128x48xf32, #tpu.memory_space<vmem>>) dst(%dma_wait3A_31 : memref<544x48xf32, #tpu.memory_space<vmem_shared>>)
        tpu.yield
      }) : () -> ()
    }
    %scan3A_8 = arith.constant 25 : i32
    %barrier3A_9 = arith.constant 0 : index
    tpu.barrier barrier_id(%barrier3A_9)
    %mul3A_10 = arith.constant 32 : i32
    %mul3A_11 = arith.muli %arg1, %mul3A_10 : i32
    %mul3A_12 = arith.constant 512 : i32
    %mul3A_13 = arith.muli %arg0, %mul3A_12 : i32
    %mul3A_14 = arith.constant 32 : i32
    %mul3A_15 = arith.muli %arg1, %mul3A_14 : i32
    %add3A_16 = arith.addi %mul3A_13, %mul3A_15 : i32
    "tpu.region"() ({
      %run_scoped3A = tpu.sem_alloc : memref<!tpu.dma_semaphore, #tpu.memory_space<semaphore_mem>>
      %dma_start3A = arith.constant 0 : i32
      %dma_start3A_17 = tpu.memref_slice %arg5[%add3A_16, %dma_start3A] : memref<1024x48xf32, #tpu.memory_space<hbm>> -> memref<32x48xf32, #tpu.memory_space<hbm>>
      %dma_start3A_18 = arith.constant 0 : i32
      %dma_start3A_19 = tpu.memref_slice %arg9[%mul3A_11, %dma_start3A_18] : memref<544x48xf32, #tpu.memory_space<vmem_shared>> -> memref<32x48xf32, #tpu.memory_space<vmem_shared>>
      tpu.enqueue_dma source(%dma_start3A_19 : memref<32x48xf32, #tpu.memory_space<vmem_shared>>) target(%dma_start3A_17 : memref<32x48xf32, #tpu.memory_space<hbm>>) target_semaphore(%run_scoped3A : memref<!tpu.dma_semaphore, #tpu.memory_space<semaphore_mem>>)
      %dma_wait3A = arith.constant 0 : i32
      %dma_wait3A_20 = tpu.memref_slice %arg5[%add3A_16, %dma_wait3A] : memref<1024x48xf32, #tpu.memory_space<hbm>> -> memref<32x48xf32, #tpu.memory_space<hbm>>
      %dma_wait3A_21 = arith.constant 0 : i32
      %dma_wait3A_22 = tpu.memref_slice %arg9[%mul3A_11, %dma_wait3A_21] : memref<544x48xf32, #tpu.memory_space<vmem_shared>> -> memref<32x48xf32, #tpu.memory_space<vmem_shared>>
      tpu.wait_dma2 semaphore(%run_scoped3A : memref<!tpu.dma_semaphore, #tpu.memory_space<semaphore_mem>>) src(%dma_wait3A_22 : memref<32x48xf32, #tpu.memory_space<vmem_shared>>) dst(%dma_wait3A_20 : memref<32x48xf32, #tpu.memory_space<hbm>>)
      tpu.yield
    }) : () -> ()
    return
  }
}

#map = affine_map<(d0, d1) -> (0, 0)>
#map1 = affine_map<(d0, d1) -> (0)>
module attributes {stable_mosaic.version = 14 : i64} {
  func.func @body(%arg0: i32, %arg1: i32, %arg2: memref<102400x128xf32, #tpu.memory_space<hbm>>, %arg3: memref<102400xi32, #tpu.memory_space<hbm>>, %arg4: memref<34x128xf32, #tpu.memory_space<hbm>>, %arg5: memref<1024x128xf32, #tpu.memory_space<hbm>>, %arg6: memref<128x128xf32, #tpu.memory_space<vmem>>, %arg7: memref<128xi32, #tpu.memory_space<vmem>>, %arg8: memref<34x128xf32, #tpu.memory_space<vmem>>, %arg9: memref<544x128xf32, #tpu.memory_space<vmem_shared>>) attributes {dimension_semantics = [#tpu.dimension_semantics<core_parallel>, #tpu.dimension_semantics<subcore_parallel>], iteration_bounds = array<i64: 2, 16>, scalar_prefetch = 0 : i64, scratch_operands = 4 : i64, tpu.core_type = #tpu.core_type<sc_vector_subcore>, window_params = [{transform_indices = #map}, {transform_indices = #map1}, {transform_indices = #map}, {transform_indices = #map}]} {
    "tpu.region"() ({
      %run_scoped3A = tpu.sem_alloc : memref<!tpu.dma_semaphore, #tpu.memory_space<semaphore_mem>>
      tpu.enqueue_dma source(%arg4 : memref<34x128xf32, #tpu.memory_space<hbm>>) target(%arg8 : memref<34x128xf32, #tpu.memory_space<vmem>>) target_semaphore(%run_scoped3A : memref<!tpu.dma_semaphore, #tpu.memory_space<semaphore_mem>>)
      tpu.wait_dma2 semaphore(%run_scoped3A : memref<!tpu.dma_semaphore, #tpu.memory_space<semaphore_mem>>) src(%arg4 : memref<34x128xf32, #tpu.memory_space<hbm>>) dst(%arg8 : memref<34x128xf32, #tpu.memory_space<vmem>>)
      tpu.yield
    }) : () -> ()
    %mul3A = arith.constant 34 : i32
    %mul3A_0 = arith.muli %arg1, %mul3A : i32
    "tpu.region"() ({
      %run_scoped3A = tpu.sem_alloc : memref<!tpu.dma_semaphore, #tpu.memory_space<semaphore_mem>>
      %dma_start3A = arith.constant 0 : i32
      %dma_start3A_17 = tpu.memref_slice %arg9[%mul3A_0, %dma_start3A] : memref<544x128xf32, #tpu.memory_space<vmem_shared>> -> memref<34x128xf32, #tpu.memory_space<vmem_shared>>
      %dma_start3A_18 = arith.constant 0 : i32
      %dma_start3A_19 = tpu.memref_slice %arg9[%mul3A_0, %dma_start3A_18] : memref<544x128xf32, #tpu.memory_space<vmem_shared>> -> memref<34x128xf32, #tpu.memory_space<vmem_shared>>
      tpu.enqueue_dma source(%arg8 : memref<34x128xf32, #tpu.memory_space<vmem>>) target(%dma_start3A_19 : memref<34x128xf32, #tpu.memory_space<vmem_shared>>) target_semaphore(%run_scoped3A : memref<!tpu.dma_semaphore, #tpu.memory_space<semaphore_mem>>)
      %dma_wait3A = arith.constant 0 : i32
      %dma_wait3A_20 = tpu.memref_slice %arg9[%mul3A_0, %dma_wait3A] : memref<544x128xf32, #tpu.memory_space<vmem_shared>> -> memref<34x128xf32, #tpu.memory_space<vmem_shared>>
      %dma_wait3A_21 = arith.constant 0 : i32
      %dma_wait3A_22 = tpu.memref_slice %arg9[%mul3A_0, %dma_wait3A_21] : memref<544x128xf32, #tpu.memory_space<vmem_shared>> -> memref<34x128xf32, #tpu.memory_space<vmem_shared>>
      tpu.wait_dma2 semaphore(%run_scoped3A : memref<!tpu.dma_semaphore, #tpu.memory_space<semaphore_mem>>) src(%arg8 : memref<34x128xf32, #tpu.memory_space<vmem>>) dst(%dma_wait3A_22 : memref<34x128xf32, #tpu.memory_space<vmem_shared>>)
      tpu.yield
    }) : () -> ()
    %barrier3A = arith.constant 0 : index
    tpu.barrier barrier_id(%barrier3A)
    %mul3A_1 = arith.constant 51200 : i32
    %mul3A_2 = arith.muli %arg0, %mul3A_1 : i32
    %mul3A_3 = arith.constant 3200 : i32
    %mul3A_4 = arith.muli %arg1, %mul3A_3 : i32
    %add3A = arith.addi %mul3A_2, %mul3A_4 : i32
    %scan3A = arith.constant 0 : i32
    %scan3A_5 = arith.constant 25 : i32
    %scan3A_6 = arith.addi %scan3A, %scan3A_5 : i32
    %scan3A_7 = arith.constant 1 : i32
    scf.for %scan3A_17 = %scan3A to %scan3A_6 step %scan3A_7  : i32 {
      %mul3A_18 = arith.constant 1 : i32
      %mul3A_19 = arith.muli %scan3A_17, %mul3A_18 : i32
      %add3A_20 = arith.constant 0 : i32
      %add3A_21 = arith.addi %add3A_20, %mul3A_19 : i32
      %mul3A_22 = arith.constant 128 : i32
      %mul3A_23 = arith.muli %add3A_21, %mul3A_22 : i32
      %add3A_24 = arith.addi %add3A, %mul3A_23 : i32
      "tpu.region"() ({
        %run_scoped3A = tpu.sem_alloc : memref<!tpu.dma_semaphore, #tpu.memory_space<semaphore_mem>>
        %dma_start3A = arith.constant 0 : i32
        %dma_start3A_28 = tpu.memref_slice %arg2[%add3A_24, %dma_start3A] : memref<102400x128xf32, #tpu.memory_space<hbm>> -> memref<128x128xf32, #tpu.memory_space<hbm>>
        %dma_start3A_29 = arith.constant 0 : i32
        %dma_start3A_30 = tpu.memref_slice %arg2[%add3A_24, %dma_start3A_29] : memref<102400x128xf32, #tpu.memory_space<hbm>> -> memref<128x128xf32, #tpu.memory_space<hbm>>
        tpu.enqueue_dma source(%dma_start3A_30 : memref<128x128xf32, #tpu.memory_space<hbm>>) target(%arg6 : memref<128x128xf32, #tpu.memory_space<vmem>>) target_semaphore(%run_scoped3A : memref<!tpu.dma_semaphore, #tpu.memory_space<semaphore_mem>>)
        %dma_wait3A = arith.constant 0 : i32
        %dma_wait3A_31 = tpu.memref_slice %arg2[%add3A_24, %dma_wait3A] : memref<102400x128xf32, #tpu.memory_space<hbm>> -> memref<128x128xf32, #tpu.memory_space<hbm>>
        %dma_wait3A_32 = arith.constant 0 : i32
        %dma_wait3A_33 = tpu.memref_slice %arg2[%add3A_24, %dma_wait3A_32] : memref<102400x128xf32, #tpu.memory_space<hbm>> -> memref<128x128xf32, #tpu.memory_space<hbm>>
        tpu.wait_dma2 semaphore(%run_scoped3A : memref<!tpu.dma_semaphore, #tpu.memory_space<semaphore_mem>>) src(%dma_wait3A_33 : memref<128x128xf32, #tpu.memory_space<hbm>>) dst(%arg6 : memref<128x128xf32, #tpu.memory_space<vmem>>)
        tpu.yield
      }) : () -> ()
      %mul3A_25 = arith.constant 128 : i32
      %mul3A_26 = arith.muli %add3A_21, %mul3A_25 : i32
      %add3A_27 = arith.addi %add3A, %mul3A_26 : i32
      "tpu.region"() ({
        %run_scoped3A = tpu.sem_alloc : memref<!tpu.dma_semaphore, #tpu.memory_space<semaphore_mem>>
        %dma_start3A = tpu.memref_slice %arg3[%add3A_27] : memref<102400xi32, #tpu.memory_space<hbm>> -> memref<128xi32, #tpu.memory_space<hbm>>
        %dma_start3A_28 = tpu.memref_slice %arg3[%add3A_27] : memref<102400xi32, #tpu.memory_space<hbm>> -> memref<128xi32, #tpu.memory_space<hbm>>
        tpu.enqueue_dma source(%dma_start3A_28 : memref<128xi32, #tpu.memory_space<hbm>>) target(%arg7 : memref<128xi32, #tpu.memory_space<vmem>>) target_semaphore(%run_scoped3A : memref<!tpu.dma_semaphore, #tpu.memory_space<semaphore_mem>>)
        %dma_wait3A = tpu.memref_slice %arg3[%add3A_27] : memref<102400xi32, #tpu.memory_space<hbm>> -> memref<128xi32, #tpu.memory_space<hbm>>
        %dma_wait3A_29 = tpu.memref_slice %arg3[%add3A_27] : memref<102400xi32, #tpu.memory_space<hbm>> -> memref<128xi32, #tpu.memory_space<hbm>>
        tpu.wait_dma2 semaphore(%run_scoped3A : memref<!tpu.dma_semaphore, #tpu.memory_space<semaphore_mem>>) src(%dma_wait3A_29 : memref<128xi32, #tpu.memory_space<hbm>>) dst(%arg7 : memref<128xi32, #tpu.memory_space<vmem>>)
        tpu.yield
      }) : () -> ()
      "tpu.region"() ({
        %run_scoped3A = tpu.sem_alloc : memref<!tpu.dma_semaphore, #tpu.memory_space<semaphore_mem>>
        %dma_start3A = arith.constant 0 : i32
        %dma_start3A_28 = arith.constant 0 : i32
        %dma_start3A_29 = tpu.memref_slice %arg9[%dma_start3A, %dma_start3A_28] : memref<544x128xf32, #tpu.memory_space<vmem_shared>> -> memref<544x128xf32, #tpu.memory_space<vmem_shared>>
        tpu.enqueue_indirect_dma source(%arg6 : memref<128x128xf32, #tpu.memory_space<vmem>>) target(%dma_start3A_29 : memref<544x128xf32, #tpu.memory_space<vmem_shared>>) offsets(%arg7 : memref<128xi32, #tpu.memory_space<vmem>>) semaphore(%run_scoped3A : memref<!tpu.dma_semaphore, #tpu.memory_space<semaphore_mem>>) {add = true}
        %dma_wait3A = arith.constant 0 : i32
        %dma_wait3A_30 = arith.constant 0 : i32
        %dma_wait3A_31 = tpu.memref_slice %arg9[%dma_wait3A, %dma_wait3A_30] : memref<544x128xf32, #tpu.memory_space<vmem_shared>> -> memref<544x128xf32, #tpu.memory_space<vmem_shared>>
        tpu.wait_indirect_dma semaphore(%run_scoped3A : memref<!tpu.dma_semaphore, #tpu.memory_space<semaphore_mem>>) src(%arg6 : memref<128x128xf32, #tpu.memory_space<vmem>>) dst(%dma_wait3A_31 : memref<544x128xf32, #tpu.memory_space<vmem_shared>>)
        tpu.yield
      }) : () -> ()
    }
    %scan3A_8 = arith.constant 25 : i32
    %barrier3A_9 = arith.constant 0 : index
    tpu.barrier barrier_id(%barrier3A_9)
    %mul3A_10 = arith.constant 32 : i32
    %mul3A_11 = arith.muli %arg1, %mul3A_10 : i32
    %mul3A_12 = arith.constant 512 : i32
    %mul3A_13 = arith.muli %arg0, %mul3A_12 : i32
    %mul3A_14 = arith.constant 32 : i32
    %mul3A_15 = arith.muli %arg1, %mul3A_14 : i32
    %add3A_16 = arith.addi %mul3A_13, %mul3A_15 : i32
    "tpu.region"() ({
      %run_scoped3A = tpu.sem_alloc : memref<!tpu.dma_semaphore, #tpu.memory_space<semaphore_mem>>
      %dma_start3A = arith.constant 0 : i32
      %dma_start3A_17 = tpu.memref_slice %arg5[%add3A_16, %dma_start3A] : memref<1024x128xf32, #tpu.memory_space<hbm>> -> memref<32x128xf32, #tpu.memory_space<hbm>>
      %dma_start3A_18 = arith.constant 0 : i32
      %dma_start3A_19 = tpu.memref_slice %arg9[%mul3A_11, %dma_start3A_18] : memref<544x128xf32, #tpu.memory_space<vmem_shared>> -> memref<32x128xf32, #tpu.memory_space<vmem_shared>>
      tpu.enqueue_dma source(%dma_start3A_19 : memref<32x128xf32, #tpu.memory_space<vmem_shared>>) target(%dma_start3A_17 : memref<32x128xf32, #tpu.memory_space<hbm>>) target_semaphore(%run_scoped3A : memref<!tpu.dma_semaphore, #tpu.memory_space<semaphore_mem>>)
      %dma_wait3A = arith.constant 0 : i32
      %dma_wait3A_20 = tpu.memref_slice %arg5[%add3A_16, %dma_wait3A] : memref<1024x128xf32, #tpu.memory_space<hbm>> -> memref<32x128xf32, #tpu.memory_space<hbm>>
      %dma_wait3A_21 = arith.constant 0 : i32
      %dma_wait3A_22 = tpu.memref_slice %arg9[%mul3A_11, %dma_wait3A_21] : memref<544x128xf32, #tpu.memory_space<vmem_shared>> -> memref<32x128xf32, #tpu.memory_space<vmem_shared>>
      tpu.wait_dma2 semaphore(%run_scoped3A : memref<!tpu.dma_semaphore, #tpu.memory_space<semaphore_mem>>) src(%dma_wait3A_22 : memref<32x128xf32, #tpu.memory_space<vmem_shared>>) dst(%dma_wait3A_20 : memref<32x128xf32, #tpu.memory_space<hbm>>)
      tpu.yield
    }) : () -> ()
    return
  }
}

module attributes {stable_mosaic.version = 14 : i64} {
  func.func @_mlp_body(%arg0: i32, %arg1: memref<1x1xf32, #tpu.memory_space<smem>>, %arg2: memref<512x48xf32, #tpu.memory_space<vmem>>, %arg3: memref<512x48xf32, #tpu.memory_space<vmem>>, %arg4: memref<48x128xf32, #tpu.memory_space<vmem>>, %arg5: memref<1x128xf32, #tpu.memory_space<vmem>>, %arg6: memref<128x128xf32, #tpu.memory_space<vmem>>, %arg7: memref<1x128xf32, #tpu.memory_space<vmem>>, %arg8: memref<512x128xf32, #tpu.memory_space<vmem>>) attributes {dimension_semantics = [#tpu.dimension_semantics<arbitrary>], iteration_bounds = array<i64: 200>, scalar_prefetch = 0 : i64, scratch_operands = 0 : i64, tpu.core_type = #tpu.core_type<tc>, window_params = [{transform_indices = @transform_0, window_bounds = array<i64: 1, 1>}, {transform_indices = @transform_1, window_bounds = array<i64: 512, 48>}, {transform_indices = @transform_2, window_bounds = array<i64: 512, 48>}, {pipeline_mode = #tpu.pipeline_mode<synchronous>, transform_indices = @transform_3, window_bounds = array<i64: 48, 128>}, {pipeline_mode = #tpu.pipeline_mode<synchronous>, transform_indices = @transform_4, window_bounds = array<i64: 1, 128>}, {pipeline_mode = #tpu.pipeline_mode<synchronous>, transform_indices = @transform_5, window_bounds = array<i64: 128, 128>}, {pipeline_mode = #tpu.pipeline_mode<synchronous>, transform_indices = @transform_6, window_bounds = array<i64: 1, 128>}, {transform_indices = @transform_7, window_bounds = array<i64: 512, 128>}]} {
    %get3A = arith.constant 0 : index
    %get3A_0 = arith.constant 0 : index
    %get3A_1 = memref.load %arg1[%get3A, %get3A_0] : memref<1x1xf32, #tpu.memory_space<smem>>
    %add3A = arith.constant 1.000000e+00 : f32
    %add3A_2 = arith.addf %add3A, %get3A_1 : f32
    %get3A_3 = arith.constant 0 : index
    %get3A_4 = arith.constant 0 : index
    %get3A_5 = vector.load %arg2[%get3A_3, %get3A_4] : memref<512x48xf32, #tpu.memory_space<vmem>>, vector<512x48xf32>
    %mul3A = vector.broadcast %add3A_2 : f32 to vector<512x48xf32>
    %mul3A_6 = arith.mulf %mul3A, %get3A_5 : vector<512x48xf32>
    %get3A_7 = arith.constant 0 : index
    %get3A_8 = arith.constant 0 : index
    %get3A_9 = vector.load %arg3[%get3A_7, %get3A_8] : memref<512x48xf32, #tpu.memory_space<vmem>>, vector<512x48xf32>
    %add3A_10 = arith.addf %mul3A_6, %get3A_9 : vector<512x48xf32>
    %get3A_11 = arith.constant 0 : index
    %get3A_12 = arith.constant 0 : index
    %get3A_13 = vector.load %arg4[%get3A_11, %get3A_12] : memref<48x128xf32, #tpu.memory_space<vmem>>, vector<48x128xf32>
    %dot_general3A = arith.constant dense<0.000000e+00> : vector<512x128xf32>
    %dot_general3A_14 = tpu.matmul %add3A_10, %get3A_13, %dot_general3A {dimension_numbers = #tpu.dot_dimension_numbers<[1], [0], [0], [1], [0, 0, 1, 1], [], []>, transpose_lhs_hint = false} : vector<512x48xf32>, vector<48x128xf32>, vector<512x128xf32> -> vector<512x128xf32>
    %get3A_15 = arith.constant 0 : index
    %get3A_16 = arith.constant 0 : index
    %get3A_17 = vector.load %arg5[%get3A_15, %get3A_16] : memref<1x128xf32, #tpu.memory_space<vmem>>, vector<1x128xf32>
    %add3A_18 = vector.broadcast %get3A_17 : vector<1x128xf32> to vector<512x128xf32>
    %add3A_19 = arith.addf %dot_general3A_14, %add3A_18 : vector<512x128xf32>
    %max3A = arith.constant 0.000000e+00 : f32
    %max3A_20 = vector.broadcast %max3A : f32 to vector<512x128xf32>
    %max3A_21 = arith.maximumf %add3A_19, %max3A_20 : vector<512x128xf32>
    %get3A_22 = arith.constant 0 : index
    %get3A_23 = arith.constant 0 : index
    %get3A_24 = vector.load %arg6[%get3A_22, %get3A_23] : memref<128x128xf32, #tpu.memory_space<vmem>>, vector<128x128xf32>
    %dot_general3A_25 = arith.constant dense<0.000000e+00> : vector<512x128xf32>
    %dot_general3A_26 = tpu.matmul %max3A_21, %get3A_24, %dot_general3A_25 {dimension_numbers = #tpu.dot_dimension_numbers<[1], [0], [0], [1], [0, 0, 1, 1], [], []>, transpose_lhs_hint = false} : vector<512x128xf32>, vector<128x128xf32>, vector<512x128xf32> -> vector<512x128xf32>
    %get3A_27 = arith.constant 0 : index
    %get3A_28 = arith.constant 0 : index
    %get3A_29 = vector.load %arg7[%get3A_27, %get3A_28] : memref<1x128xf32, #tpu.memory_space<vmem>>, vector<1x128xf32>
    %add3A_30 = vector.broadcast %get3A_29 : vector<1x128xf32> to vector<512x128xf32>
    %add3A_31 = arith.addf %dot_general3A_26, %add3A_30 : vector<512x128xf32>
    %swap3A = arith.constant 0 : index
    %swap3A_32 = arith.constant 0 : index
    %swap3A_33 = vector.load %arg8[%swap3A, %swap3A_32] : memref<512x128xf32, #tpu.memory_space<vmem>>, vector<512x128xf32>
    tpu.vector_store %arg8[%swap3A, %swap3A_32], %add3A_31 {strides = array<i32>} : memref<512x128xf32, #tpu.memory_space<vmem>>, vector<512x128xf32>,
    return
  }
  func.func @transform_0(%arg0: i32) -> (i32, i32) {
    %c0_i32 = arith.constant 0 : i32
    %c0_i32_0 = arith.constant 0 : i32
    %c0_i32_1 = arith.constant 0 : i32
    return %c0_i32, %c0_i32_0 : i32, i32
  }
  func.func @transform_1(%arg0: i32) -> (i32, i32) {
    %c0_i32 = arith.constant 0 : i32
    %c0_i32_0 = arith.constant 0 : i32
    return %arg0, %c0_i32 : i32, i32
  }
  func.func @transform_2(%arg0: i32) -> (i32, i32) {
    %c0_i32 = arith.constant 0 : i32
    %c0_i32_0 = arith.constant 0 : i32
    return %arg0, %c0_i32 : i32, i32
  }
  func.func @transform_3(%arg0: i32) -> (i32, i32) {
    %c0_i32 = arith.constant 0 : i32
    %c0_i32_0 = arith.constant 0 : i32
    %c0_i32_1 = arith.constant 0 : i32
    return %c0_i32, %c0_i32_0 : i32, i32
  }
  func.func @transform_4(%arg0: i32) -> (i32, i32) {
    %c0_i32 = arith.constant 0 : i32
    %c0_i32_0 = arith.constant 0 : i32
    %c0_i32_1 = arith.constant 0 : i32
    return %c0_i32, %c0_i32_0 : i32, i32
  }
  func.func @transform_5(%arg0: i32) -> (i32, i32) {
    %c0_i32 = arith.constant 0 : i32
    %c0_i32_0 = arith.constant 0 : i32
    %c0_i32_1 = arith.constant 0 : i32
    return %c0_i32, %c0_i32_0 : i32, i32
  }
  func.func @transform_6(%arg0: i32) -> (i32, i32) {
    %c0_i32 = arith.constant 0 : i32
    %c0_i32_0 = arith.constant 0 : i32
    %c0_i32_1 = arith.constant 0 : i32
    return %c0_i32, %c0_i32_0 : i32, i32
  }
  func.func @transform_7(%arg0: i32) -> (i32, i32) {
    %c0_i32 = arith.constant 0 : i32
    %c0_i32_0 = arith.constant 0 : i32
    return %arg0, %c0_i32 : i32, i32
  }
}

module attributes {stable_mosaic.version = 14 : i64} {
  func.func @_mlp_body(%arg0: i32, %arg1: memref<1x1xf32, #tpu.memory_space<smem>>, %arg2: memref<512x128xf32, #tpu.memory_space<vmem>>, %arg3: memref<512x128xf32, #tpu.memory_space<vmem>>, %arg4: memref<128x128xf32, #tpu.memory_space<vmem>>, %arg5: memref<1x128xf32, #tpu.memory_space<vmem>>, %arg6: memref<128x128xf32, #tpu.memory_space<vmem>>, %arg7: memref<1x128xf32, #tpu.memory_space<vmem>>, %arg8: memref<512x128xf32, #tpu.memory_space<vmem>>) attributes {dimension_semantics = [#tpu.dimension_semantics<arbitrary>], iteration_bounds = array<i64: 200>, scalar_prefetch = 0 : i64, scratch_operands = 0 : i64, tpu.core_type = #tpu.core_type<tc>, window_params = [{transform_indices = @transform_0, window_bounds = array<i64: 1, 1>}, {transform_indices = @transform_1, window_bounds = array<i64: 512, 128>}, {transform_indices = @transform_2, window_bounds = array<i64: 512, 128>}, {pipeline_mode = #tpu.pipeline_mode<synchronous>, transform_indices = @transform_3, window_bounds = array<i64: 128, 128>}, {pipeline_mode = #tpu.pipeline_mode<synchronous>, transform_indices = @transform_4, window_bounds = array<i64: 1, 128>}, {pipeline_mode = #tpu.pipeline_mode<synchronous>, transform_indices = @transform_5, window_bounds = array<i64: 128, 128>}, {pipeline_mode = #tpu.pipeline_mode<synchronous>, transform_indices = @transform_6, window_bounds = array<i64: 1, 128>}, {transform_indices = @transform_7, window_bounds = array<i64: 512, 128>}]} {
    %get3A = arith.constant 0 : index
    %get3A_0 = arith.constant 0 : index
    %get3A_1 = memref.load %arg1[%get3A, %get3A_0] : memref<1x1xf32, #tpu.memory_space<smem>>
    %add3A = arith.constant 1.000000e+00 : f32
    %add3A_2 = arith.addf %add3A, %get3A_1 : f32
    %get3A_3 = arith.constant 0 : index
    %get3A_4 = arith.constant 0 : index
    %get3A_5 = vector.load %arg2[%get3A_3, %get3A_4] : memref<512x128xf32, #tpu.memory_space<vmem>>, vector<512x128xf32>
    %mul3A = vector.broadcast %add3A_2 : f32 to vector<512x128xf32>
    %mul3A_6 = arith.mulf %mul3A, %get3A_5 : vector<512x128xf32>
    %get3A_7 = arith.constant 0 : index
    %get3A_8 = arith.constant 0 : index
    %get3A_9 = vector.load %arg3[%get3A_7, %get3A_8] : memref<512x128xf32, #tpu.memory_space<vmem>>, vector<512x128xf32>
    %add3A_10 = arith.addf %mul3A_6, %get3A_9 : vector<512x128xf32>
    %get3A_11 = arith.constant 0 : index
    %get3A_12 = arith.constant 0 : index
    %get3A_13 = vector.load %arg4[%get3A_11, %get3A_12] : memref<128x128xf32, #tpu.memory_space<vmem>>, vector<128x128xf32>
    %dot_general3A = arith.constant dense<0.000000e+00> : vector<512x128xf32>
    %dot_general3A_14 = tpu.matmul %add3A_10, %get3A_13, %dot_general3A {dimension_numbers = #tpu.dot_dimension_numbers<[1], [0], [0], [1], [0, 0, 1, 1], [], []>, transpose_lhs_hint = false} : vector<512x128xf32>, vector<128x128xf32>, vector<512x128xf32> -> vector<512x128xf32>
    %get3A_15 = arith.constant 0 : index
    %get3A_16 = arith.constant 0 : index
    %get3A_17 = vector.load %arg5[%get3A_15, %get3A_16] : memref<1x128xf32, #tpu.memory_space<vmem>>, vector<1x128xf32>
    %add3A_18 = vector.broadcast %get3A_17 : vector<1x128xf32> to vector<512x128xf32>
    %add3A_19 = arith.addf %dot_general3A_14, %add3A_18 : vector<512x128xf32>
    %max3A = arith.constant 0.000000e+00 : f32
    %max3A_20 = vector.broadcast %max3A : f32 to vector<512x128xf32>
    %max3A_21 = arith.maximumf %add3A_19, %max3A_20 : vector<512x128xf32>
    %get3A_22 = arith.constant 0 : index
    %get3A_23 = arith.constant 0 : index
    %get3A_24 = vector.load %arg6[%get3A_22, %get3A_23] : memref<128x128xf32, #tpu.memory_space<vmem>>, vector<128x128xf32>
    %dot_general3A_25 = arith.constant dense<0.000000e+00> : vector<512x128xf32>
    %dot_general3A_26 = tpu.matmul %max3A_21, %get3A_24, %dot_general3A_25 {dimension_numbers = #tpu.dot_dimension_numbers<[1], [0], [0], [1], [0, 0, 1, 1], [], []>, transpose_lhs_hint = false} : vector<512x128xf32>, vector<128x128xf32>, vector<512x128xf32> -> vector<512x128xf32>
    %get3A_27 = arith.constant 0 : index
    %get3A_28 = arith.constant 0 : index
    %get3A_29 = vector.load %arg7[%get3A_27, %get3A_28] : memref<1x128xf32, #tpu.memory_space<vmem>>, vector<1x128xf32>
    %add3A_30 = vector.broadcast %get3A_29 : vector<1x128xf32> to vector<512x128xf32>
    %add3A_31 = arith.addf %dot_general3A_26, %add3A_30 : vector<512x128xf32>
    %swap3A = arith.constant 0 : index
    %swap3A_32 = arith.constant 0 : index
    %swap3A_33 = vector.load %arg8[%swap3A, %swap3A_32] : memref<512x128xf32, #tpu.memory_space<vmem>>, vector<512x128xf32>
    tpu.vector_store %arg8[%swap3A, %swap3A_32], %add3A_31 {strides = array<i32>} : memref<512x128xf32, #tpu.memory_space<vmem>>, vector<512x128xf32>,
    return
  }
  func.func @transform_0(%arg0: i32) -> (i32, i32) {
    %c0_i32 = arith.constant 0 : i32
    %c0_i32_0 = arith.constant 0 : i32
    %c0_i32_1 = arith.constant 0 : i32
    return %c0_i32, %c0_i32_0 : i32, i32
  }
  func.func @transform_1(%arg0: i32) -> (i32, i32) {
    %c0_i32 = arith.constant 0 : i32
    %c0_i32_0 = arith.constant 0 : i32
    return %arg0, %c0_i32 : i32, i32
  }
  func.func @transform_2(%arg0: i32) -> (i32, i32) {
    %c0_i32 = arith.constant 0 : i32
    %c0_i32_0 = arith.constant 0 : i32
    return %arg0, %c0_i32 : i32, i32
  }
  func.func @transform_3(%arg0: i32) -> (i32, i32) {
    %c0_i32 = arith.constant 0 : i32
    %c0_i32_0 = arith.constant 0 : i32
    %c0_i32_1 = arith.constant 0 : i32
    return %c0_i32, %c0_i32_0 : i32, i32
  }
  func.func @transform_4(%arg0: i32) -> (i32, i32) {
    %c0_i32 = arith.constant 0 : i32
    %c0_i32_0 = arith.constant 0 : i32
    %c0_i32_1 = arith.constant 0 : i32
    return %c0_i32, %c0_i32_0 : i32, i32
  }
  func.func @transform_5(%arg0: i32) -> (i32, i32) {
    %c0_i32 = arith.constant 0 : i32
    %c0_i32_0 = arith.constant 0 : i32
    %c0_i32_1 = arith.constant 0 : i32
    return %c0_i32, %c0_i32_0 : i32, i32
  }
  func.func @transform_6(%arg0: i32) -> (i32, i32) {
    %c0_i32 = arith.constant 0 : i32
    %c0_i32_0 = arith.constant 0 : i32
    %c0_i32_1 = arith.constant 0 : i32
    return %c0_i32, %c0_i32_0 : i32, i32
  }
  func.func @transform_7(%arg0: i32) -> (i32, i32) {
    %c0_i32 = arith.constant 0 : i32
    %c0_i32_0 = arith.constant 0 : i32
    return %arg0, %c0_i32 : i32, i32
  }
}

module attributes {stable_mosaic.version = 14 : i64} {
  func.func @_head_body(%arg0: memref<1024x48xf32, #tpu.memory_space<vmem>>, %arg1: memref<1024x128xf32, #tpu.memory_space<vmem>>, %arg2: memref<1024x128xf32, #tpu.memory_space<vmem>>, %arg3: memref<304x64xf32, #tpu.memory_space<vmem>>, %arg4: memref<1x64xf32, #tpu.memory_space<vmem>>, %arg5: memref<1x64xf32, #tpu.memory_space<vmem>>, %arg6: memref<1x64xf32, #tpu.memory_space<vmem>>, %arg7: memref<64x24xf32, #tpu.memory_space<vmem>>, %arg8: memref<1x24xf32, #tpu.memory_space<vmem>>, %arg9: memref<512x24xf32, #tpu.memory_space<vmem>>) attributes {dimension_semantics = [], scalar_prefetch = 0 : i64, scratch_operands = 0 : i64, tpu.core_type = #tpu.core_type<tc>} {
    %get3A = arith.constant 0 : index
    %get3A_0 = arith.constant 0 : index
    %get3A_1 = vector.load %arg0[%get3A, %get3A_0] : memref<1024x48xf32, #tpu.memory_space<vmem>>, vector<512x48xf32>
    %get3A_2 = arith.constant 512 : index
    %get3A_3 = arith.constant 0 : index
    %get3A_4 = vector.load %arg0[%get3A_2, %get3A_3] : memref<1024x48xf32, #tpu.memory_space<vmem>>, vector<512x48xf32>
    %add3A = arith.addf %get3A_1, %get3A_4 : vector<512x48xf32>
    %get3A_5 = arith.constant 0 : index
    %get3A_6 = arith.constant 0 : index
    %get3A_7 = vector.load %arg1[%get3A_5, %get3A_6] : memref<1024x128xf32, #tpu.memory_space<vmem>>, vector<512x128xf32>
    %get3A_8 = arith.constant 512 : index
    %get3A_9 = arith.constant 0 : index
    %get3A_10 = vector.load %arg1[%get3A_8, %get3A_9] : memref<1024x128xf32, #tpu.memory_space<vmem>>, vector<512x128xf32>
    %add3A_11 = arith.addf %get3A_7, %get3A_10 : vector<512x128xf32>
    %get3A_12 = arith.constant 0 : index
    %get3A_13 = arith.constant 0 : index
    %get3A_14 = vector.load %arg2[%get3A_12, %get3A_13] : memref<1024x128xf32, #tpu.memory_space<vmem>>, vector<512x128xf32>
    %get3A_15 = arith.constant 512 : index
    %get3A_16 = arith.constant 0 : index
    %get3A_17 = vector.load %arg2[%get3A_15, %get3A_16] : memref<1024x128xf32, #tpu.memory_space<vmem>>, vector<512x128xf32>
    %add3A_18 = arith.addf %get3A_14, %get3A_17 : vector<512x128xf32>
    %concatenate3A = tpu.concatenate %add3A, %add3A_11, %add3A_18 in 1 : vector<512x48xf32>, vector<512x128xf32>, vector<512x128xf32> -> vector<512x304xf32>
    %get3A_19 = arith.constant 0 : index
    %get3A_20 = arith.constant 0 : index
    %get3A_21 = vector.load %arg3[%get3A_19, %get3A_20] : memref<304x64xf32, #tpu.memory_space<vmem>>, vector<304x64xf32>
    %dot_general3A = arith.constant dense<0.000000e+00> : vector<512x64xf32>
    %dot_general3A_22 = tpu.matmul %concatenate3A, %get3A_21, %dot_general3A {dimension_numbers = #tpu.dot_dimension_numbers<[1], [0], [0], [1], [0, 0, 1, 1], [], []>, transpose_lhs_hint = false} : vector<512x304xf32>, vector<304x64xf32>, vector<512x64xf32> -> vector<512x64xf32>
    %get3A_23 = arith.constant 0 : index
    %get3A_24 = arith.constant 0 : index
    %get3A_25 = vector.load %arg4[%get3A_23, %get3A_24] : memref<1x64xf32, #tpu.memory_space<vmem>>, vector<1x64xf32>
    %add3A_26 = vector.broadcast %get3A_25 : vector<1x64xf32> to vector<512x64xf32>
    %add3A_27 = arith.addf %dot_general3A_22, %add3A_26 : vector<512x64xf32>
    %reduce_sum3A = arith.constant dense<0.000000e+00> : vector<512xf32>
    %reduce_sum3A_28 = vector.multi_reduction <add>, %add3A_27, %reduce_sum3A [1] : vector<512x64xf32> to vector<512xf32>
    %broadcast_in_dim3A = vector.shape_cast %reduce_sum3A_28 : vector<512xf32> to vector<512x1xf32>
    %div3A = arith.constant 6.400000e+01 : f32
    %div3A_29 = vector.broadcast %div3A : f32 to vector<512x1xf32>
    %div3A_30 = arith.divf %broadcast_in_dim3A, %div3A_29 : vector<512x1xf32>
    %sub3A = vector.broadcast %div3A_30 : vector<512x1xf32> to vector<512x64xf32>
    %sub3A_31 = arith.subf %add3A_27, %sub3A : vector<512x64xf32>
    %integer_pow3A = arith.mulf %sub3A_31, %sub3A_31 : vector<512x64xf32>
    %reduce_sum3A_32 = arith.constant dense<0.000000e+00> : vector<512xf32>
    %reduce_sum3A_33 = vector.multi_reduction <add>, %integer_pow3A, %reduce_sum3A_32 [1] : vector<512x64xf32> to vector<512xf32>
    %broadcast_in_dim3A_34 = vector.shape_cast %reduce_sum3A_33 : vector<512xf32> to vector<512x1xf32>
    %div3A_35 = arith.constant 6.400000e+01 : f32
    %div3A_36 = vector.broadcast %div3A_35 : f32 to vector<512x1xf32>
    %div3A_37 = arith.divf %broadcast_in_dim3A_34, %div3A_36 : vector<512x1xf32>
    %sub3A_38 = vector.broadcast %div3A_30 : vector<512x1xf32> to vector<512x64xf32>
    %sub3A_39 = arith.subf %add3A_27, %sub3A_38 : vector<512x64xf32>
    %add3A_40 = arith.constant 9.99999974E-6 : f32
    %add3A_41 = vector.broadcast %add3A_40 : f32 to vector<512x1xf32>
    %add3A_42 = arith.addf %div3A_37, %add3A_41 : vector<512x1xf32>
    %rsqrt3A = math.rsqrt %add3A_42 : vector<512x1xf32>
    %mul3A = vector.broadcast %rsqrt3A : vector<512x1xf32> to vector<512x64xf32>
    %mul3A_43 = arith.mulf %sub3A_39, %mul3A : vector<512x64xf32>
    %get3A_44 = arith.constant 0 : index
    %get3A_45 = arith.constant 0 : index
    %get3A_46 = vector.load %arg5[%get3A_44, %get3A_45] : memref<1x64xf32, #tpu.memory_space<vmem>>, vector<1x64xf32>
    %mul3A_47 = vector.broadcast %get3A_46 : vector<1x64xf32> to vector<512x64xf32>
    %mul3A_48 = arith.mulf %mul3A_43, %mul3A_47 : vector<512x64xf32>
    %get3A_49 = arith.constant 0 : index
    %get3A_50 = arith.constant 0 : index
    %get3A_51 = vector.load %arg6[%get3A_49, %get3A_50] : memref<1x64xf32, #tpu.memory_space<vmem>>, vector<1x64xf32>
    %add3A_52 = vector.broadcast %get3A_51 : vector<1x64xf32> to vector<512x64xf32>
    %add3A_53 = arith.addf %mul3A_48, %add3A_52 : vector<512x64xf32>
    %ge3A = arith.constant 0.000000e+00 : f32
    %ge3A_54 = vector.broadcast %ge3A : f32 to vector<512x64xf32>
    %ge3A_55 = arith.cmpf oge, %add3A_53, %ge3A_54 : vector<512x64xf32>
    %mul3A_56 = arith.constant 0.00999999977 : f32
    %mul3A_57 = vector.broadcast %mul3A_56 : f32 to vector<512x64xf32>
    %mul3A_58 = arith.mulf %mul3A_57, %add3A_53 : vector<512x64xf32>
    %select_n3A = arith.select %ge3A_55, %add3A_53, %mul3A_58 : vector<512x64xi1>, vector<512x64xf32>
    %get3A_59 = arith.constant 0 : index
    %get3A_60 = arith.constant 0 : index
    %get3A_61 = vector.load %arg7[%get3A_59, %get3A_60] : memref<64x24xf32, #tpu.memory_space<vmem>>, vector<64x24xf32>
    %dot_general3A_62 = arith.constant dense<0.000000e+00> : vector<512x24xf32>
    %dot_general3A_63 = tpu.matmul %select_n3A, %get3A_61, %dot_general3A_62 {dimension_numbers = #tpu.dot_dimension_numbers<[1], [0], [0], [1], [0, 0, 1, 1], [], []>, transpose_lhs_hint = false} : vector<512x64xf32>, vector<64x24xf32>, vector<512x24xf32> -> vector<512x24xf32>
    %get3A_64 = arith.constant 0 : index
    %get3A_65 = arith.constant 0 : index
    %get3A_66 = vector.load %arg8[%get3A_64, %get3A_65] : memref<1x24xf32, #tpu.memory_space<vmem>>, vector<1x24xf32>
    %add3A_67 = vector.broadcast %get3A_66 : vector<1x24xf32> to vector<512x24xf32>
    %add3A_68 = arith.addf %dot_general3A_63, %add3A_67 : vector<512x24xf32>
    %swap3A = arith.constant 0 : index
    %swap3A_69 = arith.constant 0 : index
    %swap3A_70 = vector.load %arg9[%swap3A, %swap3A_69] : memref<512x24xf32, #tpu.memory_space<vmem>>, vector<512x24xf32>
    tpu.vector_store %arg9[%swap3A, %swap3A_69], %add3A_68 {strides = array<i32>} : memref<512x24xf32, #tpu.memory_space<vmem>>, vector<512x24xf32>,
    return
  }
}

</mosaic_0001>

<sc_bundles>
// kernel: kernel.10.cloned.1.call-start
scs
__scs_entry_jumppad:
0x0: {  	(pc) =	sbr.rel $0x88, $3  }
0x1: {  	(tag) =	ssettag $0x0;
	lr =	simm.s32 $0x1  }
0x2: {  	[smem:$0x3F8E] =	sst lr;
	_ =	strace $0xD0000000  }
0x3: {  	_ = 	snop  }
0x4: {  	_ = 	snop  }
0x5: {  	_ = 	snop  }
0x6: {  	_ = 	snop  }
0x7: {  	_ = 	snop  }
__scs_overlays_trampoline_lowered:
0x8: {  	[smem:$0x3F9D] =	sst s0  }
0x9: {  	[smem:$0x3F9E] =	sst s1  }
0xa: {  	[smem:$0x3F9F] =	sst s2  }
0xb: {  	[smem:$0x3FA0] =	sst s3  }
0xc: {  	[smem:$0x3FA1] =	sst s4  }
0xd: {  	[smem:$0x3FA2] =	sst s5  }
0xe: {  	[smem:$0x3FA3] =	sst s6  }
0xf: {  	[smem:$0x3FA4] =	sst s7  }
0x10: {  	[smem:$0x3FA5] =	sst s8  }
0x11: {  	[smem:$0x3FA6] =	sst s9;
	s0 =	simm.s32 @!p0 $0x0  }
0x12: {  	s1 =	sld [smem:$0x3F8C];
	s0 =	simm.s32 @p0 $0x1  }
0x13: {  	[smem:$0x3FA7] =	sst s0;
	s0 =	simm.s32 @!p1 $0x0  }
0x14: {  	s2 =	sld [smem:$0x3F8B];
	s0 =	simm.s32 @p1 $0x1  }
0x15: {  	[smem:$0x3FA8] =	sst s0;
	s0 =	simm.s32 @!p2 $0x0  }
0x16: {  	s3 =	sld [smem:$0x3FDB];
	s0 =	simm.s32 @p2 $0x1  }
0x17: {  	s4 =	simm.s32 $0x1BF5;
	[smem:$0x3FAA] =	sst s0  }
0x18: {  	s0 =	sld [smem:$0x3F8D];
	_ =	swait.ge [sflag:s4], $0x0  }
0x19: {  	s7 =	sld [smem:$0x3F8E]  }
0x1a: {  	s8 =	sadd.s32 $0xFFFFE003, lr  }
0x1b: {  	s9 =	sadd.s32 $0xFFFFFEF7, lr;
	s5 =	simm.s32 $0xFFFFFFFF;
	p2 =	slt.u32 s8, $0xFFFFF086  }
0x1c: {  	p1 =	slt.u32 s9, $0xF7A;
	s5 =	simm.s32 @!p2 $0x0  }
0x1d: {  	s5 =	simm.s32 @p1 $0x1;
	p0 =	seq.s32 s7, s2  }
0x1e: {  	s7 =	smul.u32 @!p0 $0xF7A, s2;
	p2 =	seq.s32 @!p0 s5, $0x0  }
0x1f: {  	s9 =	smul.u32 $0xF7A, s1;
	s8 =	simm.s32 @!p0 $0x1BF5;
	p2 =	por !p2, p0  }
0x20: {  	[sflag:s8] =	ssyncset.s32 @!p0 $0xFFFFF086;
	s6 =	sadd.s32 @!p0 s3, s7;
	s7 =	simm.s32 @!p0 $0x108  }
0x21: {  	s3 =	sadd.s32 s3, s9;
	s6 =	sadd.s32 @!p0 $0x88, s6;
	s7 =	simm.s32 @p2 $0x1082  }
0x22: {  	[simem:s7], [sflag:s8] =	dma.local @!p0 [hbm:s6], $0xF7A  }
0x23: {  	s9 =	sor.u32 $0xD0000000, s2;
	s6 =	simm.s32 $0x108;
	_ =	swait.ge @!p0 [sflag:s8], $0x0  }
0x24: {  	s3 =	sadd.s32 $0x88, s3;
	s6 =	simm.s32 @!p1 $0x1082;
	[sflag:s4] =	ssyncset.s32 $0xFFFFF086  }
0x25: {  	[simem:s6], [sflag:s4] =	dma.local [hbm:s3], $0xF7A  }
0x26: {  	[smem:$0x3F8E] =	sst s1;
	(tag) =	ssettag s2;
	_ =	strace s9  }
0x27: {  	s1 =	sld [smem:$0x3F9E]  }
0x28: {  	s2 =	sld [smem:$0x3F9F]  }
0x29: {  	s4 =	sld [smem:$0x3FA1]  }
0x2a: {  	p0 =	seq.s32 s5, $0x0;
	s5 =	sld [smem:$0x3FA2]  }
0x2b: {  	s6 =	sld [smem:$0x3FA3]  }
0x2c: {  	s7 =	sld [smem:$0x3FA4]  }
0x2d: {  	s3 =	simm.s32 $0x108;
	s8 =	sld [smem:$0x3FA5]  }
0x2e: {  	s3 =	simm.s32 @!p0 $0x1082;
	s9 =	sld [smem:$0x3FA6]  }
0x2f: {  	lr =	sadd.s32 s0, s3;
	s0 =	sld [smem:$0x3F9D]  }
0x30: {  	s3 =	sld [smem:$0x3FA0]  }
0x31: {  	[smem:$0x3FA9] =	sst s10  }
0x32: {  	s10 =	sld [smem:$0x3FA7];
	_ =	sdelay $0x3  }
0x33: {  	p0 =	seq.s32 s10, $0x1;
	s10 =	sld [smem:$0x3FA9];
	_ =	sdelay $0x3  }
0x34: {  	[smem:$0x3FA9] =	sst s10  }
0x35: {  	s10 =	sld [smem:$0x3FA8];
	_ =	sdelay $0x3  }
0x36: {  	p1 =	seq.s32 s10, $0x1;
	s10 =	sld [smem:$0x3FA9];
	_ =	sdelay $0x3  }
0x37: {  	[smem:$0x3FA9] =	sst s10  }
0x38: {  	s10 =	sld [smem:$0x3FAA]  }
0x39: {  	_ = 	snop;
	(pc) =	sbr.ind lr, $3  }
0x3a: {  	_ = 	snop  }
0x3b: {  	_ = 	snop  }
0x3c: {  	p2 =	seq.s32 s10, $0x1;
	s10 =	sld [smem:$0x3FA9]  }
0x3d: {  	_ =	shalt  }
0x3e: {  	_ =	shalt  }
0x3f: {  	_ =	shalt  }
0x40: {  	_ =	shalt  }
0x41: {  	_ =	shalt  }
0x42: {  	_ =	shalt  }
0x43: {  	_ =	shalt  }
0x44: {  	_ =	shalt  }
0x45: {  	_ =	shalt  }
0x46: {  	_ =	shalt  }
0x47: {  	_ =	shalt  }
0x48: {  	_ =	shalt  }
0x49: {  	_ =	shalt  }
0x4a: {  	_ =	shalt  }
0x4b: {  	_ =	shalt  }
0x4c: {  	_ =	shalt  }
0x4d: {  	_ =	shalt  }
0x4e: {  	_ =	shalt  }
0x4f: {  	_ =	shalt  }
0x50: {  	_ =	shalt  }
0x51: {  	_ =	shalt  }
0x52: {  	_ =	shalt  }
0x53: {  	_ =	shalt  }
0x54: {  	_ =	shalt  }
0x55: {  	_ =	shalt  }
0x56: {  	_ =	shalt  }
0x57: {  	_ =	shalt  }
0x58: {  	_ =	shalt  }
0x59: {  	_ =	shalt  }
0x5a: {  	_ =	shalt  }
0x5b: {  	_ =	shalt  }
0x5c: {  	_ =	shalt  }
0x5d: {  	_ =	shalt  }
0x5e: {  	_ =	shalt  }
0x5f: {  	_ =	shalt  }
0x60: {  	_ =	shalt  }
0x61: {  	_ =	shalt  }
0x62: {  	_ =	shalt  }
0x63: {  	_ =	shalt  }
0x64: {  	_ =	shalt  }
0x65: {  	_ =	shalt  }
0x66: {  	_ =	shalt  }
0x67: {  	_ =	shalt  }
0x68: {  	_ =	shalt  }
0x69: {  	_ =	shalt  }
0x6a: {  	_ =	shalt  }
0x6b: {  	_ =	shalt  }
0x6c: {  	_ =	shalt  }
0x6d: {  	_ =	shalt  }
0x6e: {  	_ =	shalt  }
0x6f: {  	_ =	shalt  }
0x70: {  	_ =	shalt  }
0x71: {  	_ =	shalt  }
0x72: {  	_ =	shalt  }
0x73: {  	_ =	shalt  }
0x74: {  	_ =	shalt  }
0x75: {  	_ =	shalt  }
0x76: {  	_ =	shalt  }
0x77: {  	_ =	shalt  }
0x78: {  	_ =	shalt  }
0x79: {  	_ =	shalt  }
0x7a: {  	_ =	shalt  }
0x7b: {  	_ =	shalt  }
0x7c: {  	_ =	shalt  }
0x7d: {  	_ =	shalt  }
0x7e: {  	_ =	shalt  }
0x7f: {  	_ =	shalt  }
0x80: {  	_ =	shalt  }
0x81: {  	_ =	shalt  }
0x82: {  	_ =	shalt  }
0x83: {  	_ =	shalt  }
0x84: {  	_ =	shalt  }
0x85: {  	_ =	shalt  }
0x86: {  	_ =	shalt  }
0x87: {  	_ =	shalt  }
.Lfunc_end0:
.L_simem_size_0:
called_computation_lowered:
.L_overlay_start_0:
0x88: {  	s2 =	sld [smem:$0x3FD9]  }
0x89: {  	s3 =	sld [smem:$0x3FFE];
	_ =	sdelay $0x1  }
0x8a: {  	s1 =	srdreg.scid  }
0x8b: {  	s0 =	sand.u32 $0x1, s1  }
0x8c: {  	s17 =	sshll.u32 s0, $0xA;
	s2 =	sadd.s32 s3, s2  }
0x8d: {  	s2 =	sadd.s32 s2, s17  }
0x8e: {  	[smem:$0x3FB5] =	sst s2  }
0x8f: {  	_ = 	snop  }
0x90: {  	s2 =	sld [smem:$0x3FD0];
	(tm) =	ssettm $0x1  }
0x91: {  	s18 =	sld [smem:$0x3FFB];
	_ =	sdelay $0x3  }
0x92: {  	_ =	strace s18  }
0x93: {  	s3 =	sld [smem:$0x3FFC];
	_ =	sdelay $0x3  }
0x94: {  	_ =	strace s3  }
0x95: {  	s3 =	sld [smem:$0x3FFD];
	_ =	sdelay $0x3  }
0x96: {  	_ =	strace s3  }
0x97: {  	_ =	strace $0x8FFFFFFF  }
0x98: {  	s19 =	sld [smem:$0x3FDB];
	_ =	sdelay $0x1  }
0x99: {  	s4 =	simm.s32 $_scs_section_size  }
0x9a: {  	s5 =	simm.s32 $_size__tile_overlayer_lowered;
	s6 =	simm.s32 $_tile_overlayer_lowered  }
0x9b: {  	s22 =	simm.s32 $0x1BFF;
	s21 =	sshll.u32 s6, $0x1;
	s3 =	sadd.s32 s4, s19  }
0x9c: {  	s7 =	simm.s32 $0x0;
	s20 =	sshll.u32 s5, $0x1;
	s5 =	sadd.s32 s21, s3  }
0x9d: {  	[timem:s7], [sflag:s22] =	dma.local [hbm:s5], s20  }
0x9e: {  	_ =	swait.ge [sflag:s22], s20  }
0x9f: {  	s4 =	ssub.s32 $0x0, s20;
	[sflag:s22] =	ssyncset.done $0x0  }
0xa0: {  	[sflag:s22] =	ssyncadd.s32 s4;
	_ =	sdelay $0x1  }
0xa1: {  	s23 =	simm.s32 $0x1B8B  }
0xa2: {  	_ =	swait.ge [sflag:s23], $0x1  }
0xa3: {  	[sflag:s23] =	ssyncset.done $0x0  }
0xa4: {  	s25 =	simm.s32 $0x1B8E;
	s24 =	sld [smem:$0x3FFE];
	[sflag:s23] =	ssyncadd.s32 $0xFFFFFFFF  }
0xa5: {  	s26 =	simm.s32 $execute0_lowered;
	[smem:$0x3FD2] =	sst s25  }
0xa6: {  	s5 =	sshll.u32 s26, $0x1;
	_ =	strace $0x80000046;
	[dreg:$0x1] =	wrdreg $0xFFFFFFFF  }
0xa7: {  	s28 =	simm.s32 $_size_execute0_lowered;
	s3 =	sadd.s32 s3, s5;
	[dreg:$0x0] =	wrdreg $0x0  }
0xa8: {  	s5 =	sshll.u32 s28, $0x1;
	[dreg:$0x2] =	wrdreg s3  }
0xa9: {  	[dreg:$0x3] =	wrdreg s5  }
0xaa: {  	[dreg:$0x4] =	wrdreg $0xC0  }
0xab: {  	_ =	task [dreg:s7], $0x5FFFF  }
0xac: {  	[dreg:$0x1] =	wrdreg $0xFFFFFFFF  }
0xad: {  	[dreg:$0x0] =	wrdreg $0x60  }
0xae: {  	[dreg:$0x2] =	wrdreg s24  }
0xaf: {  	[dreg:$0x3] =	wrdreg s2  }
0xb0: {  	[dreg:$0x4] =	wrdreg $0x48800  }
0xb1: {  	[dreg:$0x5] =	wrdreg $0x9  }
0xb2: {  	_ =	task.clear_ibuf [dreg:s7], $0x6FFFF;
	_ =	strace $0x90000046  }
0xb3: {  	s29 =	simm.s32 $0x9;
	_ =	strace $0x80000048  }
0xb4: {  	_ =	swait.ge [sflag:s29], $0x1  }
0xb5: {  	[sflag:s29] =	ssyncadd.s32 $0xFFFFFFFF  }
0xb6: {  	_ =	strace $0x90000048  }
0xb7: {  	_ =	sfence  }
0xb8: {  	s30 =	sld [smem:$0x0];
	_ =	sdelay $0x2  }
0xb9: {  	s31 =	sshll.u32 s1, $0xD;
	s1 =	sshrl.u32 s1, $0x2  }
0xba: {  	s3 =	sand.u32 $0x4000, s31;
	s1 =	sadd.s32 s1, s30  }
0xbb: {  	s0 =	sor.u32 s3, s0;
	s1 =	sshll.u32 s1, $0x11  }
0xbc: {  	s0 =	sor.u32 s1, s0  }
0xbd: {  	s0 =	sadd.s32 $0x8F2B, s0  }
0xbe: {  	[sflag:s0] =	ssyncadd.remote.s32 $0x1  }
0xbf: {  	_ =	sfence.sel $0xFFFF  }
0xc0: {  	[dreg:$0x0] =	wrdreg $0xFFFFFFFF;
	(pc) =	sbr.abs _section_cstart, $3  }
0xc1: {  	[dreg:$0x1] =	wrdreg $0xFFFFFFFF  }
0xc2: {  	_ =	task.clear_ibuf [dreg:s7], $0x2FFFF;
	_ =	strace $0x9FFFFFFF  }
0xc3: {  	(tm) =	ssettm $0x7FFFFFFF  }
tec
execute0_lowered:
.L_overlay_start_1:
0x0: {  	(tag) =	ssettag $0x1  }
0x1: {  	s0 =	rddreg [dreg:$0x0]  }
0x2: {  	s2 =	rddreg [dreg:$0x2];
	s1 =	simm.s32 $0x0  }
0x3: {  	s28 =	srdreg.scid;
	s4 =	stileid.u32;
	s23 =	simm.s32 $0x2A80  }
0x4: {  	s24 =	simm.s32 $0x1;
	s25 =	simm.s32 $0x7D0;
	s26 =	simm.s32 $0x80  }
0x5: {  	s29 =	simm.s32 $0x1280;
	[smem:$0x7FF] =	sst s1;
	s5 =	sadd.s32 $0x4200, s0  }
0x6: {  	s6 =	sadd.s32 $0xCB000, s0;
	s3 =	sand.u32 $0x1, s28;
	s30 =	smul.u32 $0x4B000, s4  }
0x7: {  	s8 =	sadd.s32 $0x9A200, s0;
	s0 =	sadd.s32 $0x31AC00, s0;
	s10 =	smul.u32 $0x186A0, s4  }
0x8: {  	s11 =	smul.u32 $0x640, s4;
	_ =	strace $0x80000047;
	s31 =	ssub.s32 $0x2, s3  }
0x9: {  	[dreg:$0x4] =	wrdreg s3;
	s3 =	sshrl.u32 s31, $0x1;
	s1 =	sshrl.u32 s30, $0x2  }
0xa: {  	[dreg:$0x5] =	wrdreg s0;
	s0 =	ssub.s32 s31, s3;
	s12 =	sadd.s32 s1, s2  }
0xb: {  	s1 =	simm.s32 $0x0;
	s0 =	smax.u32 s0, $0x1;
	s14 =	sadd.s32 $0x1E00, s12  }
0xc: {  	s15 =	sadd.s32 $0x3C00, s12;
	s16 =	sadd.s32 $0x5A00, s12;
	s17 =	sadd.s32 $0x7800, s12  }
0xd: {  	s18 =	sadd.s32 $0x9600, s12;
	s19 =	sadd.s32 $0xB400, s12;
	s20 =	sadd.s32 $0xD200, s12  }
0xe: {  	v0 =	vimm.s32 $0x0;
	v1 =	vimm.s32 $0x6400;
	s21 =	sadd.s32 $0xF000, s12;
	s22 =	sadd.s32 $0x10E00, s12;
	[dreg:$0x6] =	wrdreg s0  }
.LBB2_1:
0xf: {  	[dreg:$0x7] =	wrdreg s1  }
0x10: {  	s0 =	rddreg [dreg:$0x1];
	s31 =	simm.s32 $0x0  }
0x11: {  	[tilespmem:s23], [sflag:$0x1] =	stream.linear.gather [hbm4b:s0+s31], $0x1E00, $0x38;
	[tilespmem:$0x17498] =	vst v63  }
0x12: {  	_ =	swait.ge [sflag:s24], $0x1E00  }
0x13: {  	[sflag:s24] =	ssyncset.done $0x0  }
0x14: {  	p1 =	por $0x1, $0x1;
	s0 =	simm.s32 $0x0;
	[sflag:s24] =	ssyncadd.s32 $0xFFFFE200  }
.LBB2_2:
0x15: {  	[spmem:s12] =	stream.linear.scatter [tilespmem:s23], [sflag:$0x1], $0x1E00, $0x38;
	[tilespmem:$0x17498] =	vst v63  }
0x16: {  	_ =	swait.ge [sflag:s24], $0x1E00  }
0x17: {  	[sflag:s24] =	ssyncset.done $0x0  }
0x18: {  	[sflag:s24] =	ssyncadd.s32 $0xFFFFE200  }
0x19: {  	[spmem:s14] =	stream.linear.scatter [tilespmem:s23], [sflag:$0x1], $0x1E00, $0x38;
	[tilespmem:$0x17498] =	vst v63  }
0x1a: {  	_ =	swait.ge [sflag:s24], $0x1E00  }
0x1b: {  	[sflag:s24] =	ssyncset.done $0x0  }
0x1c: {  	[sflag:s24] =	ssyncadd.s32 $0xFFFFE200  }
0x1d: {  	[spmem:s15] =	stream.linear.scatter [tilespmem:s23], [sflag:$0x1], $0x1E00, $0x38;
	[tilespmem:$0x17498] =	vst v63  }
0x1e: {  	_ =	swait.ge [sflag:s24], $0x1E00  }
0x1f: {  	[sflag:s24] =	ssyncset.done $0x0  }
0x20: {  	[sflag:s24] =	ssyncadd.s32 $0xFFFFE200  }
0x21: {  	[spmem:s16] =	stream.linear.scatter [tilespmem:s23], [sflag:$0x1], $0x1E00, $0x38;
	[tilespmem:$0x17498] =	vst v63  }
0x22: {  	_ =	swait.ge [sflag:s24], $0x1E00  }
0x23: {  	[sflag:s24] =	ssyncset.done $0x0  }
0x24: {  	[sflag:s24] =	ssyncadd.s32 $0xFFFFE200  }
0x25: {  	[spmem:s17] =	stream.linear.scatter [tilespmem:s23], [sflag:$0x1], $0x1E00, $0x38;
	[tilespmem:$0x17498] =	vst v63  }
0x26: {  	_ =	swait.ge [sflag:s24], $0x1E00  }
0x27: {  	[sflag:s24] =	ssyncset.done $0x0  }
0x28: {  	[sflag:s24] =	ssyncadd.s32 $0xFFFFE200  }
0x29: {  	[spmem:s18] =	stream.linear.scatter [tilespmem:s23], [sflag:$0x1], $0x1E00, $0x38;
	[tilespmem:$0x17498] =	vst v63  }
0x2a: {  	_ =	swait.ge [sflag:s24], $0x1E00  }
0x2b: {  	[sflag:s24] =	ssyncset.done $0x0  }
0x2c: {  	[sflag:s24] =	ssyncadd.s32 $0xFFFFE200  }
0x2d: {  	[spmem:s19] =	stream.linear.scatter [tilespmem:s23], [sflag:$0x1], $0x1E00, $0x38;
	[tilespmem:$0x17498] =	vst v63  }
0x2e: {  	_ =	swait.ge [sflag:s24], $0x1E00  }
0x2f: {  	[sflag:s24] =	ssyncset.done $0x0  }
0x30: {  	[sflag:s24] =	ssyncadd.s32 $0xFFFFE200  }
0x31: {  	[spmem:s20] =	stream.linear.scatter [tilespmem:s23], [sflag:$0x1], $0x1E00, $0x38;
	[tilespmem:$0x17498] =	vst v63  }
0x32: {  	_ =	swait.ge [sflag:s24], $0x1E00  }
0x33: {  	[sflag:s24] =	ssyncset.done $0x0  }
0x34: {  	[sflag:s24] =	ssyncadd.s32 $0xFFFFE200  }
0x35: {  	[spmem:s21] =	stream.linear.scatter [tilespmem:s23], [sflag:$0x1], $0x1E00, $0x38;
	[tilespmem:$0x17498] =	vst v63  }
0x36: {  	_ =	swait.ge [sflag:s24], $0x1E00  }
0x37: {  	[sflag:s24] =	ssyncset.done $0x0  }
0x38: {  	[sflag:s24] =	ssyncadd.s32 $0xFFFFE200  }
0x39: {  	[spmem:s22] =	stream.linear.scatter [tilespmem:s23], [sflag:$0x1], $0x1E00, $0x38;
	[tilespmem:$0x17498] =	vst v63  }
0x3a: {  	_ =	swait.ge [sflag:s24], $0x1E00  }
0x3b: {  	s1 =	rddreg [dreg:$0x4]  }
0x3c: {  	s0 =	sor.u32 s1, s0  }
0x3d: {  	s0 =	smul.u32 $0x6400, s0  }
0x3e: {  	p0 =	por p1, p1;
	[sflag:s24] =	ssyncset.done $0x0  }
0x3f: {  	s3 =	simm.s32 $0x0;
	[sflag:s24] =	ssyncadd.s32 $0xFFFFE200;
	s31 =	sadd.s32 $0x6400, s0  }
0x40: {  	s13 =	simm.s32 $0x0;
	s1 =	simm.s32 $0x0;
	[bflag:$0x0] =	sbarrier.arrive $0xFFFF;
	v2 =	vmov s0;
	v3 =	vmov s31  }
.LBB2_3:
0x41: {  	s31 =	smul.u32 $0x7D0, s13;
	_ =	sdelay $0x1  }
0x42: {  	s31 =	sadd.s32 s10, s31  }
0x43: {  	s31 =	sshrl.u32 s31, $0x3  }
0x44: {  	s4 =	sadd.s32 s6, s31  }
0x45: {  	[tilespmem:s3], [sflag:$0x1] =	stream.linear.gather [hbm4b:s4+s3], $0x7D0, $0x38;
	[tilespmem:$0x17498] =	vst v63  }
0x46: {  	_ =	swait.ge [sflag:s24], $0x7D0  }
0x47: {  	[sflag:s24] =	ssyncset.done $0x0  }
0x48: {  	s9 =	sadd.s32 s8, s31;
	[sflag:s24] =	ssyncadd.s32 $0xFFFFF830  }
0x49: {  	[tilespmem:s25], [sflag:$0x1] =	stream.linear.gather [hbm4b:s9+s3], $0x7D0, $0x38;
	[tilespmem:$0x17498] =	vst v63  }
0x4a: {  	_ =	swait.ge [sflag:s24], $0x7D0  }
0x4b: {  	[sflag:s24] =	ssyncset.done $0x0  }
0x4c: {  	s28 =	simm.s32 $0x0;
	[sflag:s24] =	ssyncadd.s32 $0xFFFFF830  }
0x4d: {  	v4 =	vld [tilespmem:s28+$0x7D0];
	_ =	sdelay $0x4  }
0x4e: {  	vm0 =	vge.s32 v4, v2;
	vm1 =	vlt.s32 v4, v3  }
0x4f: {  	vm0 =	vmand vm0, vm1  }
0x50: {  	v5 =	vmpcnt.ones.xlane vm0;
	_ =	sdelay $0x1  }
0x51: {  	v5 =	vxor.u32 $0x80000000, v5  }
0x52: {  	(xrf0) =	vmax.scan.msk.u32 $0xffff, v5;
	_ =	sdelay $0x5  }
0x53: {  	v5, _, _ =	vpop (xrf0)  }
0x54: {  	(v2sf) =	vpush v5, $0xF;
	_ =	sdelay $0xb  }
0x55: {  	v5 =	vld [tilespmem:s28+$0x0];
	_ =	sdelay $0x2  }
0x56: {  	s30 =	spop (v2sf)  }
0x57: {  	s4 =	sadd.s32 s30, s1  }
0x58: {  	v4 =	vsub.s32 v4, v2;
	[tilespmem:s1+$0xFA0] =	vst.msk vm0, v5;
	s4 =	sadd.s32 $0x80000000, s4  }
0x59: {  	[tilespmem:s1+$0x10D0] =	vst.msk vm0, v4;
	p2 =	slt.s32 s4, $0x80  }
0x5a: {  	v4 =	vld @!p2 [tilespmem:$0x1100]  }
0x5b: {  	v5 =	vld @!p2 [tilespmem:$0x1110]  }
0x5c: {  	v6 =	vld @!p2 [tilespmem:$0x10D0]  }
0x5d: {  	v7 =	vld @!p2 [tilespmem:$0x10F0]  }
0x5e: {  	v8 =	vld @!p2 [tilespmem:$0x10E0]  }
0x5f: {  	[tilespmem:$0x1230] =	vst @!p2 v4;
	v4 =	vld @!p2 [tilespmem:$0x1140]  }
0x60: {  	[tilespmem:$0x1240] =	vst @!p2 v5;
	v5 =	vld @!p2 [tilespmem:$0x1130]  }
0x61: {  	[tilespmem:$0x1200] =	vst @!p2 v6;
	v6 =	vld @!p2 [tilespmem:$0x1120]  }
0x62: {  	s1 =	sadd.s32 @!p2 $0xFFFFFF80, s4;
	[tilespmem:$0x1220] =	vst @!p2 v7  }
0x63: {  	s31 =	simm.s32 $0x40;
	s1 =	smov.u32 @p2 s4;
	[tilespmem:$0x1210] =	vst @!p2 v8  }
.LBB2_4:
0x64: {  	[tilespmem:$0x1270] =	vst @!p2 v4;
	s4 =	smov.u32 s31;
	s31 =	sadd.s32 $0x40, s31  }
0x65: {  	s28 =	simm.s32 @!p2 $0x1;
	p1 =	sne.s32 s31, $0x1F40;
	[tilespmem:$0x1260] =	vst @!p2 v5  }
0x66: {  	s30 =	simm.s32 @!p2 $0x80;
	s7 =	simm.s32 @!p2 $0xFA0;
	s9 =	simm.s32 @!p2 $0x1280;
	[tilespmem:$0x1250] =	vst @!p2 v6  }
0x67: {  	[tilespmem:s9], [sflag:$0x1] =	stream.indirect.gather @!p2 [hbm4b:s5+s30], $0x30, s7, s30, $0xb8;
	[tilespmem:$0x17498] =	vst v63  }
0x68: {  	_ =	swait.ge @!p2 [sflag:s28], $0x1800  }
0x69: {  	[sflag:s28] =	ssyncset.done @!p2 $0x0  }
0x6a: {  	s7 =	simm.s32 @!p2 $0x1200;
	[sflag:s28] =	ssyncadd.s32 @!p2 $0xFFFFE800  }
0x6b: {  	[spmem:s2] =	stream.indirect.scatter.add.f32 @!p2 [tilespmem:s9], [sflag:$0x1], $0x30, s7, s30, $0xb8;
	[tilespmem:$0x17498] =	vst v63  }
0x6c: {  	s4 =	sshra.s32 s4, $0x2;
	_ =	swait.ge @!p2 [sflag:s28], $0x1800  }
0x6d: {  	[sflag:s28] =	ssyncset.done @!p2 $0x0  }
0x6e: {  	[sflag:s28] =	ssyncadd.s32 @!p2 $0xFFFFE800  }
0x6f: {  	v4 =	vld @!p2 [tilespmem:$0x1020]  }
0x70: {  	v5 =	vld @!p2 [tilespmem:$0x1150];
	_ =	sdelay $0x3  }
0x71: {  	[tilespmem:$0xFA0] =	vst @!p2 v4  }
0x72: {  	[tilespmem:$0x10D0] =	vst @!p2 v5  }
0x73: {  	v4 =	vld [tilespmem:s4+$0x7D0];
	_ =	sdelay $0x4  }
0x74: {  	vm0 =	vge.s32 v4, v2;
	vm1 =	vlt.s32 v4, v3  }
0x75: {  	vm0 =	vmand vm0, vm1  }
0x76: {  	v5 =	vmpcnt.ones.xlane vm0;
	_ =	sdelay $0x1  }
0x77: {  	v5 =	vxor.u32 $0x80000000, v5  }
0x78: {  	(xrf0) =	vmax.scan.msk.u32 $0xffff, v5;
	_ =	sdelay $0x5  }
0x79: {  	v5, _, _ =	vpop (xrf0)  }
0x7a: {  	(v2sf) =	vpush v5, $0xF;
	_ =	sdelay $0xb  }
0x7b: {  	v5 =	vld [tilespmem:s4+$0x0];
	_ =	sdelay $0x2  }
0x7c: {  	s4 =	spop (v2sf)  }
0x7d: {  	s4 =	sadd.s32 s4, s1  }
0x7e: {  	v4 =	vsub.s32 v4, v2;
	[tilespmem:s1+$0xFA0] =	vst.msk vm0, v5;
	s4 =	sadd.s32 $0x80000000, s4  }
0x7f: {  	[tilespmem:s1+$0x10D0] =	vst.msk vm0, v4;
	p2 =	slt.s32 s4, $0x80  }
0x80: {  	v4 =	vld @!p2 [tilespmem:$0x1100];
	s1 =	sadd.s32 @!p2 $0xFFFFFF80, s4  }
0x81: {  	v5 =	vld @!p2 [tilespmem:$0x1110];
	s1 =	smov.u32 @p2 s4  }
0x82: {  	v6 =	vld @!p2 [tilespmem:$0x10D0]  }
0x83: {  	v7 =	vld @!p2 [tilespmem:$0x10F0]  }
0x84: {  	v8 =	vld @!p2 [tilespmem:$0x10E0]  }
.Ltmp0:
0x85: {  	[tilespmem:$0x1230] =	vst @!p2 v4;
	v4 =	vld @!p2 [tilespmem:$0x1140];
	(pc) =	sbr.rel @p1 .LBB2_4-.Ltmp0, $4  }
0x86: {  	[tilespmem:$0x1240] =	vst @!p2 v5;
	v5 =	vld @!p2 [tilespmem:$0x1130]  }
0x87: {  	[tilespmem:$0x1200] =	vst @!p2 v6;
	v6 =	vld @!p2 [tilespmem:$0x1120]  }
0x88: {  	[tilespmem:$0x1220] =	vst @!p2 v7  }
0x89: {  	[tilespmem:$0x1210] =	vst @!p2 v8  }
0x8a: {  	[tilespmem:$0x1270] =	vst @!p2 v4  }
0x8b: {  	s4 =	simm.s32 @!p2 $0x1;
	[tilespmem:$0x1260] =	vst @!p2 v5  }
0x8c: {  	s7 =	simm.s32 @!p2 $0x80;
	s9 =	simm.s32 @!p2 $0xFA0;
	s28 =	simm.s32 @!p2 $0x1280;
	[tilespmem:$0x1250] =	vst @!p2 v6  }
0x8d: {  	[tilespmem:s28], [sflag:$0x1] =	stream.indirect.gather @!p2 [hbm4b:s5+s7], $0x30, s9, s7, $0xb8;
	[tilespmem:$0x17498] =	vst v63  }
0x8e: {  	_ =	swait.ge @!p2 [sflag:s4], $0x1800  }
0x8f: {  	[sflag:s4] =	ssyncset.done @!p2 $0x0  }
0x90: {  	s9 =	simm.s32 @!p2 $0x1200;
	[sflag:s4] =	ssyncadd.s32 @!p2 $0xFFFFE800  }
0x91: {  	[spmem:s2] =	stream.indirect.scatter.add.f32 @!p2 [tilespmem:s28], [sflag:$0x1], $0x30, s9, s7, $0xb8;
	[tilespmem:$0x17498] =	vst v63  }
0x92: {  	_ =	swait.ge @!p2 [sflag:s4], $0x1800  }
0x93: {  	[sflag:s4] =	ssyncset.done @!p2 $0x0  }
0x94: {  	[sflag:s4] =	ssyncadd.s32 @!p2 $0xFFFFE800  }
0x95: {  	s13 =	sadd.s32 $0x1, s13;
	v4 =	vld @!p2 [tilespmem:$0x1020]  }
0x96: {  	p1 =	sne.s32 s13, $0x32;
	v5 =	vld @!p2 [tilespmem:$0x1150]  }
.Ltmp1:
0x97: {  	_ = 	snop;
	(pc) =	sbr.rel @p1 .LBB2_3-.Ltmp1, $3  }
0x98: {  	_ =	sdelay $0x1  }
0x99: {  	[tilespmem:$0xFA0] =	vst @!p2 v4  }
0x9a: {  	[tilespmem:$0x10D0] =	vst @!p2 v5  }
0x9b: {  	[tilespmem:s1+$0xFA0] =	vst v0  }
0x9c: {  	[tilespmem:s1+$0x10D0] =	vst v1  }
0x9d: {  	[tilespmem:s1+$0xFB0] =	vst v0  }
0x9e: {  	[tilespmem:s1+$0x10E0] =	vst v1  }
0x9f: {  	[tilespmem:s1+$0xFC0] =	vst v0  }
0xa0: {  	[tilespmem:s1+$0x10F0] =	vst v1  }
0xa1: {  	[tilespmem:s1+$0xFD0] =	vst v0  }
0xa2: {  	[tilespmem:s1+$0x1100] =	vst v1  }
0xa3: {  	[tilespmem:s1+$0xFE0] =	vst v0  }
0xa4: {  	[tilespmem:s1+$0x1110] =	vst v1  }
0xa5: {  	[tilespmem:s1+$0xFF0] =	vst v0  }
0xa6: {  	[tilespmem:s1+$0x1120] =	vst v1  }
0xa7: {  	[tilespmem:s1+$0x1000] =	vst v0  }
0xa8: {  	[tilespmem:s1+$0x1130] =	vst v1  }
0xa9: {  	[tilespmem:s1+$0x1010] =	vst v0  }
0xaa: {  	[tilespmem:s1+$0x1140] =	vst v1  }
0xab: {  	[tilespmem:s1+$0x1020] =	vst v0  }
0xac: {  	[tilespmem:s1+$0x1150] =	vst v1  }
0xad: {  	v2 =	vld [tilespmem:$0x10D0]  }
0xae: {  	v3 =	vld [tilespmem:$0x10E0]  }
0xaf: {  	v4 =	vld [tilespmem:$0x10F0]  }
0xb0: {  	v5 =	vld [tilespmem:$0x1100]  }
0xb1: {  	v6 =	vld [tilespmem:$0x1110]  }
0xb2: {  	v63 =	vld [tilespmem:$0x1140];
	[tilespmem:$0x1200] =	vst v2  }
0xb3: {  	v2 =	vld [tilespmem:$0x1120];
	[tilespmem:$0x1210] =	vst v3  }
0xb4: {  	v3 =	vld [tilespmem:$0x1130];
	[tilespmem:$0x1220] =	vst v4  }
0xb5: {  	[tilespmem:$0x1230] =	vst v5  }
0xb6: {  	[tilespmem:$0x1240] =	vst v6  }
0xb7: {  	[tilespmem:$0x1270] =	vst v63  }
0xb8: {  	[tilespmem:$0x1250] =	vst v2  }
0xb9: {  	s13 =	simm.s32 $0xFA0;
	[tilespmem:$0x1260] =	vst v3  }
0xba: {  	[tilespmem:s29], [sflag:$0x1] =	stream.indirect.gather [hbm4b:s5+s26], $0x30, s13, s26, $0xb8;
	[tilespmem:$0x17498] =	vst v63  }
0xbb: {  	_ =	swait.ge [sflag:s24], $0x1800  }
0xbc: {  	[sflag:s24] =	ssyncset.done $0x0  }
0xbd: {  	s28 =	simm.s32 $0x1200;
	[sflag:s24] =	ssyncadd.s32 $0xFFFFE800  }
0xbe: {  	[spmem:s2] =	stream.indirect.scatter.add.f32 [tilespmem:s29], [sflag:$0x1], $0x30, s28, s26, $0xb8;
	[tilespmem:$0x17498] =	vst v63  }
0xbf: {  	_ =	swait.ge [sflag:s24], $0x1800  }
0xc0: {  	[sflag:s24] =	ssyncset.done $0x0  }
0xc1: {  	[sflag:s24] =	ssyncadd.s32 $0xFFFFE800  }
0xc2: {  	v2 =	vld [tilespmem:$0x1020]  }
0xc3: {  	v3 =	vld [tilespmem:$0x1150];
	_ =	sdelay $0x3  }
0xc4: {  	[tilespmem:$0xFA0] =	vst v2  }
0xc5: {  	s0 =	sadd.s32 s11, s0;
	[tilespmem:$0x10D0] =	vst v3  }
0xc6: {  	s30 =	stileid.u32;
	s0 =	smul.u32 $0x6, s0;
	[bflag:$0x0] =	sbarrier.arrive $0xFFFF  }
0xc7: {  	s31 =	sshrl.u32 s12, $0x3;
	s1 =	sshll.u32 s30, $0x6;
	s3 =	rddreg [dreg:$0x5]  }
.Ltmp2:
0xc8: {  	s1 =	sor.u32 $0x1C01, s1;
	s0 =	sadd.s32 s3, s0;
	(pc) =	sbr.rel @p0 .LBB2_2-.Ltmp2, $4  }
0xc9: {  	[hbm:s0], [sflag:s1] =	dma.local [spmem:s31], $0x2580  }
0xca: {  	_ =	swait.ge [sflag:s24], $0x2580  }
0xcb: {  	[sflag:s24] =	ssyncset.done $0x0  }
0xcc: {  	p1 =	por $0x0, $0x0;
	s0 =	simm.s32 $0x2;
	[sflag:s24] =	ssyncadd.s32 $0xFFFFDA80  }
0xcd: {  	s1 =	rddreg [dreg:$0x7]  }
0xce: {  	s0 =	rddreg [dreg:$0x6];
	s1 =	sadd.s32 $0x1, s1  }
0xcf: {  	p0 =	sne.s32 s1, s0  }
.Ltmp3:
0xd0: {  	_ = 	snop;
	(pc) =	sbr.rel @p0 .LBB2_1-.Ltmp3, $1  }
0xd1: {  	_ =	sdelay $0x3  }
0xd2: {  	_ =	sfence.sel $0x180000  }
0xd3: {  	[bflag:$0x0] =	sbarrier.arrive $0xFFFF  }
0xd4: {  	_ =	strace $0x90000047  }
0xd5: {  	s0 =	stileid.u32;
	[bflag:$0x2] =	sbarrier.arrive $0xFFFF  }
0xd6: {  	p0 =	sne.s32 s0, $0x0;
	s0 =	rddreg [dreg:$0x3]  }
0xd7: {  	s0 =	sadd.s32 @!p0 $0x100000, s0  }
0xd8: {  	[sflag:s0] =	ssyncadd.tile.s32 @!p0 $0x1;
	_ =	shalt  }
.Lfunc_end2:
_tile_overlayer_lowered:
.L_overlay_start_2:
0xd9: {  	(tag) =	ssettag $0x2  }
0xda: {  	s0 =	rddreg [dreg:$0x0];
	s2 =	stileid.u32  }
0xdb: {  	s1 =	rddreg [dreg:$0x1];
	p0 =	sne.s32 s2, $0x0  }
0xdc: {  	s3 =	rddreg [dreg:$0x2];
	[bflag:$0x3] =	sbarrier.arrive $0xFFFF;
	s2 =	simm.s32 @!p0 $0x1C01  }
0xdd: {  	[timem:s3], [sflag:s2] =	dma.local @!p0 [hbm:s0], s1  }
0xde: {  	s0 =	simm.s32 @!p0 $0x1  }
0xdf: {  	_ =	swait.ge @!p0 [sflag:s0], s1  }
0xe0: {  	s1 =	ssub.s32 @!p0 $0x0, s1;
	[sflag:s0] =	ssyncset.done @!p0 $0x0  }
0xe1: {  	[sflag:s0] =	ssyncadd.s32 @!p0 s1  }
0xe2: {  	[bflag:$0x3] =	sbarrier.arrive $0xFFFF  }
0xe3: {  	_ =	shalt  }

// kernel: kernel.13.cloned.1.call-start
scs
__scs_entry_jumppad:
0x0: {  	(pc) =	sbr.rel $0x88, $3  }
0x1: {  	(tag) =	ssettag $0x0;
	lr =	simm.s32 $0x1  }
0x2: {  	[smem:$0x3F8E] =	sst lr;
	_ =	strace $0xD0000000  }
0x3: {  	_ = 	snop  }
0x4: {  	_ = 	snop  }
0x5: {  	_ = 	snop  }
0x6: {  	_ = 	snop  }
0x7: {  	_ = 	snop  }
__scs_overlays_trampoline_lowered:
0x8: {  	[smem:$0x3F9D] =	sst s0  }
0x9: {  	[smem:$0x3F9E] =	sst s1  }
0xa: {  	[smem:$0x3F9F] =	sst s2  }
0xb: {  	[smem:$0x3FA0] =	sst s3  }
0xc: {  	[smem:$0x3FA1] =	sst s4  }
0xd: {  	[smem:$0x3FA2] =	sst s5  }
0xe: {  	[smem:$0x3FA3] =	sst s6  }
0xf: {  	[smem:$0x3FA4] =	sst s7  }
0x10: {  	[smem:$0x3FA5] =	sst s8  }
0x11: {  	[smem:$0x3FA6] =	sst s9;
	s0 =	simm.s32 @!p0 $0x0  }
0x12: {  	s1 =	sld [smem:$0x3F8C];
	s0 =	simm.s32 @p0 $0x1  }
0x13: {  	[smem:$0x3FA7] =	sst s0;
	s0 =	simm.s32 @!p1 $0x0  }
0x14: {  	s2 =	sld [smem:$0x3F8B];
	s0 =	simm.s32 @p1 $0x1  }
0x15: {  	[smem:$0x3FA8] =	sst s0;
	s0 =	simm.s32 @!p2 $0x0  }
0x16: {  	s3 =	sld [smem:$0x3FDB];
	s0 =	simm.s32 @p2 $0x1  }
0x17: {  	s4 =	simm.s32 $0x1BF5;
	[smem:$0x3FAA] =	sst s0  }
0x18: {  	s0 =	sld [smem:$0x3F8D];
	_ =	swait.ge [sflag:s4], $0x0  }
0x19: {  	s7 =	sld [smem:$0x3F8E]  }
0x1a: {  	s8 =	sadd.s32 $0xFFFFE003, lr  }
0x1b: {  	s9 =	sadd.s32 $0xFFFFFEF7, lr;
	s5 =	simm.s32 $0xFFFFFFFF;
	p2 =	slt.u32 s8, $0xFFFFF086  }
0x1c: {  	p1 =	slt.u32 s9, $0xF7A;
	s5 =	simm.s32 @!p2 $0x0  }
0x1d: {  	s5 =	simm.s32 @p1 $0x1;
	p0 =	seq.s32 s7, s2  }
0x1e: {  	s7 =	smul.u32 @!p0 $0xF7A, s2;
	p2 =	seq.s32 @!p0 s5, $0x0  }
0x1f: {  	s9 =	smul.u32 $0xF7A, s1;
	s8 =	simm.s32 @!p0 $0x1BF5;
	p2 =	por !p2, p0  }
0x20: {  	[sflag:s8] =	ssyncset.s32 @!p0 $0xFFFFF086;
	s6 =	sadd.s32 @!p0 s3, s7;
	s7 =	simm.s32 @!p0 $0x108  }
0x21: {  	s3 =	sadd.s32 s3, s9;
	s6 =	sadd.s32 @!p0 $0x88, s6;
	s7 =	simm.s32 @p2 $0x1082  }
0x22: {  	[simem:s7], [sflag:s8] =	dma.local @!p0 [hbm:s6], $0xF7A  }
0x23: {  	s9 =	sor.u32 $0xD0000000, s2;
	s6 =	simm.s32 $0x108;
	_ =	swait.ge @!p0 [sflag:s8], $0x0  }
0x24: {  	s3 =	sadd.s32 $0x88, s3;
	s6 =	simm.s32 @!p1 $0x1082;
	[sflag:s4] =	ssyncset.s32 $0xFFFFF086  }
0x25: {  	[simem:s6], [sflag:s4] =	dma.local [hbm:s3], $0xF7A  }
0x26: {  	[smem:$0x3F8E] =	sst s1;
	(tag) =	ssettag s2;
	_ =	strace s9  }
0x27: {  	s1 =	sld [smem:$0x3F9E]  }
0x28: {  	s2 =	sld [smem:$0x3F9F]  }
0x29: {  	s4 =	sld [smem:$0x3FA1]  }
0x2a: {  	p0 =	seq.s32 s5, $0x0;
	s5 =	sld [smem:$0x3FA2]  }
0x2b: {  	s6 =	sld [smem:$0x3FA3]  }
0x2c: {  	s7 =	sld [smem:$0x3FA4]  }
0x2d: {  	s3 =	simm.s32 $0x108;
	s8 =	sld [smem:$0x3FA5]  }
0x2e: {  	s3 =	simm.s32 @!p0 $0x1082;
	s9 =	sld [smem:$0x3FA6]  }
0x2f: {  	lr =	sadd.s32 s0, s3;
	s0 =	sld [smem:$0x3F9D]  }
0x30: {  	s3 =	sld [smem:$0x3FA0]  }
0x31: {  	[smem:$0x3FA9] =	sst s10  }
0x32: {  	s10 =	sld [smem:$0x3FA7];
	_ =	sdelay $0x3  }
0x33: {  	p0 =	seq.s32 s10, $0x1;
	s10 =	sld [smem:$0x3FA9];
	_ =	sdelay $0x3  }
0x34: {  	[smem:$0x3FA9] =	sst s10  }
0x35: {  	s10 =	sld [smem:$0x3FA8];
	_ =	sdelay $0x3  }
0x36: {  	p1 =	seq.s32 s10, $0x1;
	s10 =	sld [smem:$0x3FA9];
	_ =	sdelay $0x3  }
0x37: {  	[smem:$0x3FA9] =	sst s10  }
0x38: {  	s10 =	sld [smem:$0x3FAA]  }
0x39: {  	_ = 	snop;
	(pc) =	sbr.ind lr, $3  }
0x3a: {  	_ = 	snop  }
0x3b: {  	_ = 	snop  }
0x3c: {  	p2 =	seq.s32 s10, $0x1;
	s10 =	sld [smem:$0x3FA9]  }
0x3d: {  	_ =	shalt  }
0x3e: {  	_ =	shalt  }
0x3f: {  	_ =	shalt  }
0x40: {  	_ =	shalt  }
0x41: {  	_ =	shalt  }
0x42: {  	_ =	shalt  }
0x43: {  	_ =	shalt  }
0x44: {  	_ =	shalt  }
0x45: {  	_ =	shalt  }
0x46: {  	_ =	shalt  }
0x47: {  	_ =	shalt  }
0x48: {  	_ =	shalt  }
0x49: {  	_ =	shalt  }
0x4a: {  	_ =	shalt  }
0x4b: {  	_ =	shalt  }
0x4c: {  	_ =	shalt  }
0x4d: {  	_ =	shalt  }
0x4e: {  	_ =	shalt  }
0x4f: {  	_ =	shalt  }
0x50: {  	_ =	shalt  }
0x51: {  	_ =	shalt  }
0x52: {  	_ =	shalt  }
0x53: {  	_ =	shalt  }
0x54: {  	_ =	shalt  }
0x55: {  	_ =	shalt  }
0x56: {  	_ =	shalt  }
0x57: {  	_ =	shalt  }
0x58: {  	_ =	shalt  }
0x59: {  	_ =	shalt  }
0x5a: {  	_ =	shalt  }
0x5b: {  	_ =	shalt  }
0x5c: {  	_ =	shalt  }
0x5d: {  	_ =	shalt  }
0x5e: {  	_ =	shalt  }
0x5f: {  	_ =	shalt  }
0x60: {  	_ =	shalt  }
0x61: {  	_ =	shalt  }
0x62: {  	_ =	shalt  }
0x63: {  	_ =	shalt  }
0x64: {  	_ =	shalt  }
0x65: {  	_ =	shalt  }
0x66: {  	_ =	shalt  }
0x67: {  	_ =	shalt  }
0x68: {  	_ =	shalt  }
0x69: {  	_ =	shalt  }
0x6a: {  	_ =	shalt  }
0x6b: {  	_ =	shalt  }
0x6c: {  	_ =	shalt  }
0x6d: {  	_ =	shalt  }
0x6e: {  	_ =	shalt  }
0x6f: {  	_ =	shalt  }
0x70: {  	_ =	shalt  }
0x71: {  	_ =	shalt  }
0x72: {  	_ =	shalt  }
0x73: {  	_ =	shalt  }
0x74: {  	_ =	shalt  }
0x75: {  	_ =	shalt  }
0x76: {  	_ =	shalt  }
0x77: {  	_ =	shalt  }
0x78: {  	_ =	shalt  }
0x79: {  	_ =	shalt  }
0x7a: {  	_ =	shalt  }
0x7b: {  	_ =	shalt  }
0x7c: {  	_ =	shalt  }
0x7d: {  	_ =	shalt  }
0x7e: {  	_ =	shalt  }
0x7f: {  	_ =	shalt  }
0x80: {  	_ =	shalt  }
0x81: {  	_ =	shalt  }
0x82: {  	_ =	shalt  }
0x83: {  	_ =	shalt  }
0x84: {  	_ =	shalt  }
0x85: {  	_ =	shalt  }
0x86: {  	_ =	shalt  }
0x87: {  	_ =	shalt  }
.Lfunc_end0:
.L_simem_size_0:
called_computation.1_lowered:
.L_overlay_start_0:
0x88: {  	s2 =	sld [smem:$0x3FD9]  }
0x89: {  	s3 =	sld [smem:$0x3FFE];
	_ =	sdelay $0x1  }
0x8a: {  	s1 =	srdreg.scid  }
0x8b: {  	s0 =	sand.u32 $0x1, s1  }
0x8c: {  	s16 =	sshll.u32 s0, $0xA;
	s2 =	sadd.s32 s3, s2  }
0x8d: {  	s2 =	sadd.s32 s2, s16  }
0x8e: {  	[smem:$0x3FB5] =	sst s2  }
0x8f: {  	_ = 	snop  }
0x90: {  	(tm) =	ssettm $0x1  }
0x91: {  	s17 =	sld [smem:$0x3FFB];
	_ =	sdelay $0x3  }
0x92: {  	_ =	strace s17  }
0x93: {  	s2 =	sld [smem:$0x3FFC];
	_ =	sdelay $0x3  }
0x94: {  	_ =	strace s2  }
0x95: {  	s2 =	sld [smem:$0x3FFD];
	_ =	sdelay $0x3  }
0x96: {  	_ =	strace s2  }
0x97: {  	_ =	strace $0x8FFFFFFF  }
0x98: {  	s18 =	sld [smem:$0x3FDB];
	_ =	sdelay $0x1  }
0x99: {  	s19 =	simm.s32 $_scs_section_size  }
0x9a: {  	s4 =	simm.s32 $_size__tile_overlayer_lowered;
	s5 =	simm.s32 $_tile_overlayer_lowered  }
0x9b: {  	s22 =	simm.s32 $0x1BFF;
	s21 =	sshll.u32 s5, $0x1;
	s2 =	sadd.s32 s19, s18  }
0x9c: {  	s6 =	simm.s32 $0x0;
	s20 =	sshll.u32 s4, $0x1;
	s4 =	sadd.s32 s21, s2  }
0x9d: {  	[timem:s6], [sflag:s22] =	dma.local [hbm:s4], s20  }
0x9e: {  	_ =	swait.ge [sflag:s22], s20  }
0x9f: {  	s3 =	ssub.s32 $0x0, s20;
	[sflag:s22] =	ssyncset.done $0x0  }
0xa0: {  	[sflag:s22] =	ssyncadd.s32 s3;
	_ =	sdelay $0x1  }
0xa1: {  	s23 =	simm.s32 $0x1B8B  }
0xa2: {  	_ =	swait.ge [sflag:s23], $0x1  }
0xa3: {  	[sflag:s23] =	ssyncset.done $0x0  }
0xa4: {  	s25 =	simm.s32 $0x1B8E;
	s24 =	sld [smem:$0x3FFE];
	[sflag:s23] =	ssyncadd.s32 $0xFFFFFFFF  }
0xa5: {  	s26 =	simm.s32 $execute0_lowered;
	[smem:$0x3FD2] =	sst s25  }
0xa6: {  	s4 =	sshll.u32 s26, $0x1;
	_ =	strace $0x80000049;
	[dreg:$0x1] =	wrdreg $0xFFFFFFFF  }
0xa7: {  	s28 =	simm.s32 $_size_execute0_lowered;
	s2 =	sadd.s32 s2, s4;
	[dreg:$0x0] =	wrdreg $0x0  }
0xa8: {  	s4 =	sshll.u32 s28, $0x1;
	[dreg:$0x2] =	wrdreg s2  }
0xa9: {  	[dreg:$0x3] =	wrdreg s4  }
0xaa: {  	[dreg:$0x4] =	wrdreg $0xC0  }
0xab: {  	_ =	task [dreg:s6], $0x5FFFF  }
0xac: {  	[dreg:$0x1] =	wrdreg $0xFFFFFFFF  }
0xad: {  	[dreg:$0x0] =	wrdreg $0x60  }
0xae: {  	[dreg:$0x2] =	wrdreg s24  }
0xaf: {  	[dreg:$0x3] =	wrdreg $0xA2800  }
0xb0: {  	[dreg:$0x4] =	wrdreg $0xB  }
0xb1: {  	_ =	task.clear_ibuf [dreg:s6], $0x5FFFF;
	_ =	strace $0x90000049  }
0xb2: {  	s29 =	simm.s32 $0xB;
	_ =	strace $0x8000004B  }
0xb3: {  	_ =	swait.ge [sflag:s29], $0x1  }
0xb4: {  	[sflag:s29] =	ssyncadd.s32 $0xFFFFFFFF  }
0xb5: {  	_ =	strace $0x9000004B  }
0xb6: {  	_ =	sfence  }
0xb7: {  	s30 =	sld [smem:$0x0];
	_ =	sdelay $0x2  }
0xb8: {  	s31 =	sshll.u32 s1, $0xD;
	s1 =	sshrl.u32 s1, $0x2  }
0xb9: {  	s3 =	sand.u32 $0x4000, s31;
	s1 =	sadd.s32 s1, s30  }
0xba: {  	s0 =	sor.u32 s3, s0;
	s1 =	sshll.u32 s1, $0x11  }
0xbb: {  	s0 =	sor.u32 s1, s0  }
0xbc: {  	s0 =	sadd.s32 $0x8F2B, s0  }
0xbd: {  	[sflag:s0] =	ssyncadd.remote.s32 $0x1  }
0xbe: {  	_ =	sfence.sel $0xFFFF  }
0xbf: {  	[dreg:$0x0] =	wrdreg $0xFFFFFFFF;
	(pc) =	sbr.abs _section_cstart, $3  }
0xc0: {  	[dreg:$0x1] =	wrdreg $0xFFFFFFFF  }
0xc1: {  	_ =	task.clear_ibuf [dreg:s6], $0x2FFFF;
	_ =	strace $0x9FFFFFFF  }
0xc2: {  	(tm) =	ssettm $0x7FFFFFFF  }
0xc3: {  	_ =	shalt  }
tec
execute0_lowered:
.L_overlay_start_1:
0x0: {  	(tag) =	ssettag $0x1  }
0x1: {  	s9 =	rddreg [dreg:$0x0]  }
0x2: {  	s1 =	rddreg [dreg:$0x1];
	s0 =	simm.s32 $0x0  }
0x3: {  	s7 =	srdreg.scid;
	s3 =	stileid.u32;
	s17 =	simm.s32 $0x5280  }
0x4: {  	s18 =	simm.s32 $0x1;
	s19 =	simm.s32 $0x7D0;
	s20 =	simm.s32 $0x80  }
0x5: {  	s21 =	simm.s32 $0xFA0;
	s22 =	simm.s32 $0x1280;
	s23 =	simm.s32 $0x1200  }
0x6: {  	s2 =	simm.s32 $0x0;
	s29 =	simm.s32 $0x0;
	[smem:$0x7FF] =	sst s0  }
0x7: {  	s4 =	sadd.s32 $0x540C00, s9;
	s5 =	sadd.s32 $0xCB000, s9;
	s6 =	sadd.s32 $0x9A200, s9  }
0x8: {  	s7 =	sand.u32 $0x1, s7;
	s11 =	smul.u32 $0x50000, s3;
	s30 =	sadd.s32 $0xFBE00, s9  }
0x9: {  	s9 =	sadd.s32 $0xFC800, s9;
	s10 =	smul.u32 $0x186A0, s3;
	s12 =	ssub.s32 $0x2, s7  }
0xa: {  	_ =	strace $0x8000004A;
	s13 =	sshrl.u32 s12, $0x1;
	s14 =	sshrl.u32 s11, $0x2  }
0xb: {  	[dreg:$0x3] =	wrdreg s30;
	s13 =	ssub.s32 s12, s13;
	s12 =	sadd.s32 s14, s1  }
0xc: {  	s11 =	smul.u32 $0x280, s3;
	s31 =	smax.u32 s13, $0x1;
	s14 =	sadd.s32 $0x5000, s12  }
0xd: {  	v0 =	vimm.s32 $0x0;
	v1 =	vimm.s32 $0x2800;
	s15 =	sadd.s32 $0xA000, s12;
	s16 =	sadd.s32 $0xF000, s12;
	[dreg:$0x4] =	wrdreg s31  }
.LBB2_1:
0xe: {  	[dreg:$0x5] =	wrdreg s2  }
0xf: {  	s0 =	simm.s32 $0x0;
	s31 =	rddreg [dreg:$0x3]  }
0x10: {  	[tilespmem:s17], [sflag:$0x1] =	stream.linear.gather [hbm4b:s31+s0], $0x5000, $0x38;
	[tilespmem:$0x1E2C0] =	vst v63  }
0x11: {  	_ =	swait.ge [sflag:s18], $0x5000  }
0x12: {  	[sflag:s18] =	ssyncset.done $0x0  }
0x13: {  	s25 =	simm.s32 $0x0;
	[sflag:s18] =	ssyncadd.s32 $0xFFFFB000  }
.LBB2_2:
0x14: {  	[spmem:s12] =	stream.linear.scatter [tilespmem:s17], [sflag:$0x1], $0x5000, $0x38;
	[tilespmem:$0x1E2C0] =	vst v63  }
0x15: {  	_ =	swait.ge [sflag:s18], $0x5000  }
0x16: {  	[sflag:s18] =	ssyncset.done $0x0  }
0x17: {  	[sflag:s18] =	ssyncadd.s32 $0xFFFFB000  }
0x18: {  	[spmem:s14] =	stream.linear.scatter [tilespmem:s17], [sflag:$0x1], $0x5000, $0x38;
	[tilespmem:$0x1E2C0] =	vst v63  }
0x19: {  	_ =	swait.ge [sflag:s18], $0x5000  }
0x1a: {  	[sflag:s18] =	ssyncset.done $0x0  }
0x1b: {  	[sflag:s18] =	ssyncadd.s32 $0xFFFFB000  }
0x1c: {  	[spmem:s15] =	stream.linear.scatter [tilespmem:s17], [sflag:$0x1], $0x5000, $0x38;
	[tilespmem:$0x1E2C0] =	vst v63  }
0x1d: {  	_ =	swait.ge [sflag:s18], $0x5000  }
0x1e: {  	s26 =	sshll.u32 s25, $0x1;
	[sflag:s18] =	ssyncset.done $0x0  }
0x1f: {  	s26 =	sor.u32 s7, s26;
	[sflag:s18] =	ssyncadd.s32 $0xFFFFB000  }
0x20: {  	[spmem:s16] =	stream.linear.scatter [tilespmem:s17], [sflag:$0x1], $0x5000, $0x38;
	[tilespmem:$0x1E2C0] =	vst v63  }
0x21: {  	s26 =	smul.u32 $0x2800, s26;
	_ =	swait.ge [sflag:s18], $0x5000  }
0x22: {  	[sflag:s18] =	ssyncset.done $0x0  }
0x23: {  	s28 =	sadd.s32 $0x2800, s26;
	[sflag:s18] =	ssyncadd.s32 $0xFFFFB000  }
0x24: {  	s30 =	simm.s32 $0x0;
	v2 =	vmov s26;
	v3 =	vmov s28;
	s28 =	simm.s32 $0x0;
	[bflag:$0x0] =	sbarrier.arrive $0xFFFF  }
.LBB2_3:
0x25: {  	s31 =	smul.u32 $0x7D0, s30;
	_ =	sdelay $0x1  }
0x26: {  	s31 =	sadd.s32 s10, s31  }
0x27: {  	s31 =	sshrl.u32 s31, $0x3  }
0x28: {  	s0 =	sadd.s32 s5, s31  }
0x29: {  	[tilespmem:s29], [sflag:$0x1] =	stream.linear.gather [hbm4b:s0+s29], $0x7D0, $0x38;
	[tilespmem:$0x1E2C0] =	vst v63  }
0x2a: {  	_ =	swait.ge [sflag:s18], $0x7D0  }
0x2b: {  	[sflag:s18] =	ssyncset.done $0x0  }
0x2c: {  	s8 =	sadd.s32 s6, s31;
	[sflag:s18] =	ssyncadd.s32 $0xFFFFF830  }
0x2d: {  	[tilespmem:s19], [sflag:$0x1] =	stream.linear.gather [hbm4b:s8+s29], $0x7D0, $0x38;
	[tilespmem:$0x1E2C0] =	vst v63  }
0x2e: {  	_ =	swait.ge [sflag:s18], $0x7D0  }
0x2f: {  	[sflag:s18] =	ssyncset.done $0x0  }
0x30: {  	s13 =	simm.s32 $0x0;
	[sflag:s18] =	ssyncadd.s32 $0xFFFFF830  }
0x31: {  	v4 =	vld [tilespmem:s13+$0x7D0];
	_ =	sdelay $0x4  }
0x32: {  	vm0 =	vge.s32 v4, v2;
	vm1 =	vlt.s32 v4, v3  }
0x33: {  	vm0 =	vmand vm0, vm1  }
0x34: {  	v5 =	vmpcnt.ones.xlane vm0;
	_ =	sdelay $0x1  }
0x35: {  	v5 =	vxor.u32 $0x80000000, v5  }
0x36: {  	(xrf0) =	vmax.scan.msk.u32 $0xffff, v5;
	_ =	sdelay $0x5  }
0x37: {  	v5, _, _ =	vpop (xrf0)  }
0x38: {  	(v2sf) =	vpush v5, $0xF;
	_ =	sdelay $0xb  }
0x39: {  	v5 =	vld [tilespmem:s13+$0x0];
	_ =	sdelay $0x2  }
0x3a: {  	s24 =	spop (v2sf)  }
0x3b: {  	s0 =	sadd.s32 s24, s28  }
0x3c: {  	v4 =	vsub.s32 v4, v2;
	[tilespmem:s28+$0xFA0] =	vst.msk vm0, v5;
	s0 =	sadd.s32 $0x80000000, s0  }
0x3d: {  	[tilespmem:s28+$0x10D0] =	vst.msk vm0, v4;
	p1 =	slt.s32 s0, $0x80  }
0x3e: {  	v4 =	vld @!p1 [tilespmem:$0x1100]  }
0x3f: {  	v5 =	vld @!p1 [tilespmem:$0x1110]  }
0x40: {  	v6 =	vld @!p1 [tilespmem:$0x10D0]  }
0x41: {  	v7 =	vld @!p1 [tilespmem:$0x10F0]  }
0x42: {  	v8 =	vld @!p1 [tilespmem:$0x10E0]  }
0x43: {  	[tilespmem:$0x1230] =	vst @!p1 v4;
	v4 =	vld @!p1 [tilespmem:$0x1140]  }
0x44: {  	[tilespmem:$0x1240] =	vst @!p1 v5;
	v5 =	vld @!p1 [tilespmem:$0x1130]  }
0x45: {  	[tilespmem:$0x1200] =	vst @!p1 v6;
	v6 =	vld @!p1 [tilespmem:$0x1120]  }
0x46: {  	s28 =	sadd.s32 @!p1 $0xFFFFFF80, s0;
	[tilespmem:$0x1220] =	vst @!p1 v7  }
0x47: {  	s31 =	simm.s32 $0x40;
	s28 =	smov.u32 @p1 s0;
	[tilespmem:$0x1210] =	vst @!p1 v8  }
.LBB2_4:
0x48: {  	[tilespmem:$0x1270] =	vst @!p1 v4;
	s0 =	smov.u32 s31;
	s31 =	sadd.s32 $0x40, s31  }
0x49: {  	s2 =	simm.s32 @!p1 $0x1;
	p0 =	sne.s32 s31, $0x1F40;
	[tilespmem:$0x1260] =	vst @!p1 v5  }
0x4a: {  	s8 =	simm.s32 @!p1 $0x80;
	s13 =	simm.s32 @!p1 $0xFA0;
	s24 =	simm.s32 @!p1 $0x1280;
	[tilespmem:$0x1250] =	vst @!p1 v6  }
0x4b: {  	[tilespmem:s24], [sflag:$0x1] =	stream.indirect.gather @!p1 [hbm4b:s4+s8], $0x80, s13, s8, $0xb8;
	[tilespmem:$0x1E2C0] =	vst v63  }
0x4c: {  	_ =	swait.ge @!p1 [sflag:s2], $0x4000  }
0x4d: {  	[sflag:s2] =	ssyncset.done @!p1 $0x0  }
0x4e: {  	s13 =	simm.s32 @!p1 $0x1200;
	[sflag:s2] =	ssyncadd.s32 @!p1 $0xFFFFC000  }
0x4f: {  	[spmem:s1] =	stream.indirect.scatter.add.f32 @!p1 [tilespmem:s24], [sflag:$0x1], $0x80, s13, s8, $0xb8;
	[tilespmem:$0x1E2C0] =	vst v63  }
0x50: {  	s0 =	sshra.s32 s0, $0x2;
	_ =	swait.ge @!p1 [sflag:s2], $0x4000  }
0x51: {  	[sflag:s2] =	ssyncset.done @!p1 $0x0  }
0x52: {  	[sflag:s2] =	ssyncadd.s32 @!p1 $0xFFFFC000  }
0x53: {  	v4 =	vld @!p1 [tilespmem:$0x1020]  }
0x54: {  	v5 =	vld @!p1 [tilespmem:$0x1150];
	_ =	sdelay $0x3  }
0x55: {  	[tilespmem:$0xFA0] =	vst @!p1 v4  }
0x56: {  	[tilespmem:$0x10D0] =	vst @!p1 v5  }
0x57: {  	v4 =	vld [tilespmem:s0+$0x7D0];
	_ =	sdelay $0x4  }
0x58: {  	vm0 =	vge.s32 v4, v2;
	vm1 =	vlt.s32 v4, v3  }
0x59: {  	vm0 =	vmand vm0, vm1  }
0x5a: {  	v5 =	vmpcnt.ones.xlane vm0;
	_ =	sdelay $0x1  }
0x5b: {  	v5 =	vxor.u32 $0x80000000, v5  }
0x5c: {  	(xrf0) =	vmax.scan.msk.u32 $0xffff, v5;
	_ =	sdelay $0x5  }
0x5d: {  	v5, _, _ =	vpop (xrf0)  }
0x5e: {  	(v2sf) =	vpush v5, $0xF;
	_ =	sdelay $0xb  }
0x5f: {  	v5 =	vld [tilespmem:s0+$0x0];
	_ =	sdelay $0x2  }
0x60: {  	s0 =	spop (v2sf)  }
0x61: {  	s0 =	sadd.s32 s0, s28  }
0x62: {  	v4 =	vsub.s32 v4, v2;
	[tilespmem:s28+$0xFA0] =	vst.msk vm0, v5;
	s0 =	sadd.s32 $0x80000000, s0  }
0x63: {  	[tilespmem:s28+$0x10D0] =	vst.msk vm0, v4;
	p1 =	slt.s32 s0, $0x80  }
0x64: {  	v4 =	vld @!p1 [tilespmem:$0x1100];
	s28 =	sadd.s32 @!p1 $0xFFFFFF80, s0  }
0x65: {  	v5 =	vld @!p1 [tilespmem:$0x1110];
	s28 =	smov.u32 @p1 s0  }
0x66: {  	v6 =	vld @!p1 [tilespmem:$0x10D0]  }
0x67: {  	v7 =	vld @!p1 [tilespmem:$0x10F0]  }
0x68: {  	v8 =	vld @!p1 [tilespmem:$0x10E0]  }
.Ltmp0:
0x69: {  	[tilespmem:$0x1230] =	vst @!p1 v4;
	v4 =	vld @!p1 [tilespmem:$0x1140];
	(pc) =	sbr.rel @p0 .LBB2_4-.Ltmp0, $4  }
0x6a: {  	[tilespmem:$0x1240] =	vst @!p1 v5;
	v5 =	vld @!p1 [tilespmem:$0x1130]  }
0x6b: {  	[tilespmem:$0x1200] =	vst @!p1 v6;
	v6 =	vld @!p1 [tilespmem:$0x1120]  }
0x6c: {  	[tilespmem:$0x1220] =	vst @!p1 v7  }
0x6d: {  	[tilespmem:$0x1210] =	vst @!p1 v8  }
0x6e: {  	[tilespmem:$0x1270] =	vst @!p1 v4  }
0x6f: {  	s0 =	simm.s32 @!p1 $0x1;
	[tilespmem:$0x1260] =	vst @!p1 v5  }
0x70: {  	s2 =	simm.s32 @!p1 $0x80;
	s8 =	simm.s32 @!p1 $0xFA0;
	s13 =	simm.s32 @!p1 $0x1280;
	[tilespmem:$0x1250] =	vst @!p1 v6  }
0x71: {  	[tilespmem:s13], [sflag:$0x1] =	stream.indirect.gather @!p1 [hbm4b:s4+s2], $0x80, s8, s2, $0xb8;
	[tilespmem:$0x1E2C0] =	vst v63  }
0x72: {  	_ =	swait.ge @!p1 [sflag:s0], $0x4000  }
0x73: {  	[sflag:s0] =	ssyncset.done @!p1 $0x0  }
0x74: {  	s8 =	simm.s32 @!p1 $0x1200;
	[sflag:s0] =	ssyncadd.s32 @!p1 $0xFFFFC000  }
0x75: {  	[spmem:s1] =	stream.indirect.scatter.add.f32 @!p1 [tilespmem:s13], [sflag:$0x1], $0x80, s8, s2, $0xb8;
	[tilespmem:$0x1E2C0] =	vst v63  }
0x76: {  	_ =	swait.ge @!p1 [sflag:s0], $0x4000  }
0x77: {  	[sflag:s0] =	ssyncset.done @!p1 $0x0  }
0x78: {  	[sflag:s0] =	ssyncadd.s32 @!p1 $0xFFFFC000  }
0x79: {  	s30 =	sadd.s32 $0x1, s30;
	v4 =	vld @!p1 [tilespmem:$0x1020]  }
0x7a: {  	p0 =	sne.s32 s30, $0x32;
	v5 =	vld @!p1 [tilespmem:$0x1150]  }
.Ltmp1:
0x7b: {  	_ = 	snop;
	(pc) =	sbr.rel @p0 .LBB2_3-.Ltmp1, $3  }
0x7c: {  	_ =	sdelay $0x1  }
0x7d: {  	[tilespmem:$0xFA0] =	vst @!p1 v4  }
0x7e: {  	[tilespmem:$0x10D0] =	vst @!p1 v5  }
0x7f: {  	[tilespmem:s28+$0xFA0] =	vst v0  }
0x80: {  	[tilespmem:s28+$0x10D0] =	vst v1  }
0x81: {  	[tilespmem:s28+$0xFB0] =	vst v0  }
0x82: {  	[tilespmem:s28+$0x10E0] =	vst v1  }
0x83: {  	[tilespmem:s28+$0xFC0] =	vst v0  }
0x84: {  	[tilespmem:s28+$0x10F0] =	vst v1  }
0x85: {  	[tilespmem:s28+$0xFD0] =	vst v0  }
0x86: {  	[tilespmem:s28+$0x1100] =	vst v1  }
0x87: {  	[tilespmem:s28+$0xFE0] =	vst v0  }
0x88: {  	[tilespmem:s28+$0x1110] =	vst v1  }
0x89: {  	[tilespmem:s28+$0xFF0] =	vst v0  }
0x8a: {  	[tilespmem:s28+$0x1120] =	vst v1  }
0x8b: {  	[tilespmem:s28+$0x1000] =	vst v0  }
0x8c: {  	[tilespmem:s28+$0x1130] =	vst v1  }
0x8d: {  	[tilespmem:s28+$0x1010] =	vst v0  }
0x8e: {  	[tilespmem:s28+$0x1140] =	vst v1  }
0x8f: {  	[tilespmem:s28+$0x1020] =	vst v0  }
0x90: {  	[tilespmem:s28+$0x1150] =	vst v1  }
0x91: {  	v2 =	vld [tilespmem:$0x10D0]  }
0x92: {  	v3 =	vld [tilespmem:$0x10E0]  }
0x93: {  	v4 =	vld [tilespmem:$0x10F0]  }
0x94: {  	v5 =	vld [tilespmem:$0x1100]  }
0x95: {  	v6 =	vld [tilespmem:$0x1110]  }
0x96: {  	v63 =	vld [tilespmem:$0x1140];
	[tilespmem:$0x1200] =	vst v2  }
0x97: {  	v2 =	vld [tilespmem:$0x1120];
	[tilespmem:$0x1210] =	vst v3  }
0x98: {  	v3 =	vld [tilespmem:$0x1130];
	[tilespmem:$0x1220] =	vst v4  }
0x99: {  	[tilespmem:$0x1230] =	vst v5  }
0x9a: {  	[tilespmem:$0x1240] =	vst v6  }
0x9b: {  	[tilespmem:$0x1270] =	vst v63  }
0x9c: {  	[tilespmem:$0x1250] =	vst v2  }
0x9d: {  	[tilespmem:$0x1260] =	vst v3  }
0x9e: {  	[tilespmem:s22], [sflag:$0x1] =	stream.indirect.gather [hbm4b:s4+s20], $0x80, s21, s20, $0xb8;
	[tilespmem:$0x1E2C0] =	vst v63  }
0x9f: {  	_ =	swait.ge [sflag:s18], $0x4000  }
0xa0: {  	[sflag:s18] =	ssyncset.done $0x0  }
0xa1: {  	[sflag:s18] =	ssyncadd.s32 $0xFFFFC000  }
0xa2: {  	[spmem:s1] =	stream.indirect.scatter.add.f32 [tilespmem:s22], [sflag:$0x1], $0x80, s23, s20, $0xb8;
	[tilespmem:$0x1E2C0] =	vst v63  }
0xa3: {  	_ =	swait.ge [sflag:s18], $0x4000  }
0xa4: {  	[sflag:s18] =	ssyncset.done $0x0  }
0xa5: {  	[sflag:s18] =	ssyncadd.s32 $0xFFFFC000  }
0xa6: {  	v2 =	vld [tilespmem:$0x1020]  }
0xa7: {  	v3 =	vld [tilespmem:$0x1150];
	_ =	sdelay $0x2  }
0xa8: {  	s0 =	sadd.s32 s11, s26  }
0xa9: {  	s2 =	sshll.u32 s3, $0x6;
	s8 =	sshrl.u32 s12, $0x3;
	s25 =	sadd.s32 $0x1, s25;
	[tilespmem:$0xFA0] =	vst v2  }
0xaa: {  	s0 =	sshll.u32 s0, $0x4;
	s2 =	sor.u32 $0x1C01, s2;
	p0 =	sne.s32 s25, $0x5;
	[tilespmem:$0x10D0] =	vst v3  }
.Ltmp2:
0xab: {  	s0 =	sadd.s32 s9, s0;
	[bflag:$0x0] =	sbarrier.arrive $0xFFFF;
	(pc) =	sbr.rel @p0 .LBB2_2-.Ltmp2, $4  }
0xac: {  	[hbm:s0], [sflag:s2] =	dma.local [spmem:s8], $0x2800  }
0xad: {  	_ =	swait.ge [sflag:s18], $0x2800  }
0xae: {  	[sflag:s18] =	ssyncset.done $0x0  }
0xaf: {  	[sflag:s18] =	ssyncadd.s32 $0xFFFFD800  }
0xb0: {  	s2 =	rddreg [dreg:$0x5]  }
0xb1: {  	s0 =	rddreg [dreg:$0x4];
	s2 =	sadd.s32 $0x1, s2  }
0xb2: {  	p0 =	sne.s32 s2, s0  }
.Ltmp3:
0xb3: {  	_ = 	snop;
	(pc) =	sbr.rel @p0 .LBB2_1-.Ltmp3, $1  }
0xb4: {  	_ =	sdelay $0x3  }
0xb5: {  	_ =	sfence.sel $0x180000  }
0xb6: {  	[bflag:$0x0] =	sbarrier.arrive $0xFFFF  }
0xb7: {  	_ =	strace $0x9000004A  }
0xb8: {  	[bflag:$0x2] =	sbarrier.arrive $0xFFFF  }
0xb9: {  	p0 =	sne.s32 s3, $0x0;
	s0 =	rddreg [dreg:$0x2]  }
0xba: {  	s0 =	sadd.s32 @!p0 $0x100000, s0  }
0xbb: {  	[sflag:s0] =	ssyncadd.tile.s32 @!p0 $0x1;
	_ =	shalt  }
.Lfunc_end2:
_tile_overlayer_lowered:
.L_overlay_start_2:
0xbc: {  	(tag) =	ssettag $0x2  }
0xbd: {  	s0 =	rddreg [dreg:$0x0];
	s2 =	stileid.u32  }
0xbe: {  	s1 =	rddreg [dreg:$0x1];
	p0 =	sne.s32 s2, $0x0  }
0xbf: {  	s3 =	rddreg [dreg:$0x2];
	[bflag:$0x3] =	sbarrier.arrive $0xFFFF;
	s2 =	simm.s32 @!p0 $0x1C01  }
0xc0: {  	[timem:s3], [sflag:s2] =	dma.local @!p0 [hbm:s0], s1  }
0xc1: {  	s0 =	simm.s32 @!p0 $0x1  }
0xc2: {  	_ =	swait.ge @!p0 [sflag:s0], s1  }
0xc3: {  	s1 =	ssub.s32 @!p0 $0x0, s1;
	[sflag:s0] =	ssyncset.done @!p0 $0x0  }
0xc4: {  	[sflag:s0] =	ssyncadd.s32 @!p0 s1  }
0xc5: {  	[bflag:$0x3] =	sbarrier.arrive $0xFFFF  }
0xc6: {  	_ =	shalt  }

// kernel: kernel.16.cloned.1.call-start
scs
__scs_entry_jumppad:
0x0: {  	(pc) =	sbr.rel $0x88, $3  }
0x1: {  	(tag) =	ssettag $0x0;
	lr =	simm.s32 $0x1  }
0x2: {  	[smem:$0x3F8E] =	sst lr;
	_ =	strace $0xD0000000  }
0x3: {  	_ = 	snop  }
0x4: {  	_ = 	snop  }
0x5: {  	_ = 	snop  }
0x6: {  	_ = 	snop  }
0x7: {  	_ = 	snop  }
__scs_overlays_trampoline_lowered:
0x8: {  	[smem:$0x3F9D] =	sst s0  }
0x9: {  	[smem:$0x3F9E] =	sst s1  }
0xa: {  	[smem:$0x3F9F] =	sst s2  }
0xb: {  	[smem:$0x3FA0] =	sst s3  }
0xc: {  	[smem:$0x3FA1] =	sst s4  }
0xd: {  	[smem:$0x3FA2] =	sst s5  }
0xe: {  	[smem:$0x3FA3] =	sst s6  }
0xf: {  	[smem:$0x3FA4] =	sst s7  }
0x10: {  	[smem:$0x3FA5] =	sst s8  }
0x11: {  	[smem:$0x3FA6] =	sst s9;
	s0 =	simm.s32 @!p0 $0x0  }
0x12: {  	s1 =	sld [smem:$0x3F8C];
	s0 =	simm.s32 @p0 $0x1  }
0x13: {  	[smem:$0x3FA7] =	sst s0;
	s0 =	simm.s32 @!p1 $0x0  }
0x14: {  	s2 =	sld [smem:$0x3F8B];
	s0 =	simm.s32 @p1 $0x1  }
0x15: {  	[smem:$0x3FA8] =	sst s0;
	s0 =	simm.s32 @!p2 $0x0  }
0x16: {  	s3 =	sld [smem:$0x3FDB];
	s0 =	simm.s32 @p2 $0x1  }
0x17: {  	s4 =	simm.s32 $0x1BF5;
	[smem:$0x3FAA] =	sst s0  }
0x18: {  	s0 =	sld [smem:$0x3F8D];
	_ =	swait.ge [sflag:s4], $0x0  }
0x19: {  	s7 =	sld [smem:$0x3F8E]  }
0x1a: {  	s8 =	sadd.s32 $0xFFFFE003, lr  }
0x1b: {  	s9 =	sadd.s32 $0xFFFFFEF7, lr;
	s5 =	simm.s32 $0xFFFFFFFF;
	p2 =	slt.u32 s8, $0xFFFFF086  }
0x1c: {  	p1 =	slt.u32 s9, $0xF7A;
	s5 =	simm.s32 @!p2 $0x0  }
0x1d: {  	s5 =	simm.s32 @p1 $0x1;
	p0 =	seq.s32 s7, s2  }
0x1e: {  	s7 =	smul.u32 @!p0 $0xF7A, s2;
	p2 =	seq.s32 @!p0 s5, $0x0  }
0x1f: {  	s9 =	smul.u32 $0xF7A, s1;
	s8 =	simm.s32 @!p0 $0x1BF5;
	p2 =	por !p2, p0  }
0x20: {  	[sflag:s8] =	ssyncset.s32 @!p0 $0xFFFFF086;
	s6 =	sadd.s32 @!p0 s3, s7;
	s7 =	simm.s32 @!p0 $0x108  }
0x21: {  	s3 =	sadd.s32 s3, s9;
	s6 =	sadd.s32 @!p0 $0x88, s6;
	s7 =	simm.s32 @p2 $0x1082  }
0x22: {  	[simem:s7], [sflag:s8] =	dma.local @!p0 [hbm:s6], $0xF7A  }
0x23: {  	s9 =	sor.u32 $0xD0000000, s2;
	s6 =	simm.s32 $0x108;
	_ =	swait.ge @!p0 [sflag:s8], $0x0  }
0x24: {  	s3 =	sadd.s32 $0x88, s3;
	s6 =	simm.s32 @!p1 $0x1082;
	[sflag:s4] =	ssyncset.s32 $0xFFFFF086  }
0x25: {  	[simem:s6], [sflag:s4] =	dma.local [hbm:s3], $0xF7A  }
0x26: {  	[smem:$0x3F8E] =	sst s1;
	(tag) =	ssettag s2;
	_ =	strace s9  }
0x27: {  	s1 =	sld [smem:$0x3F9E]  }
0x28: {  	s2 =	sld [smem:$0x3F9F]  }
0x29: {  	s4 =	sld [smem:$0x3FA1]  }
0x2a: {  	p0 =	seq.s32 s5, $0x0;
	s5 =	sld [smem:$0x3FA2]  }
0x2b: {  	s6 =	sld [smem:$0x3FA3]  }
0x2c: {  	s7 =	sld [smem:$0x3FA4]  }
0x2d: {  	s3 =	simm.s32 $0x108;
	s8 =	sld [smem:$0x3FA5]  }
0x2e: {  	s3 =	simm.s32 @!p0 $0x1082;
	s9 =	sld [smem:$0x3FA6]  }
0x2f: {  	lr =	sadd.s32 s0, s3;
	s0 =	sld [smem:$0x3F9D]  }
0x30: {  	s3 =	sld [smem:$0x3FA0]  }
0x31: {  	[smem:$0x3FA9] =	sst s10  }
0x32: {  	s10 =	sld [smem:$0x3FA7];
	_ =	sdelay $0x3  }
0x33: {  	p0 =	seq.s32 s10, $0x1;
	s10 =	sld [smem:$0x3FA9];
	_ =	sdelay $0x3  }
0x34: {  	[smem:$0x3FA9] =	sst s10  }
0x35: {  	s10 =	sld [smem:$0x3FA8];
	_ =	sdelay $0x3  }
0x36: {  	p1 =	seq.s32 s10, $0x1;
	s10 =	sld [smem:$0x3FA9];
	_ =	sdelay $0x3  }
0x37: {  	[smem:$0x3FA9] =	sst s10  }
0x38: {  	s10 =	sld [smem:$0x3FAA]  }
0x39: {  	_ = 	snop;
	(pc) =	sbr.ind lr, $3  }
0x3a: {  	_ = 	snop  }
0x3b: {  	_ = 	snop  }
0x3c: {  	p2 =	seq.s32 s10, $0x1;
	s10 =	sld [smem:$0x3FA9]  }
0x3d: {  	_ =	shalt  }
0x3e: {  	_ =	shalt  }
0x3f: {  	_ =	shalt  }
0x40: {  	_ =	shalt  }
0x41: {  	_ =	shalt  }
0x42: {  	_ =	shalt  }
0x43: {  	_ =	shalt  }
0x44: {  	_ =	shalt  }
0x45: {  	_ =	shalt  }
0x46: {  	_ =	shalt  }
0x47: {  	_ =	shalt  }
0x48: {  	_ =	shalt  }
0x49: {  	_ =	shalt  }
0x4a: {  	_ =	shalt  }
0x4b: {  	_ =	shalt  }
0x4c: {  	_ =	shalt  }
0x4d: {  	_ =	shalt  }
0x4e: {  	_ =	shalt  }
0x4f: {  	_ =	shalt  }
0x50: {  	_ =	shalt  }
0x51: {  	_ =	shalt  }
0x52: {  	_ =	shalt  }
0x53: {  	_ =	shalt  }
0x54: {  	_ =	shalt  }
0x55: {  	_ =	shalt  }
0x56: {  	_ =	shalt  }
0x57: {  	_ =	shalt  }
0x58: {  	_ =	shalt  }
0x59: {  	_ =	shalt  }
0x5a: {  	_ =	shalt  }
0x5b: {  	_ =	shalt  }
0x5c: {  	_ =	shalt  }
0x5d: {  	_ =	shalt  }
0x5e: {  	_ =	shalt  }
0x5f: {  	_ =	shalt  }
0x60: {  	_ =	shalt  }
0x61: {  	_ =	shalt  }
0x62: {  	_ =	shalt  }
0x63: {  	_ =	shalt  }
0x64: {  	_ =	shalt  }
0x65: {  	_ =	shalt  }
0x66: {  	_ =	shalt  }
0x67: {  	_ =	shalt  }
0x68: {  	_ =	shalt  }
0x69: {  	_ =	shalt  }
0x6a: {  	_ =	shalt  }
0x6b: {  	_ =	shalt  }
0x6c: {  	_ =	shalt  }
0x6d: {  	_ =	shalt  }
0x6e: {  	_ =	shalt  }
0x6f: {  	_ =	shalt  }
0x70: {  	_ =	shalt  }
0x71: {  	_ =	shalt  }
0x72: {  	_ =	shalt  }
0x73: {  	_ =	shalt  }
0x74: {  	_ =	shalt  }
0x75: {  	_ =	shalt  }
0x76: {  	_ =	shalt  }
0x77: {  	_ =	shalt  }
0x78: {  	_ =	shalt  }
0x79: {  	_ =	shalt  }
0x7a: {  	_ =	shalt  }
0x7b: {  	_ =	shalt  }
0x7c: {  	_ =	shalt  }
0x7d: {  	_ =	shalt  }
0x7e: {  	_ =	shalt  }
0x7f: {  	_ =	shalt  }
0x80: {  	_ =	shalt  }
0x81: {  	_ =	shalt  }
0x82: {  	_ =	shalt  }
0x83: {  	_ =	shalt  }
0x84: {  	_ =	shalt  }
0x85: {  	_ =	shalt  }
0x86: {  	_ =	shalt  }
0x87: {  	_ =	shalt  }
.Lfunc_end0:
.L_simem_size_0:
called_computation.2_lowered:
.L_overlay_start_0:
0x88: {  	s2 =	sld [smem:$0x3FD9]  }
0x89: {  	s3 =	sld [smem:$0x3FFE];
	_ =	sdelay $0x1  }
0x8a: {  	s1 =	srdreg.scid  }
0x8b: {  	s0 =	sand.u32 $0x1, s1  }
0x8c: {  	s17 =	sshll.u32 s0, $0xA;
	s2 =	sadd.s32 s3, s2  }
0x8d: {  	s2 =	sadd.s32 s2, s17  }
0x8e: {  	[smem:$0x3FB5] =	sst s2  }
0x8f: {  	_ = 	snop  }
0x90: {  	(tm) =	ssettm $0x1  }
0x91: {  	s18 =	sld [smem:$0x3FFB];
	_ =	sdelay $0x3  }
0x92: {  	_ =	strace s18  }
0x93: {  	s2 =	sld [smem:$0x3FFC];
	_ =	sdelay $0x3  }
0x94: {  	_ =	strace s2  }
0x95: {  	s2 =	sld [smem:$0x3FFD];
	_ =	sdelay $0x3  }
0x96: {  	_ =	strace s2  }
0x97: {  	_ =	strace $0x8FFFFFFF  }
0x98: {  	s19 =	sld [smem:$0x3FDB];
	_ =	sdelay $0x1  }
0x99: {  	s20 =	simm.s32 $_scs_section_size  }
0x9a: {  	s4 =	simm.s32 $_size__tile_overlayer_lowered;
	s5 =	simm.s32 $_tile_overlayer_lowered  }
0x9b: {  	s6 =	simm.s32 $0x1BFF;
	s21 =	sshll.u32 s5, $0x1;
	s3 =	sadd.s32 s20, s19  }
0x9c: {  	s22 =	simm.s32 $0x0;
	s4 =	sshll.u32 s4, $0x1;
	s5 =	sadd.s32 s21, s3  }
0x9d: {  	[timem:s22], [sflag:s6] =	dma.local [hbm:s5], s4  }
0x9e: {  	_ =	swait.ge [sflag:s6], s4  }
0x9f: {  	s4 =	ssub.s32 $0x0, s4;
	[sflag:s6] =	ssyncset.done $0x0  }
0xa0: {  	[sflag:s6] =	ssyncadd.s32 s4;
	_ =	sdelay $0x1  }
0xa1: {  	s23 =	simm.s32 $0x1B8B  }
0xa2: {  	_ =	swait.ge [sflag:s23], $0x1  }
0xa3: {  	[sflag:s23] =	ssyncset.done $0x0  }
0xa4: {  	[sflag:s23] =	ssyncadd.s32 $0xFFFFFFFF  }
0xa5: {  	s4 =	sld [smem:$0x0]  }
0xa6: {  	s5 =	sand.u32 $0xFFFFFFFE, s1  }
0xa7: {  	p0 =	sne.s32 s1, s5  }
0xa8: {  	s5 =	sshll.u32 @p0 s5, $0xE  }
0xa9: {  	s5 =	sadd.s32 @p0 $0x11B8D, s5;
	s6 =	sshll.u32 @p0 s4, $0x11  }
0xaa: {  	s5 =	sor.u32 @p0 s6, s5  }
0xab: {  	[sflag:s5] =	ssyncadd.remote.s32 @p0 $0x1;
	_ =	sdelay $0x1  }
0xac: {  	s5 =	simm.s32 @p0 $0x1B8D  }
0xad: {  	_ =	swait.eq @p0 [sflag:s5], $0x1  }
0xae: {  	[sflag:s5] =	ssyncadd.s32 @p0 $0xFFFFFFFF  }
0xaf: {  	s6 =	sshll.u32 @!p0 s1, $0xE  }
0xb0: {  	s6 =	sor.u32 @!p0 $0x4000, s6;
	s5 =	simm.s32 @!p0 $0x1B8D  }
0xb1: {  	s4 =	sshll.u32 @!p0 s4, $0x11;
	s6 =	sadd.s32 @!p0 $0x11B8D, s6;
	_ =	swait.eq @!p0 [sflag:s5], $0x1  }
0xb2: {  	s4 =	sor.u32 @!p0 s4, s6;
	[sflag:s5] =	ssyncadd.s32 @!p0 $0xFFFFFFFF  }
0xb3: {  	s25 =	simm.s32 $0x1B8E;
	s24 =	sld [smem:$0x3FFE];
	[sflag:s4] =	ssyncadd.remote.s32 @!p0 $0x1  }
0xb4: {  	s26 =	simm.s32 $execute0_lowered;
	[smem:$0x3FD2] =	sst s25  }
0xb5: {  	s5 =	sshll.u32 s26, $0x1;
	_ =	strace $0x8000004C;
	[dreg:$0x1] =	wrdreg $0xFFFFFFFF  }
0xb6: {  	s28 =	simm.s32 $_size_execute0_lowered;
	s3 =	sadd.s32 s3, s5;
	[dreg:$0x0] =	wrdreg $0x0  }
0xb7: {  	s5 =	sshll.u32 s28, $0x1;
	[dreg:$0x2] =	wrdreg s3  }
0xb8: {  	[dreg:$0x3] =	wrdreg s5  }
0xb9: {  	[dreg:$0x4] =	wrdreg $0xC0  }
0xba: {  	_ =	task [dreg:s22], $0x5FFFF  }
0xbb: {  	[dreg:$0x1] =	wrdreg $0xFFFFFFFF  }
0xbc: {  	[dreg:$0x0] =	wrdreg $0x60  }
0xbd: {  	[dreg:$0x2] =	wrdreg s24  }
0xbe: {  	[dreg:$0x3] =	wrdreg $0x1EE00  }
0xbf: {  	[dreg:$0x4] =	wrdreg $0x9  }
0xc0: {  	_ =	task.clear_ibuf [dreg:s22], $0x5FFFF;
	_ =	strace $0x9000004C  }
0xc1: {  	s29 =	simm.s32 $0x9;
	_ =	strace $0x8000004E  }
0xc2: {  	_ =	swait.ge [sflag:s29], $0x1  }
0xc3: {  	[sflag:s29] =	ssyncadd.s32 $0xFFFFFFFF  }
0xc4: {  	_ =	strace $0x9000004E  }
0xc5: {  	_ =	sfence  }
0xc6: {  	s30 =	sld [smem:$0x0];
	_ =	sdelay $0x2  }
0xc7: {  	s31 =	sshll.u32 s1, $0xD;
	s1 =	sshrl.u32 s1, $0x2  }
0xc8: {  	s4 =	sand.u32 $0x4000, s31;
	s1 =	sadd.s32 s1, s30  }
0xc9: {  	s0 =	sor.u32 s4, s0;
	s1 =	sshll.u32 s1, $0x11  }
0xca: {  	s0 =	sor.u32 s1, s0  }
0xcb: {  	s0 =	sadd.s32 $0x8F2B, s0  }
0xcc: {  	[sflag:s0] =	ssyncadd.remote.s32 $0x1  }
0xcd: {  	_ =	sfence.sel $0xFFFF  }
0xce: {  	[dreg:$0x0] =	wrdreg $0xFFFFFFFF;
	(pc) =	sbr.abs _section_cstart, $3  }
0xcf: {  	[dreg:$0x1] =	wrdreg $0xFFFFFFFF  }
0xd0: {  	_ =	task.clear_ibuf [dreg:s22], $0x2FFFF;
	_ =	strace $0x9FFFFFFF  }
0xd1: {  	(tm) =	ssettm $0x7FFFFFFF  }
tec
execute0_lowered:
.L_overlay_start_1:
0x0: {  	(tag) =	ssettag $0x1  }
0x1: {  	s5 =	rddreg [dreg:$0x0];
	s1 =	stileid.u32  }
0x2: {  	s0 =	srdreg.scid;
	s7 =	smul.u32 $0xC80, s1  }
0x3: {  	s2 =	rddreg [dreg:$0x1];
	s30 =	smul.u32 $0x1980, s1  }
0x4: {  	s3 =	simm.s32 $0x0;
	s16 =	simm.s32 $0x0;
	s11 =	smul.u32 $0x1800, s1  }
0x5: {  	s6 =	sand.u32 $0x1, s0;
	s0 =	rddreg [dreg:$0x2];
	s13 =	smul.u32 $0x4B00, s1  }
0x6: {  	[smem:$0x7FF] =	sst s3;
	s9 =	sshll.u32 s1, $0x5;
	s4 =	smul.u32 $0xC800, s6  }
0x7: {  	s14 =	sshll.u32 s1, $0x6;
	s8 =	sshll.u32 s6, $0x9;
	s10 =	smul.u32 $0x4B000, s6  }
0x8: {  	_ =	strace $0x8000004D;
	s6 =	ssub.s32 $0x2, s6;
	s14 =	sor.u32 $0x1C01, s14  }
0x9: {  	s26 =	sor.u32 s9, s8;
	s12 =	sshrl.u32 s6, $0x1;
	s31 =	sshrl.u32 s11, $0x2  }
0xa: {  	s11 =	simm.s32 $0x1;
	s4 =	sadd.s32 s7, s4;
	s7 =	smul.u32 $0x6, s26  }
0xb: {  	s28 =	sadd.s32 s10, s5;
	s10 =	sshrl.u32 s30, $0x2;
	s12 =	ssub.s32 s6, s12  }
0xc: {  	s15 =	sadd.s32 s31, s2;
	s4 =	sshrl.u32 s4, $0x3;
	s8 =	sadd.s32 s13, s28  }
0xd: {  	s13 =	simm.s32 $0x80;
	s15 =	sshrl.u32 s15, $0x3;
	s29 =	sadd.s32 s4, s5  }
0xe: {  	s4 =	sadd.s32 $0x28FA00, s5;
	s7 =	sadd.s32 s7, s5;
	s5 =	sadd.s32 s10, s2  }
0xf: {  	s8 =	sadd.s32 $0x4200, s8;
	s10 =	simm.s32 $0x1880;
	s6 =	sadd.s32 $0x28FC00, s7  }
0x10: {  	s7 =	smax.u32 s12, $0x1;
	s9 =	sadd.s32 $0x28C800, s29;
	s12 =	simm.s32 $0x1800  }
.LBB2_1:
0x11: {  	[tilespmem:s10], [sflag:$0x1] =	stream.linear.gather [hbm4b:s4+s3], $0x660, $0x38;
	[tilespmem:$0x2540] =	vst v63  }
0x12: {  	_ =	swait.ge [sflag:s11], $0x660  }
0x13: {  	[sflag:s11] =	ssyncset.done $0x0  }
0x14: {  	[sflag:s11] =	ssyncadd.s32 $0xFFFFF9A0  }
0x15: {  	[spmem:s5] =	stream.linear.scatter [tilespmem:s10], [sflag:$0x1], $0x660, $0x38;
	[tilespmem:$0x2540] =	vst v63  }
0x16: {  	_ =	swait.ge [sflag:s11], $0x660  }
0x17: {  	[sflag:s11] =	ssyncset.done $0x0  }
0x18: {  	[sflag:s11] =	ssyncadd.s32 $0xFFFFF9A0  }
0x19: {  	[bflag:$0x0] =	sbarrier.arrive $0xFFFF  }
0x1a: {  	[tilespmem:s3], [sflag:$0x1] =	stream.linear.gather [hbm4b:s8+s3], $0x1800, $0x38;
	[tilespmem:$0x2540] =	vst v63  }
0x1b: {  	_ =	swait.ge [sflag:s11], $0x1800  }
0x1c: {  	[sflag:s11] =	ssyncset.done $0x0  }
0x1d: {  	s17 =	sadd.s32 $0x0, s9;
	[sflag:s11] =	ssyncadd.s32 $0xFFFFE800  }
0x1e: {  	[tilespmem:s12], [sflag:$0x1] =	stream.linear.gather [hbm4b:s17+s3], $0x80, $0x38;
	[tilespmem:$0x2540] =	vst v63  }
0x1f: {  	_ =	swait.ge [sflag:s11], $0x80  }
0x20: {  	[sflag:s11] =	ssyncset.done $0x0  }
0x21: {  	[sflag:s11] =	ssyncadd.s32 $0xFFFFFF80  }
0x22: {  	[spmem:s2] =	stream.indirect.scatter.add.f32 [tilespmem:s3], [sflag:$0x1], $0x30, s12, s13, $0xb8;
	[tilespmem:$0x2540] =	vst v63  }
0x23: {  	_ =	swait.ge [sflag:s11], $0x1800  }
0x24: {  	s18 =	smov.u32 s8;
	s17 =	simm.s32 $0x10;
	[sflag:s11] =	ssyncset.done $0x0  }
.LBB2_2:
0x25: {  	p0 =	sne.s32 s17, $0x180;
	[sflag:s11] =	ssyncadd.s32 $0xFFFFE800;
	s18 =	sadd.s32 $0x300, s18  }
0x26: {  	[tilespmem:s3], [sflag:$0x1] =	stream.linear.gather [hbm4b:s18+s3], $0x1800, $0x38;
	[tilespmem:$0x2540] =	vst v63  }
0x27: {  	s19 =	smov.u32 s17;
	s17 =	sadd.s32 $0x10, s17;
	_ =	swait.ge [sflag:s11], $0x1800  }
0x28: {  	[sflag:s11] =	ssyncset.done $0x0  }
0x29: {  	s19 =	sadd.s32 s19, s9;
	[sflag:s11] =	ssyncadd.s32 $0xFFFFE800  }
0x2a: {  	[tilespmem:s12], [sflag:$0x1] =	stream.linear.gather [hbm4b:s19+s3], $0x80, $0x38;
	[tilespmem:$0x2540] =	vst v63  }
0x2b: {  	_ =	swait.ge [sflag:s11], $0x80  }
.Ltmp0:
0x2c: {  	[sflag:s11] =	ssyncset.done $0x0;
	(pc) =	sbr.rel @p0 .LBB2_2-.Ltmp0, $4  }
0x2d: {  	[sflag:s11] =	ssyncadd.s32 $0xFFFFFF80  }
0x2e: {  	[spmem:s2] =	stream.indirect.scatter.add.f32 [tilespmem:s3], [sflag:$0x1], $0x30, s12, s13, $0xb8;
	[tilespmem:$0x2540] =	vst v63  }
0x2f: {  	_ =	swait.ge [sflag:s11], $0x1800  }
0x30: {  	[sflag:s11] =	ssyncset.done $0x0  }
0x31: {  	s16 =	sadd.s32 $0x1, s16  }
0x32: {  	[sflag:s11] =	ssyncadd.s32 $0xFFFFE800;
	p0 =	sne.s32 s16, s7  }
.Ltmp1:
0x33: {  	[bflag:$0x0] =	sbarrier.arrive $0xFFFF;
	(pc) =	sbr.rel @p0 .LBB2_1-.Ltmp1, $4  }
0x34: {  	[hbm:s6], [sflag:s14] =	dma.local [spmem:s15], $0xC0  }
0x35: {  	_ =	swait.ge [sflag:s11], $0xC0  }
0x36: {  	[sflag:s11] =	ssyncset.done $0x0  }
0x37: {  	[sflag:s11] =	ssyncadd.s32 $0xFFFFFF40  }
0x38: {  	_ =	sfence.sel $0x180000  }
0x39: {  	[bflag:$0x0] =	sbarrier.arrive $0xFFFF  }
0x3a: {  	p0 =	sne.s32 s1, $0x0;
	_ =	strace $0x9000004D  }
0x3b: {  	s0 =	sadd.s32 @!p0 $0x100000, s0;
	[bflag:$0x2] =	sbarrier.arrive $0xFFFF  }
0x3c: {  	[sflag:s0] =	ssyncadd.tile.s32 @!p0 $0x1;
	_ =	shalt  }
.Lfunc_end2:
_tile_overlayer_lowered:
.L_overlay_start_2:
0x3d: {  	(tag) =	ssettag $0x2  }
0x3e: {  	s0 =	rddreg [dreg:$0x0];
	s2 =	stileid.u32  }
0x3f: {  	s1 =	rddreg [dreg:$0x1];
	p0 =	sne.s32 s2, $0x0  }
0x40: {  	s3 =	rddreg [dreg:$0x2];
	[bflag:$0x3] =	sbarrier.arrive $0xFFFF;
	s2 =	simm.s32 @!p0 $0x1C01  }
0x41: {  	[timem:s3], [sflag:s2] =	dma.local @!p0 [hbm:s0], s1  }
0x42: {  	s0 =	simm.s32 @!p0 $0x1  }
0x43: {  	_ =	swait.ge @!p0 [sflag:s0], s1  }
0x44: {  	s1 =	ssub.s32 @!p0 $0x0, s1;
	[sflag:s0] =	ssyncset.done @!p0 $0x0  }
0x45: {  	[sflag:s0] =	ssyncadd.s32 @!p0 s1  }
0x46: {  	[bflag:$0x3] =	sbarrier.arrive $0xFFFF  }
0x47: {  	_ =	shalt  }

// kernel: kernel.19.cloned.1.call-start
scs
__scs_entry_jumppad:
0x0: {  	(pc) =	sbr.rel $0x88, $3  }
0x1: {  	(tag) =	ssettag $0x0;
	lr =	simm.s32 $0x1  }
0x2: {  	[smem:$0x3F8E] =	sst lr;
	_ =	strace $0xD0000000  }
0x3: {  	_ = 	snop  }
0x4: {  	_ = 	snop  }
0x5: {  	_ = 	snop  }
0x6: {  	_ = 	snop  }
0x7: {  	_ = 	snop  }
__scs_overlays_trampoline_lowered:
0x8: {  	[smem:$0x3F9D] =	sst s0  }
0x9: {  	[smem:$0x3F9E] =	sst s1  }
0xa: {  	[smem:$0x3F9F] =	sst s2  }
0xb: {  	[smem:$0x3FA0] =	sst s3  }
0xc: {  	[smem:$0x3FA1] =	sst s4  }
0xd: {  	[smem:$0x3FA2] =	sst s5  }
0xe: {  	[smem:$0x3FA3] =	sst s6  }
0xf: {  	[smem:$0x3FA4] =	sst s7  }
0x10: {  	[smem:$0x3FA5] =	sst s8  }
0x11: {  	[smem:$0x3FA6] =	sst s9;
	s0 =	simm.s32 @!p0 $0x0  }
0x12: {  	s1 =	sld [smem:$0x3F8C];
	s0 =	simm.s32 @p0 $0x1  }
0x13: {  	[smem:$0x3FA7] =	sst s0;
	s0 =	simm.s32 @!p1 $0x0  }
0x14: {  	s2 =	sld [smem:$0x3F8B];
	s0 =	simm.s32 @p1 $0x1  }
0x15: {  	[smem:$0x3FA8] =	sst s0;
	s0 =	simm.s32 @!p2 $0x0  }
0x16: {  	s3 =	sld [smem:$0x3FDB];
	s0 =	simm.s32 @p2 $0x1  }
0x17: {  	s4 =	simm.s32 $0x1BF5;
	[smem:$0x3FAA] =	sst s0  }
0x18: {  	s0 =	sld [smem:$0x3F8D];
	_ =	swait.ge [sflag:s4], $0x0  }
0x19: {  	s7 =	sld [smem:$0x3F8E]  }
0x1a: {  	s8 =	sadd.s32 $0xFFFFE003, lr  }
0x1b: {  	s9 =	sadd.s32 $0xFFFFFEF7, lr;
	s5 =	simm.s32 $0xFFFFFFFF;
	p2 =	slt.u32 s8, $0xFFFFF086  }
0x1c: {  	p1 =	slt.u32 s9, $0xF7A;
	s5 =	simm.s32 @!p2 $0x0  }
0x1d: {  	s5 =	simm.s32 @p1 $0x1;
	p0 =	seq.s32 s7, s2  }
0x1e: {  	s7 =	smul.u32 @!p0 $0xF7A, s2;
	p2 =	seq.s32 @!p0 s5, $0x0  }
0x1f: {  	s9 =	smul.u32 $0xF7A, s1;
	s8 =	simm.s32 @!p0 $0x1BF5;
	p2 =	por !p2, p0  }
0x20: {  	[sflag:s8] =	ssyncset.s32 @!p0 $0xFFFFF086;
	s6 =	sadd.s32 @!p0 s3, s7;
	s7 =	simm.s32 @!p0 $0x108  }
0x21: {  	s3 =	sadd.s32 s3, s9;
	s6 =	sadd.s32 @!p0 $0x88, s6;
	s7 =	simm.s32 @p2 $0x1082  }
0x22: {  	[simem:s7], [sflag:s8] =	dma.local @!p0 [hbm:s6], $0xF7A  }
0x23: {  	s9 =	sor.u32 $0xD0000000, s2;
	s6 =	simm.s32 $0x108;
	_ =	swait.ge @!p0 [sflag:s8], $0x0  }
0x24: {  	s3 =	sadd.s32 $0x88, s3;
	s6 =	simm.s32 @!p1 $0x1082;
	[sflag:s4] =	ssyncset.s32 $0xFFFFF086  }
0x25: {  	[simem:s6], [sflag:s4] =	dma.local [hbm:s3], $0xF7A  }
0x26: {  	[smem:$0x3F8E] =	sst s1;
	(tag) =	ssettag s2;
	_ =	strace s9  }
0x27: {  	s1 =	sld [smem:$0x3F9E]  }
0x28: {  	s2 =	sld [smem:$0x3F9F]  }
0x29: {  	s4 =	sld [smem:$0x3FA1]  }
0x2a: {  	p0 =	seq.s32 s5, $0x0;
	s5 =	sld [smem:$0x3FA2]  }
0x2b: {  	s6 =	sld [smem:$0x3FA3]  }
0x2c: {  	s7 =	sld [smem:$0x3FA4]  }
0x2d: {  	s3 =	simm.s32 $0x108;
	s8 =	sld [smem:$0x3FA5]  }
0x2e: {  	s3 =	simm.s32 @!p0 $0x1082;
	s9 =	sld [smem:$0x3FA6]  }
0x2f: {  	lr =	sadd.s32 s0, s3;
	s0 =	sld [smem:$0x3F9D]  }
0x30: {  	s3 =	sld [smem:$0x3FA0]  }
0x31: {  	[smem:$0x3FA9] =	sst s10  }
0x32: {  	s10 =	sld [smem:$0x3FA7];
	_ =	sdelay $0x3  }
0x33: {  	p0 =	seq.s32 s10, $0x1;
	s10 =	sld [smem:$0x3FA9];
	_ =	sdelay $0x3  }
0x34: {  	[smem:$0x3FA9] =	sst s10  }
0x35: {  	s10 =	sld [smem:$0x3FA8];
	_ =	sdelay $0x3  }
0x36: {  	p1 =	seq.s32 s10, $0x1;
	s10 =	sld [smem:$0x3FA9];
	_ =	sdelay $0x3  }
0x37: {  	[smem:$0x3FA9] =	sst s10  }
0x38: {  	s10 =	sld [smem:$0x3FAA]  }
0x39: {  	_ = 	snop;
	(pc) =	sbr.ind lr, $3  }
0x3a: {  	_ = 	snop  }
0x3b: {  	_ = 	snop  }
0x3c: {  	p2 =	seq.s32 s10, $0x1;
	s10 =	sld [smem:$0x3FA9]  }
0x3d: {  	_ =	shalt  }
0x3e: {  	_ =	shalt  }
0x3f: {  	_ =	shalt  }
0x40: {  	_ =	shalt  }
0x41: {  	_ =	shalt  }
0x42: {  	_ =	shalt  }
0x43: {  	_ =	shalt  }
0x44: {  	_ =	shalt  }
0x45: {  	_ =	shalt  }
0x46: {  	_ =	shalt  }
0x47: {  	_ =	shalt  }
0x48: {  	_ =	shalt  }
0x49: {  	_ =	shalt  }
0x4a: {  	_ =	shalt  }
0x4b: {  	_ =	shalt  }
0x4c: {  	_ =	shalt  }
0x4d: {  	_ =	shalt  }
0x4e: {  	_ =	shalt  }
0x4f: {  	_ =	shalt  }
0x50: {  	_ =	shalt  }
0x51: {  	_ =	shalt  }
0x52: {  	_ =	shalt  }
0x53: {  	_ =	shalt  }
0x54: {  	_ =	shalt  }
0x55: {  	_ =	shalt  }
0x56: {  	_ =	shalt  }
0x57: {  	_ =	shalt  }
0x58: {  	_ =	shalt  }
0x59: {  	_ =	shalt  }
0x5a: {  	_ =	shalt  }
0x5b: {  	_ =	shalt  }
0x5c: {  	_ =	shalt  }
0x5d: {  	_ =	shalt  }
0x5e: {  	_ =	shalt  }
0x5f: {  	_ =	shalt  }
0x60: {  	_ =	shalt  }
0x61: {  	_ =	shalt  }
0x62: {  	_ =	shalt  }
0x63: {  	_ =	shalt  }
0x64: {  	_ =	shalt  }
0x65: {  	_ =	shalt  }
0x66: {  	_ =	shalt  }
0x67: {  	_ =	shalt  }
0x68: {  	_ =	shalt  }
0x69: {  	_ =	shalt  }
0x6a: {  	_ =	shalt  }
0x6b: {  	_ =	shalt  }
0x6c: {  	_ =	shalt  }
0x6d: {  	_ =	shalt  }
0x6e: {  	_ =	shalt  }
0x6f: {  	_ =	shalt  }
0x70: {  	_ =	shalt  }
0x71: {  	_ =	shalt  }
0x72: {  	_ =	shalt  }
0x73: {  	_ =	shalt  }
0x74: {  	_ =	shalt  }
0x75: {  	_ =	shalt  }
0x76: {  	_ =	shalt  }
0x77: {  	_ =	shalt  }
0x78: {  	_ =	shalt  }
0x79: {  	_ =	shalt  }
0x7a: {  	_ =	shalt  }
0x7b: {  	_ =	shalt  }
0x7c: {  	_ =	shalt  }
0x7d: {  	_ =	shalt  }
0x7e: {  	_ =	shalt  }
0x7f: {  	_ =	shalt  }
0x80: {  	_ =	shalt  }
0x81: {  	_ =	shalt  }
0x82: {  	_ =	shalt  }
0x83: {  	_ =	shalt  }
0x84: {  	_ =	shalt  }
0x85: {  	_ =	shalt  }
0x86: {  	_ =	shalt  }
0x87: {  	_ =	shalt  }
.Lfunc_end0:
.L_simem_size_0:
called_computation.3_lowered:
.L_overlay_start_0:
0x88: {  	s2 =	sld [smem:$0x3FD9]  }
0x89: {  	s3 =	sld [smem:$0x3FFE];
	_ =	sdelay $0x1  }
0x8a: {  	s1 =	srdreg.scid  }
0x8b: {  	s0 =	sand.u32 $0x1, s1  }
0x8c: {  	s17 =	sshll.u32 s0, $0xA;
	s2 =	sadd.s32 s3, s2  }
0x8d: {  	s2 =	sadd.s32 s2, s17  }
0x8e: {  	[smem:$0x3FB5] =	sst s2  }
0x8f: {  	_ = 	snop  }
0x90: {  	s18 =	sld [smem:$0x3FD0];
	(tm) =	ssettm $0x1  }
0x91: {  	s19 =	sld [smem:$0x3FFB];
	_ =	sdelay $0x3  }
0x92: {  	_ =	strace s19  }
0x93: {  	s2 =	sld [smem:$0x3FFC];
	_ =	sdelay $0x3  }
0x94: {  	_ =	strace s2  }
0x95: {  	s2 =	sld [smem:$0x3FFD];
	_ =	sdelay $0x3  }
0x96: {  	_ =	strace s2  }
0x97: {  	_ =	strace $0x8FFFFFFF  }
0x98: {  	s20 =	sld [smem:$0x3FDB];
	_ =	sdelay $0x1  }
0x99: {  	s4 =	simm.s32 $_scs_section_size  }
0x9a: {  	s5 =	simm.s32 $_size__tile_overlayer_lowered;
	s6 =	simm.s32 $_tile_overlayer_lowered  }
0x9b: {  	s7 =	simm.s32 $0x1BFF;
	s21 =	sshll.u32 s6, $0x1;
	s4 =	sadd.s32 s4, s20  }
0x9c: {  	s22 =	simm.s32 $0x0;
	s5 =	sshll.u32 s5, $0x1;
	s6 =	sadd.s32 s21, s4  }
0x9d: {  	[timem:s22], [sflag:s7] =	dma.local [hbm:s6], s5  }
0x9e: {  	_ =	swait.ge [sflag:s7], s5  }
0x9f: {  	s5 =	ssub.s32 $0x0, s5;
	[sflag:s7] =	ssyncset.done $0x0  }
0xa0: {  	[sflag:s7] =	ssyncadd.s32 s5;
	_ =	sdelay $0x1  }
0xa1: {  	s23 =	simm.s32 $0x1B8B  }
0xa2: {  	_ =	swait.ge [sflag:s23], $0x1  }
0xa3: {  	[sflag:s23] =	ssyncset.done $0x0  }
0xa4: {  	[sflag:s23] =	ssyncadd.s32 $0xFFFFFFFF  }
0xa5: {  	s5 =	sld [smem:$0x0]  }
0xa6: {  	s6 =	sand.u32 $0xFFFFFFFE, s1  }
0xa7: {  	p0 =	sne.s32 s1, s6  }
0xa8: {  	s6 =	sshll.u32 @p0 s6, $0xE  }
0xa9: {  	s6 =	sadd.s32 @p0 $0x11B8D, s6;
	s7 =	sshll.u32 @p0 s5, $0x11  }
0xaa: {  	s6 =	sor.u32 @p0 s7, s6  }
0xab: {  	[sflag:s6] =	ssyncadd.remote.s32 @p0 $0x1;
	_ =	sdelay $0x1  }
0xac: {  	s6 =	simm.s32 @p0 $0x1B8D  }
0xad: {  	_ =	swait.eq @p0 [sflag:s6], $0x1  }
0xae: {  	[sflag:s6] =	ssyncadd.s32 @p0 $0xFFFFFFFF  }
0xaf: {  	s7 =	sshll.u32 @!p0 s1, $0xE  }
0xb0: {  	s7 =	sor.u32 @!p0 $0x4000, s7;
	s6 =	simm.s32 @!p0 $0x1B8D  }
0xb1: {  	s5 =	sshll.u32 @!p0 s5, $0x11;
	s7 =	sadd.s32 @!p0 $0x11B8D, s7;
	_ =	swait.eq @!p0 [sflag:s6], $0x1  }
0xb2: {  	s5 =	sor.u32 @!p0 s5, s7;
	[sflag:s6] =	ssyncadd.s32 @!p0 $0xFFFFFFFF  }
0xb3: {  	s25 =	simm.s32 $0x1B8E;
	s24 =	sld [smem:$0x3FFE];
	[sflag:s5] =	ssyncadd.remote.s32 @!p0 $0x1  }
0xb4: {  	s26 =	simm.s32 $execute0_lowered;
	[smem:$0x3FD2] =	sst s25  }
0xb5: {  	s6 =	sshll.u32 s26, $0x1;
	_ =	strace $0x8000004F;
	[dreg:$0x1] =	wrdreg $0xFFFFFFFF  }
0xb6: {  	s28 =	simm.s32 $_size_execute0_lowered;
	s4 =	sadd.s32 s4, s6;
	[dreg:$0x0] =	wrdreg $0x0  }
0xb7: {  	s6 =	sshll.u32 s28, $0x1;
	[dreg:$0x2] =	wrdreg s4  }
0xb8: {  	[dreg:$0x3] =	wrdreg s6  }
0xb9: {  	[dreg:$0x4] =	wrdreg $0xC0  }
0xba: {  	_ =	task [dreg:s22], $0x5FFFF  }
0xbb: {  	[dreg:$0x1] =	wrdreg $0xFFFFFFFF  }
0xbc: {  	[dreg:$0x0] =	wrdreg $0x60  }
0xbd: {  	[dreg:$0x2] =	wrdreg s24  }
0xbe: {  	[dreg:$0x3] =	wrdreg s18  }
0xbf: {  	[dreg:$0x4] =	wrdreg $0x51800  }
0xc0: {  	[dreg:$0x5] =	wrdreg $0xA  }
0xc1: {  	_ =	task.clear_ibuf [dreg:s22], $0x6FFFF;
	_ =	strace $0x9000004F  }
0xc2: {  	s29 =	simm.s32 $0xA;
	_ =	strace $0x80000051  }
0xc3: {  	_ =	swait.ge [sflag:s29], $0x1  }
0xc4: {  	[sflag:s29] =	ssyncadd.s32 $0xFFFFFFFF  }
0xc5: {  	_ =	strace $0x90000051  }
0xc6: {  	_ =	sfence  }
0xc7: {  	s30 =	sld [smem:$0x0];
	_ =	sdelay $0x2  }
0xc8: {  	s31 =	sshll.u32 s1, $0xD;
	s1 =	sshrl.u32 s1, $0x2  }
0xc9: {  	s4 =	sand.u32 $0x4000, s31;
	s1 =	sadd.s32 s1, s30  }
0xca: {  	s0 =	sor.u32 s4, s0;
	s1 =	sshll.u32 s1, $0x11  }
0xcb: {  	s0 =	sor.u32 s1, s0  }
0xcc: {  	s0 =	sadd.s32 $0x8F2B, s0  }
0xcd: {  	[sflag:s0] =	ssyncadd.remote.s32 $0x1  }
0xce: {  	_ =	sfence.sel $0xFFFF  }
0xcf: {  	[dreg:$0x0] =	wrdreg $0xFFFFFFFF;
	(pc) =	sbr.abs _section_cstart, $3  }
0xd0: {  	[dreg:$0x1] =	wrdreg $0xFFFFFFFF  }
0xd1: {  	_ =	task.clear_ibuf [dreg:s22], $0x2FFFF;
	_ =	strace $0x9FFFFFFF  }
0xd2: {  	(tm) =	ssettm $0x7FFFFFFF  }
0xd3: {  	_ =	shalt  }
tec
execute0_lowered:
.L_overlay_start_1:
0x0: {  	(tag) =	ssettag $0x1  }
0x1: {  	s5 =	rddreg [dreg:$0x0]  }
0x2: {  	s2 =	rddreg [dreg:$0x1]  }
0x3: {  	s0 =	srdreg.scid;
	s3 =	rddreg [dreg:$0x2]  }
0x4: {  	s1 =	rddreg [dreg:$0x3];
	s4 =	simm.s32 $0x0;
	s6 =	sand.u32 $0x1, s0  }
0x5: {  	s13 =	simm.s32 $0x80;
	s0 =	stileid.u32;
	s7 =	smul.u32 $0xC800, s6  }
0x6: {  	s16 =	simm.s32 $0x0;
	[smem:$0x7FF] =	sst s4;
	s8 =	smul.u32 $0xC80, s0  }
0x7: {  	s9 =	smul.u32 $0xC8000, s6;
	_ =	strace $0x80000050;
	s25 =	sshll.u32 s0, $0x9  }
0x8: {  	s10 =	ssub.s32 $0x2, s6;
	s11 =	smul.u32 $0x4400, s0;
	s6 =	sshll.u32 s6, $0xD  }
0x9: {  	s30 =	smul.u32 $0xC800, s0;
	s31 =	sshll.u32 s0, $0xC;
	s14 =	sshll.u32 s0, $0x6  }
0xa: {  	s26 =	sadd.s32 s25, s5;
	s28 =	sshrl.u32 s10, $0x1;
	s15 =	sadd.s32 s31, s3  }
0xb: {  	s14 =	sor.u32 $0x1C01, s14;
	s7 =	sadd.s32 s8, s7;
	s24 =	sadd.s32 s9, s5  }
0xc: {  	s29 =	sshrl.u32 s11, $0x2;
	s10 =	ssub.s32 s10, s28;
	s6 =	sadd.s32 s6, s26  }
0xd: {  	s11 =	simm.s32 $0x1;
	s15 =	sshrl.u32 s15, $0x3;
	s7 =	sshrl.u32 s7, $0x3  }
0xe: {  	s6 =	sadd.s32 $0x291400, s6;
	s8 =	sadd.s32 s30, s24;
	s12 =	sadd.s32 s7, s5  }
0xf: {  	s5 =	sadd.s32 s29, s3;
	s7 =	smax.u32 s10, $0x1;
	s8 =	sadd.s32 $0x540C00, s8  }
0x10: {  	s10 =	simm.s32 $0x4080;
	s9 =	sadd.s32 $0x28C800, s12;
	s12 =	simm.s32 $0x4000  }
.LBB2_1:
0x11: {  	[tilespmem:s10], [sflag:$0x1] =	stream.linear.gather [hbm4b:s2+s4], $0x1100, $0x38;
	[tilespmem:$0x6280] =	vst v63  }
0x12: {  	_ =	swait.ge [sflag:s11], $0x1100  }
0x13: {  	[sflag:s11] =	ssyncset.done $0x0  }
0x14: {  	[sflag:s11] =	ssyncadd.s32 $0xFFFFEF00  }
0x15: {  	[spmem:s5] =	stream.linear.scatter [tilespmem:s10], [sflag:$0x1], $0x1100, $0x38;
	[tilespmem:$0x6280] =	vst v63  }
0x16: {  	_ =	swait.ge [sflag:s11], $0x1100  }
0x17: {  	[sflag:s11] =	ssyncset.done $0x0  }
0x18: {  	[sflag:s11] =	ssyncadd.s32 $0xFFFFEF00  }
0x19: {  	[bflag:$0x0] =	sbarrier.arrive $0xFFFF  }
0x1a: {  	[tilespmem:s4], [sflag:$0x1] =	stream.linear.gather [hbm4b:s8+s4], $0x4000, $0x38;
	[tilespmem:$0x6280] =	vst v63  }
0x1b: {  	_ =	swait.ge [sflag:s11], $0x4000  }
0x1c: {  	[sflag:s11] =	ssyncset.done $0x0  }
0x1d: {  	s17 =	sadd.s32 $0x0, s9;
	[sflag:s11] =	ssyncadd.s32 $0xFFFFC000  }
0x1e: {  	[tilespmem:s12], [sflag:$0x1] =	stream.linear.gather [hbm4b:s17+s4], $0x80, $0x38;
	[tilespmem:$0x6280] =	vst v63  }
0x1f: {  	_ =	swait.ge [sflag:s11], $0x80  }
0x20: {  	[sflag:s11] =	ssyncset.done $0x0  }
0x21: {  	[sflag:s11] =	ssyncadd.s32 $0xFFFFFF80  }
0x22: {  	[spmem:s3] =	stream.indirect.scatter.add.f32 [tilespmem:s4], [sflag:$0x1], $0x80, s12, s13, $0xb8;
	[tilespmem:$0x6280] =	vst v63  }
0x23: {  	_ =	swait.ge [sflag:s11], $0x4000  }
0x24: {  	s18 =	smov.u32 s8;
	s17 =	simm.s32 $0x10;
	[sflag:s11] =	ssyncset.done $0x0  }
.LBB2_2:
0x25: {  	p0 =	sne.s32 s17, $0x180;
	[sflag:s11] =	ssyncadd.s32 $0xFFFFC000;
	s18 =	sadd.s32 $0x800, s18  }
0x26: {  	[tilespmem:s4], [sflag:$0x1] =	stream.linear.gather [hbm4b:s18+s4], $0x4000, $0x38;
	[tilespmem:$0x6280] =	vst v63  }
0x27: {  	s19 =	smov.u32 s17;
	s17 =	sadd.s32 $0x10, s17;
	_ =	swait.ge [sflag:s11], $0x4000  }
0x28: {  	[sflag:s11] =	ssyncset.done $0x0  }
0x29: {  	s19 =	sadd.s32 s19, s9;
	[sflag:s11] =	ssyncadd.s32 $0xFFFFC000  }
0x2a: {  	[tilespmem:s12], [sflag:$0x1] =	stream.linear.gather [hbm4b:s19+s4], $0x80, $0x38;
	[tilespmem:$0x6280] =	vst v63  }
0x2b: {  	_ =	swait.ge [sflag:s11], $0x80  }
.Ltmp0:
0x2c: {  	[sflag:s11] =	ssyncset.done $0x0;
	(pc) =	sbr.rel @p0 .LBB2_2-.Ltmp0, $4  }
0x2d: {  	[sflag:s11] =	ssyncadd.s32 $0xFFFFFF80  }
0x2e: {  	[spmem:s3] =	stream.indirect.scatter.add.f32 [tilespmem:s4], [sflag:$0x1], $0x80, s12, s13, $0xb8;
	[tilespmem:$0x6280] =	vst v63  }
0x2f: {  	_ =	swait.ge [sflag:s11], $0x4000  }
0x30: {  	[sflag:s11] =	ssyncset.done $0x0  }
0x31: {  	s16 =	sadd.s32 $0x1, s16  }
0x32: {  	[sflag:s11] =	ssyncadd.s32 $0xFFFFC000;
	p0 =	sne.s32 s16, s7  }
.Ltmp1:
0x33: {  	[bflag:$0x0] =	sbarrier.arrive $0xFFFF;
	(pc) =	sbr.rel @p0 .LBB2_1-.Ltmp1, $4  }
0x34: {  	[hbm:s6], [sflag:s14] =	dma.local [spmem:s15], $0x200  }
0x35: {  	_ =	swait.ge [sflag:s11], $0x200  }
0x36: {  	[sflag:s11] =	ssyncset.done $0x0  }
0x37: {  	[sflag:s11] =	ssyncadd.s32 $0xFFFFFE00  }
0x38: {  	_ =	sfence.sel $0x180000  }
0x39: {  	[bflag:$0x0] =	sbarrier.arrive $0xFFFF  }
0x3a: {  	p0 =	sne.s32 s0, $0x0;
	_ =	strace $0x90000050  }
0x3b: {  	s0 =	sadd.s32 @!p0 $0x100000, s1;
	[bflag:$0x2] =	sbarrier.arrive $0xFFFF  }
0x3c: {  	[sflag:s0] =	ssyncadd.tile.s32 @!p0 $0x1;
	_ =	shalt  }
.Lfunc_end2:
_tile_overlayer_lowered:
.L_overlay_start_2:
0x3d: {  	(tag) =	ssettag $0x2  }
0x3e: {  	s0 =	rddreg [dreg:$0x0];
	s2 =	stileid.u32  }
0x3f: {  	s1 =	rddreg [dreg:$0x1];
	p0 =	sne.s32 s2, $0x0  }
0x40: {  	s3 =	rddreg [dreg:$0x2];
	[bflag:$0x3] =	sbarrier.arrive $0xFFFF;
	s2 =	simm.s32 @!p0 $0x1C01  }
0x41: {  	[timem:s3], [sflag:s2] =	dma.local @!p0 [hbm:s0], s1  }
0x42: {  	s0 =	simm.s32 @!p0 $0x1  }
0x43: {  	_ =	swait.ge @!p0 [sflag:s0], s1  }
0x44: {  	s1 =	ssub.s32 @!p0 $0x0, s1;
	[sflag:s0] =	ssyncset.done @!p0 $0x0  }
0x45: {  	[sflag:s0] =	ssyncadd.s32 @!p0 s1  }
0x46: {  	[bflag:$0x3] =	sbarrier.arrive $0xFFFF  }
0x47: {  	_ =	shalt  }

// kernel: kernel.22.cloned.1.call-start
scs
__scs_entry_jumppad:
0x0: {  	(pc) =	sbr.rel $0x88, $3  }
0x1: {  	(tag) =	ssettag $0x0;
	lr =	simm.s32 $0x1  }
0x2: {  	[smem:$0x3F8E] =	sst lr;
	_ =	strace $0xD0000000  }
0x3: {  	_ = 	snop  }
0x4: {  	_ = 	snop  }
0x5: {  	_ = 	snop  }
0x6: {  	_ = 	snop  }
0x7: {  	_ = 	snop  }
__scs_overlays_trampoline_lowered:
0x8: {  	[smem:$0x3F9D] =	sst s0  }
0x9: {  	[smem:$0x3F9E] =	sst s1  }
0xa: {  	[smem:$0x3F9F] =	sst s2  }
0xb: {  	[smem:$0x3FA0] =	sst s3  }
0xc: {  	[smem:$0x3FA1] =	sst s4  }
0xd: {  	[smem:$0x3FA2] =	sst s5  }
0xe: {  	[smem:$0x3FA3] =	sst s6  }
0xf: {  	[smem:$0x3FA4] =	sst s7  }
0x10: {  	[smem:$0x3FA5] =	sst s8  }
0x11: {  	[smem:$0x3FA6] =	sst s9;
	s0 =	simm.s32 @!p0 $0x0  }
0x12: {  	s1 =	sld [smem:$0x3F8C];
	s0 =	simm.s32 @p0 $0x1  }
0x13: {  	[smem:$0x3FA7] =	sst s0;
	s0 =	simm.s32 @!p1 $0x0  }
0x14: {  	s2 =	sld [smem:$0x3F8B];
	s0 =	simm.s32 @p1 $0x1  }
0x15: {  	[smem:$0x3FA8] =	sst s0;
	s0 =	simm.s32 @!p2 $0x0  }
0x16: {  	s3 =	sld [smem:$0x3FDB];
	s0 =	simm.s32 @p2 $0x1  }
0x17: {  	s4 =	simm.s32 $0x1BF5;
	[smem:$0x3FAA] =	sst s0  }
0x18: {  	s0 =	sld [smem:$0x3F8D];
	_ =	swait.ge [sflag:s4], $0x0  }
0x19: {  	s7 =	sld [smem:$0x3F8E]  }
0x1a: {  	s8 =	sadd.s32 $0xFFFFE003, lr  }
0x1b: {  	s9 =	sadd.s32 $0xFFFFFEF7, lr;
	s5 =	simm.s32 $0xFFFFFFFF;
	p2 =	slt.u32 s8, $0xFFFFF086  }
0x1c: {  	p1 =	slt.u32 s9, $0xF7A;
	s5 =	simm.s32 @!p2 $0x0  }
0x1d: {  	s5 =	simm.s32 @p1 $0x1;
	p0 =	seq.s32 s7, s2  }
0x1e: {  	s7 =	smul.u32 @!p0 $0xF7A, s2;
	p2 =	seq.s32 @!p0 s5, $0x0  }
0x1f: {  	s9 =	smul.u32 $0xF7A, s1;
	s8 =	simm.s32 @!p0 $0x1BF5;
	p2 =	por !p2, p0  }
0x20: {  	[sflag:s8] =	ssyncset.s32 @!p0 $0xFFFFF086;
	s6 =	sadd.s32 @!p0 s3, s7;
	s7 =	simm.s32 @!p0 $0x108  }
0x21: {  	s3 =	sadd.s32 s3, s9;
	s6 =	sadd.s32 @!p0 $0x88, s6;
	s7 =	simm.s32 @p2 $0x1082  }
0x22: {  	[simem:s7], [sflag:s8] =	dma.local @!p0 [hbm:s6], $0xF7A  }
0x23: {  	s9 =	sor.u32 $0xD0000000, s2;
	s6 =	simm.s32 $0x108;
	_ =	swait.ge @!p0 [sflag:s8], $0x0  }
0x24: {  	s3 =	sadd.s32 $0x88, s3;
	s6 =	simm.s32 @!p1 $0x1082;
	[sflag:s4] =	ssyncset.s32 $0xFFFFF086  }
0x25: {  	[simem:s6], [sflag:s4] =	dma.local [hbm:s3], $0xF7A  }
0x26: {  	[smem:$0x3F8E] =	sst s1;
	(tag) =	ssettag s2;
	_ =	strace s9  }
0x27: {  	s1 =	sld [smem:$0x3F9E]  }
0x28: {  	s2 =	sld [smem:$0x3F9F]  }
0x29: {  	s4 =	sld [smem:$0x3FA1]  }
0x2a: {  	p0 =	seq.s32 s5, $0x0;
	s5 =	sld [smem:$0x3FA2]  }
0x2b: {  	s6 =	sld [smem:$0x3FA3]  }
0x2c: {  	s7 =	sld [smem:$0x3FA4]  }
0x2d: {  	s3 =	simm.s32 $0x108;
	s8 =	sld [smem:$0x3FA5]  }
0x2e: {  	s3 =	simm.s32 @!p0 $0x1082;
	s9 =	sld [smem:$0x3FA6]  }
0x2f: {  	lr =	sadd.s32 s0, s3;
	s0 =	sld [smem:$0x3F9D]  }
0x30: {  	s3 =	sld [smem:$0x3FA0]  }
0x31: {  	[smem:$0x3FA9] =	sst s10  }
0x32: {  	s10 =	sld [smem:$0x3FA7];
	_ =	sdelay $0x3  }
0x33: {  	p0 =	seq.s32 s10, $0x1;
	s10 =	sld [smem:$0x3FA9];
	_ =	sdelay $0x3  }
0x34: {  	[smem:$0x3FA9] =	sst s10  }
0x35: {  	s10 =	sld [smem:$0x3FA8];
	_ =	sdelay $0x3  }
0x36: {  	p1 =	seq.s32 s10, $0x1;
	s10 =	sld [smem:$0x3FA9];
	_ =	sdelay $0x3  }
0x37: {  	[smem:$0x3FA9] =	sst s10  }
0x38: {  	s10 =	sld [smem:$0x3FAA]  }
0x39: {  	_ = 	snop;
	(pc) =	sbr.ind lr, $3  }
0x3a: {  	_ = 	snop  }
0x3b: {  	_ = 	snop  }
0x3c: {  	p2 =	seq.s32 s10, $0x1;
	s10 =	sld [smem:$0x3FA9]  }
0x3d: {  	_ =	shalt  }
0x3e: {  	_ =	shalt  }
0x3f: {  	_ =	shalt  }
0x40: {  	_ =	shalt  }
0x41: {  	_ =	shalt  }
0x42: {  	_ =	shalt  }
0x43: {  	_ =	shalt  }
0x44: {  	_ =	shalt  }
0x45: {  	_ =	shalt  }
0x46: {  	_ =	shalt  }
0x47: {  	_ =	shalt  }
0x48: {  	_ =	shalt  }
0x49: {  	_ =	shalt  }
0x4a: {  	_ =	shalt  }
0x4b: {  	_ =	shalt  }
0x4c: {  	_ =	shalt  }
0x4d: {  	_ =	shalt  }
0x4e: {  	_ =	shalt  }
0x4f: {  	_ =	shalt  }
0x50: {  	_ =	shalt  }
0x51: {  	_ =	shalt  }
0x52: {  	_ =	shalt  }
0x53: {  	_ =	shalt  }
0x54: {  	_ =	shalt  }
0x55: {  	_ =	shalt  }
0x56: {  	_ =	shalt  }
0x57: {  	_ =	shalt  }
0x58: {  	_ =	shalt  }
0x59: {  	_ =	shalt  }
0x5a: {  	_ =	shalt  }
0x5b: {  	_ =	shalt  }
0x5c: {  	_ =	shalt  }
0x5d: {  	_ =	shalt  }
0x5e: {  	_ =	shalt  }
0x5f: {  	_ =	shalt  }
0x60: {  	_ =	shalt  }
0x61: {  	_ =	shalt  }
0x62: {  	_ =	shalt  }
0x63: {  	_ =	shalt  }
0x64: {  	_ =	shalt  }
0x65: {  	_ =	shalt  }
0x66: {  	_ =	shalt  }
0x67: {  	_ =	shalt  }
0x68: {  	_ =	shalt  }
0x69: {  	_ =	shalt  }
0x6a: {  	_ =	shalt  }
0x6b: {  	_ =	shalt  }
0x6c: {  	_ =	shalt  }
0x6d: {  	_ =	shalt  }
0x6e: {  	_ =	shalt  }
0x6f: {  	_ =	shalt  }
0x70: {  	_ =	shalt  }
0x71: {  	_ =	shalt  }
0x72: {  	_ =	shalt  }
0x73: {  	_ =	shalt  }
0x74: {  	_ =	shalt  }
0x75: {  	_ =	shalt  }
0x76: {  	_ =	shalt  }
0x77: {  	_ =	shalt  }
0x78: {  	_ =	shalt  }
0x79: {  	_ =	shalt  }
0x7a: {  	_ =	shalt  }
0x7b: {  	_ =	shalt  }
0x7c: {  	_ =	shalt  }
0x7d: {  	_ =	shalt  }
0x7e: {  	_ =	shalt  }
0x7f: {  	_ =	shalt  }
0x80: {  	_ =	shalt  }
0x81: {  	_ =	shalt  }
0x82: {  	_ =	shalt  }
0x83: {  	_ =	shalt  }
0x84: {  	_ =	shalt  }
0x85: {  	_ =	shalt  }
0x86: {  	_ =	shalt  }
0x87: {  	_ =	shalt  }
.Lfunc_end0:
.L_simem_size_0:
called_computation.4_lowered:
.L_overlay_start_0:
0x88: {  	s2 =	sld [smem:$0x3FD9]  }
0x89: {  	s3 =	sld [smem:$0x3FFE];
	_ =	sdelay $0x1  }
0x8a: {  	s1 =	srdreg.scid  }
0x8b: {  	s0 =	sand.u32 $0x1, s1  }
0x8c: {  	s17 =	sshll.u32 s0, $0xA;
	s2 =	sadd.s32 s3, s2  }
0x8d: {  	s2 =	sadd.s32 s2, s17  }
0x8e: {  	[smem:$0x3FB5] =	sst s2  }
0x8f: {  	_ = 	snop  }
0x90: {  	s18 =	sld [smem:$0x3FD0];
	(tm) =	ssettm $0x1  }
0x91: {  	s19 =	sld [smem:$0x3FFB];
	_ =	sdelay $0x3  }
0x92: {  	_ =	strace s19  }
0x93: {  	s2 =	sld [smem:$0x3FFC];
	_ =	sdelay $0x3  }
0x94: {  	_ =	strace s2  }
0x95: {  	s2 =	sld [smem:$0x3FFD];
	_ =	sdelay $0x3  }
0x96: {  	_ =	strace s2  }
0x97: {  	_ =	strace $0x8FFFFFFF  }
0x98: {  	s20 =	sld [smem:$0x3FDB];
	_ =	sdelay $0x1  }
0x99: {  	s4 =	simm.s32 $_scs_section_size  }
0x9a: {  	s5 =	simm.s32 $_size__tile_overlayer_lowered;
	s6 =	simm.s32 $_tile_overlayer_lowered  }
0x9b: {  	s7 =	simm.s32 $0x1BFF;
	s21 =	sshll.u32 s6, $0x1;
	s4 =	sadd.s32 s4, s20  }
0x9c: {  	s22 =	simm.s32 $0x0;
	s5 =	sshll.u32 s5, $0x1;
	s6 =	sadd.s32 s21, s4  }
0x9d: {  	[timem:s22], [sflag:s7] =	dma.local [hbm:s6], s5  }
0x9e: {  	_ =	swait.ge [sflag:s7], s5  }
0x9f: {  	s5 =	ssub.s32 $0x0, s5;
	[sflag:s7] =	ssyncset.done $0x0  }
0xa0: {  	[sflag:s7] =	ssyncadd.s32 s5;
	_ =	sdelay $0x1  }
0xa1: {  	s23 =	simm.s32 $0x1B8B  }
0xa2: {  	_ =	swait.ge [sflag:s23], $0x1  }
0xa3: {  	[sflag:s23] =	ssyncset.done $0x0  }
0xa4: {  	[sflag:s23] =	ssyncadd.s32 $0xFFFFFFFF  }
0xa5: {  	s5 =	sld [smem:$0x0]  }
0xa6: {  	s6 =	sand.u32 $0xFFFFFFFE, s1  }
0xa7: {  	p0 =	sne.s32 s1, s6  }
0xa8: {  	s6 =	sshll.u32 @p0 s6, $0xE  }
0xa9: {  	s6 =	sadd.s32 @p0 $0x11B8D, s6;
	s7 =	sshll.u32 @p0 s5, $0x11  }
0xaa: {  	s6 =	sor.u32 @p0 s7, s6  }
0xab: {  	[sflag:s6] =	ssyncadd.remote.s32 @p0 $0x1;
	_ =	sdelay $0x1  }
0xac: {  	s6 =	simm.s32 @p0 $0x1B8D  }
0xad: {  	_ =	swait.eq @p0 [sflag:s6], $0x1  }
0xae: {  	[sflag:s6] =	ssyncadd.s32 @p0 $0xFFFFFFFF  }
0xaf: {  	s7 =	sshll.u32 @!p0 s1, $0xE  }
0xb0: {  	s7 =	sor.u32 @!p0 $0x4000, s7;
	s6 =	simm.s32 @!p0 $0x1B8D  }
0xb1: {  	s5 =	sshll.u32 @!p0 s5, $0x11;
	s7 =	sadd.s32 @!p0 $0x11B8D, s7;
	_ =	swait.eq @!p0 [sflag:s6], $0x1  }
0xb2: {  	s5 =	sor.u32 @!p0 s5, s7;
	[sflag:s6] =	ssyncadd.s32 @!p0 $0xFFFFFFFF  }
0xb3: {  	s25 =	simm.s32 $0x1B8E;
	s24 =	sld [smem:$0x3FFE];
	[sflag:s5] =	ssyncadd.remote.s32 @!p0 $0x1  }
0xb4: {  	s26 =	simm.s32 $execute0_lowered;
	[smem:$0x3FD2] =	sst s25  }
0xb5: {  	s6 =	sshll.u32 s26, $0x1;
	_ =	strace $0x80000052;
	[dreg:$0x1] =	wrdreg $0xFFFFFFFF  }
0xb6: {  	s28 =	simm.s32 $_size_execute0_lowered;
	s4 =	sadd.s32 s4, s6;
	[dreg:$0x0] =	wrdreg $0x0  }
0xb7: {  	s6 =	sshll.u32 s28, $0x1;
	[dreg:$0x2] =	wrdreg s4  }
0xb8: {  	[dreg:$0x3] =	wrdreg s6  }
0xb9: {  	[dreg:$0x4] =	wrdreg $0xC0  }
0xba: {  	_ =	task [dreg:s22], $0x5FFFF  }
0xbb: {  	[dreg:$0x1] =	wrdreg $0xFFFFFFFF  }
0xbc: {  	[dreg:$0x0] =	wrdreg $0x60  }
0xbd: {  	[dreg:$0x2] =	wrdreg s24  }
0xbe: {  	[dreg:$0x3] =	wrdreg s18  }
0xbf: {  	[dreg:$0x4] =	wrdreg $0x51800  }
0xc0: {  	[dreg:$0x5] =	wrdreg $0xB  }
0xc1: {  	_ =	task.clear_ibuf [dreg:s22], $0x6FFFF;
	_ =	strace $0x90000052  }
0xc2: {  	s29 =	simm.s32 $0xB;
	_ =	strace $0x80000054  }
0xc3: {  	_ =	swait.ge [sflag:s29], $0x1  }
0xc4: {  	[sflag:s29] =	ssyncadd.s32 $0xFFFFFFFF  }
0xc5: {  	_ =	strace $0x90000054  }
0xc6: {  	_ =	sfence  }
0xc7: {  	s30 =	sld [smem:$0x0];
	_ =	sdelay $0x2  }
0xc8: {  	s31 =	sshll.u32 s1, $0xD;
	s1 =	sshrl.u32 s1, $0x2  }
0xc9: {  	s4 =	sand.u32 $0x4000, s31;
	s1 =	sadd.s32 s1, s30  }
0xca: {  	s0 =	sor.u32 s4, s0;
	s1 =	sshll.u32 s1, $0x11  }
0xcb: {  	s0 =	sor.u32 s1, s0  }
0xcc: {  	s0 =	sadd.s32 $0x8F2B, s0  }
0xcd: {  	[sflag:s0] =	ssyncadd.remote.s32 $0x1  }
0xce: {  	_ =	sfence.sel $0xFFFF  }
0xcf: {  	[dreg:$0x0] =	wrdreg $0xFFFFFFFF;
	(pc) =	sbr.abs _section_cstart, $3  }
0xd0: {  	[dreg:$0x1] =	wrdreg $0xFFFFFFFF  }
0xd1: {  	_ =	task.clear_ibuf [dreg:s22], $0x2FFFF;
	_ =	strace $0x9FFFFFFF  }
0xd2: {  	(tm) =	ssettm $0x7FFFFFFF  }
0xd3: {  	_ =	shalt  }
tec
execute0_lowered:
.L_overlay_start_1:
0x0: {  	(tag) =	ssettag $0x1  }
0x1: {  	s5 =	rddreg [dreg:$0x0]  }
0x2: {  	s2 =	rddreg [dreg:$0x1]  }
0x3: {  	s0 =	srdreg.scid;
	s3 =	rddreg [dreg:$0x2]  }
0x4: {  	s1 =	rddreg [dreg:$0x3];
	s4 =	simm.s32 $0x0;
	s6 =	sand.u32 $0x1, s0  }
0x5: {  	s13 =	simm.s32 $0x80;
	s0 =	stileid.u32;
	s7 =	smul.u32 $0xC800, s6  }
0x6: {  	s16 =	simm.s32 $0x0;
	[smem:$0x7FF] =	sst s4;
	s8 =	smul.u32 $0xC80, s0  }
0x7: {  	s9 =	smul.u32 $0xC8000, s6;
	_ =	strace $0x80000053;
	s25 =	sshll.u32 s0, $0x9  }
0x8: {  	s10 =	ssub.s32 $0x2, s6;
	s11 =	smul.u32 $0x4400, s0;
	s6 =	sshll.u32 s6, $0xD  }
0x9: {  	s30 =	smul.u32 $0xC800, s0;
	s31 =	sshll.u32 s0, $0xC;
	s14 =	sshll.u32 s0, $0x6  }
0xa: {  	s26 =	sadd.s32 s25, s5;
	s28 =	sshrl.u32 s10, $0x1;
	s15 =	sadd.s32 s31, s3  }
0xb: {  	s14 =	sor.u32 $0x1C01, s14;
	s7 =	sadd.s32 s8, s7;
	s24 =	sadd.s32 s9, s5  }
0xc: {  	s29 =	sshrl.u32 s11, $0x2;
	s10 =	ssub.s32 s10, s28;
	s6 =	sadd.s32 s6, s26  }
0xd: {  	s11 =	simm.s32 $0x1;
	s15 =	sshrl.u32 s15, $0x3;
	s7 =	sshrl.u32 s7, $0x3  }
0xe: {  	s6 =	sadd.s32 $0x425600, s6;
	s8 =	sadd.s32 s30, s24;
	s12 =	sadd.s32 s7, s5  }
0xf: {  	s5 =	sadd.s32 s29, s3;
	s7 =	smax.u32 s10, $0x1;
	s8 =	sadd.s32 $0x295600, s8  }
0x10: {  	s10 =	simm.s32 $0x4080;
	s9 =	sadd.s32 $0x28C800, s12;
	s12 =	simm.s32 $0x4000  }
.LBB2_1:
0x11: {  	[tilespmem:s10], [sflag:$0x1] =	stream.linear.gather [hbm4b:s2+s4], $0x1100, $0x38;
	[tilespmem:$0x6280] =	vst v63  }
0x12: {  	_ =	swait.ge [sflag:s11], $0x1100  }
0x13: {  	[sflag:s11] =	ssyncset.done $0x0  }
0x14: {  	[sflag:s11] =	ssyncadd.s32 $0xFFFFEF00  }
0x15: {  	[spmem:s5] =	stream.linear.scatter [tilespmem:s10], [sflag:$0x1], $0x1100, $0x38;
	[tilespmem:$0x6280] =	vst v63  }
0x16: {  	_ =	swait.ge [sflag:s11], $0x1100  }
0x17: {  	[sflag:s11] =	ssyncset.done $0x0  }
0x18: {  	[sflag:s11] =	ssyncadd.s32 $0xFFFFEF00  }
0x19: {  	[bflag:$0x0] =	sbarrier.arrive $0xFFFF  }
0x1a: {  	[tilespmem:s4], [sflag:$0x1] =	stream.linear.gather [hbm4b:s8+s4], $0x4000, $0x38;
	[tilespmem:$0x6280] =	vst v63  }
0x1b: {  	_ =	swait.ge [sflag:s11], $0x4000  }
0x1c: {  	[sflag:s11] =	ssyncset.done $0x0  }
0x1d: {  	s17 =	sadd.s32 $0x0, s9;
	[sflag:s11] =	ssyncadd.s32 $0xFFFFC000  }
0x1e: {  	[tilespmem:s12], [sflag:$0x1] =	stream.linear.gather [hbm4b:s17+s4], $0x80, $0x38;
	[tilespmem:$0x6280] =	vst v63  }
0x1f: {  	_ =	swait.ge [sflag:s11], $0x80  }
0x20: {  	[sflag:s11] =	ssyncset.done $0x0  }
0x21: {  	[sflag:s11] =	ssyncadd.s32 $0xFFFFFF80  }
0x22: {  	[spmem:s3] =	stream.indirect.scatter.add.f32 [tilespmem:s4], [sflag:$0x1], $0x80, s12, s13, $0xb8;
	[tilespmem:$0x6280] =	vst v63  }
0x23: {  	_ =	swait.ge [sflag:s11], $0x4000  }
0x24: {  	s18 =	smov.u32 s8;
	s17 =	simm.s32 $0x10;
	[sflag:s11] =	ssyncset.done $0x0  }
.LBB2_2:
0x25: {  	p0 =	sne.s32 s17, $0x180;
	[sflag:s11] =	ssyncadd.s32 $0xFFFFC000;
	s18 =	sadd.s32 $0x800, s18  }
0x26: {  	[tilespmem:s4], [sflag:$0x1] =	stream.linear.gather [hbm4b:s18+s4], $0x4000, $0x38;
	[tilespmem:$0x6280] =	vst v63  }
0x27: {  	s19 =	smov.u32 s17;
	s17 =	sadd.s32 $0x10, s17;
	_ =	swait.ge [sflag:s11], $0x4000  }
0x28: {  	[sflag:s11] =	ssyncset.done $0x0  }
0x29: {  	s19 =	sadd.s32 s19, s9;
	[sflag:s11] =	ssyncadd.s32 $0xFFFFC000  }
0x2a: {  	[tilespmem:s12], [sflag:$0x1] =	stream.linear.gather [hbm4b:s19+s4], $0x80, $0x38;
	[tilespmem:$0x6280] =	vst v63  }
0x2b: {  	_ =	swait.ge [sflag:s11], $0x80  }
.Ltmp0:
0x2c: {  	[sflag:s11] =	ssyncset.done $0x0;
	(pc) =	sbr.rel @p0 .LBB2_2-.Ltmp0, $4  }
0x2d: {  	[sflag:s11] =	ssyncadd.s32 $0xFFFFFF80  }
0x2e: {  	[spmem:s3] =	stream.indirect.scatter.add.f32 [tilespmem:s4], [sflag:$0x1], $0x80, s12, s13, $0xb8;
	[tilespmem:$0x6280] =	vst v63  }
0x2f: {  	_ =	swait.ge [sflag:s11], $0x4000  }
0x30: {  	[sflag:s11] =	ssyncset.done $0x0  }
0x31: {  	s16 =	sadd.s32 $0x1, s16  }
0x32: {  	[sflag:s11] =	ssyncadd.s32 $0xFFFFC000;
	p0 =	sne.s32 s16, s7  }
.Ltmp1:
0x33: {  	[bflag:$0x0] =	sbarrier.arrive $0xFFFF;
	(pc) =	sbr.rel @p0 .LBB2_1-.Ltmp1, $4  }
0x34: {  	[hbm:s6], [sflag:s14] =	dma.local [spmem:s15], $0x200  }
0x35: {  	_ =	swait.ge [sflag:s11], $0x200  }
0x36: {  	[sflag:s11] =	ssyncset.done $0x0  }
0x37: {  	[sflag:s11] =	ssyncadd.s32 $0xFFFFFE00  }
0x38: {  	_ =	sfence.sel $0x180000  }
0x39: {  	[bflag:$0x0] =	sbarrier.arrive $0xFFFF  }
0x3a: {  	p0 =	sne.s32 s0, $0x0;
	_ =	strace $0x90000053  }
0x3b: {  	s0 =	sadd.s32 @!p0 $0x100000, s1;
	[bflag:$0x2] =	sbarrier.arrive $0xFFFF  }
0x3c: {  	[sflag:s0] =	ssyncadd.tile.s32 @!p0 $0x1;
	_ =	shalt  }
.Lfunc_end2:
_tile_overlayer_lowered:
.L_overlay_start_2:
0x3d: {  	(tag) =	ssettag $0x2  }
0x3e: {  	s0 =	rddreg [dreg:$0x0];
	s2 =	stileid.u32  }
0x3f: {  	s1 =	rddreg [dreg:$0x1];
	p0 =	sne.s32 s2, $0x0  }
0x40: {  	s3 =	rddreg [dreg:$0x2];
	[bflag:$0x3] =	sbarrier.arrive $0xFFFF;
	s2 =	simm.s32 @!p0 $0x1C01  }
0x41: {  	[timem:s3], [sflag:s2] =	dma.local @!p0 [hbm:s0], s1  }
0x42: {  	s0 =	simm.s32 @!p0 $0x1  }
0x43: {  	_ =	swait.ge @!p0 [sflag:s0], s1  }
0x44: {  	s1 =	ssub.s32 @!p0 $0x0, s1;
	[sflag:s0] =	ssyncset.done @!p0 $0x0  }
0x45: {  	[sflag:s0] =	ssyncadd.s32 @!p0 s1  }
0x46: {  	[bflag:$0x3] =	sbarrier.arrive $0xFFFF  }
0x47: {  	_ =	shalt  }

</sc_bundles>
